<compile_context>
chip_gen: v7x
topology: tpu7x:2x2x1
jax: 0.10.2.dev20260603
libtpu: 0.0.44.dev20260713+nightly
codegen_flags: <defaults>
</compile_context>

<pallas_src>
import functools

import jax
import jax.numpy as jnp
from jax import lax
from jax.experimental import pallas as pl
from jax.experimental.pallas import tpu as pltpu
from jax.experimental.pallas import tpu_sc as plsc

B = 16384
EMBED = 64
PAIR = 2 * EMBED

TBLK = 26624
HALFB = TBLK // 2
NTB = 38
NPACK = NTB * HALFB

NC, NS = 2, 16
NW = NC * NS
B_PER_W = B // NW


def _pack_body(xa_ref, xb_ref, o_ref):
    o_ref[...] = jnp.transpose(
        jnp.concatenate([xa_ref[...], xb_ref[...]], axis=0))


def _pack_table(tab_t):
    n = tab_t.shape[1]
    last = n // HALFB
    return pl.pallas_call(
        _pack_body,
        grid=(NTB,),
        in_specs=[
            pl.BlockSpec((EMBED, HALFB),
                         lambda i: (0, jnp.minimum(2 * i, last - 1))),
            pl.BlockSpec((EMBED, HALFB),
                         lambda i: (0, jnp.minimum(2 * i + 1, last))),
        ],
        out_specs=pl.BlockSpec((HALFB, PAIR), lambda i: (i, 0)),
        out_shape=jax.ShapeDtypeStruct((NPACK, PAIR), jnp.float32),
        compiler_params=pltpu.CompilerParams(
            dimension_semantics=("arbitrary",)),
    )(tab_t, tab_t)


@functools.cache
def _make_sc_gather():
    mesh = plsc.VectorSubcoreMesh(
        core_axis_name="c", subcore_axis_name="s",
        num_cores=NC, num_subcores=NS)

    @functools.partial(
        pl.kernel,
        mesh=mesh,
        out_type=jax.ShapeDtypeStruct((B, 2 * PAIR), jnp.float32),
        scratch_types=[
            pltpu.VMEM((B_PER_W,), jnp.int32),
            pltpu.VMEM((B_PER_W,), jnp.int32),
            pltpu.VMEM((B_PER_W // 2, 2 * PAIR), jnp.float32),
            pltpu.SemaphoreType.DMA,
        ],
    )
    def _sc_gather(user_idx, item_idx, user_tab, item_tab,
                   out, uidx_v, iidx_v, rowsbuf, sem):
        wid = lax.axis_index("s") * NC + lax.axis_index("c")
        base = wid * B_PER_W
        pltpu.sync_copy(user_idx.at[pl.ds(base, B_PER_W)], uidx_v)
        pltpu.sync_copy(item_idx.at[pl.ds(base, B_PER_W)], iidx_v)

        half = B_PER_W // 2
        for h in range(2):
            def body(j, _, h=h):
                k0 = h * half + j * 16
                uv = uidx_v[pl.ds(k0, 16)]
                iv = iidx_v[pl.ds(k0, 16)]
                for l in range(16):
                    pltpu.async_copy(
                        user_tab.at[uv[l]],
                        rowsbuf.at[j * 16 + l, pl.ds(0, PAIR)], sem)
                    pltpu.async_copy(
                        item_tab.at[iv[l]],
                        rowsbuf.at[j * 16 + l, pl.ds(PAIR, PAIR)], sem)
                return 0

            lax.fori_loop(0, half // 16, body, 0)
            pltpu.make_async_copy(out.at[pl.ds(0, half)], rowsbuf, sem).wait()
            pltpu.sync_copy(rowsbuf, out.at[pl.ds(base + h * half, half)])

    return _sc_gather


def _mlp_body(x_ref, up_ref, ip_ref, w1u_ref, w1v_ref, b1_ref, w2_ref,
              b2_ref, w3_ref, b3_ref, out_ref):
    x = x_ref[...]
    u = jnp.where(up_ref[...] > 0, x[:, EMBED:PAIR], x[:, 0:EMBED])
    v = jnp.where(ip_ref[...] > 0, x[:, PAIR + EMBED:], x[:, PAIR:PAIR + EMBED])
    h1 = jnp.dot(u, w1u_ref[...], preferred_element_type=jnp.float32)
    h1 += jnp.dot(v, w1v_ref[...], preferred_element_type=jnp.float32)
    h1 = jnp.maximum(h1 + b1_ref[...], 0.0)
    h2 = jnp.dot(h1, w2_ref[...], preferred_element_type=jnp.float32)
    h2 = jnp.maximum(h2 + b2_ref[...], 0.0)
    logit = jnp.sum(h2 * w3_ref[...], axis=1, keepdims=True) + b3_ref[...]
    out_ref[...] = 5.0 / (1.0 + jnp.exp(-logit))


def _tc_mlp(x, upar, ipar, W1, b1, W2, b2, W3, b3):
    blk = 2048
    grid = (B // blk,)
    full = lambda shape: pl.BlockSpec(shape, lambda i: (0, 0))
    return pl.pallas_call(
        _mlp_body,
        grid=grid,
        in_specs=[
            pl.BlockSpec((blk, 2 * PAIR), lambda i: (i, 0)),
            pl.BlockSpec((blk, 1), lambda i: (i, 0)),
            pl.BlockSpec((blk, 1), lambda i: (i, 0)),
            full((EMBED, 128)),
            full((EMBED, 128)),
            full((1, 128)),
            full((128, 64)),
            full((1, 64)),
            full((1, 64)),
            full((1, 1)),
        ],
        out_specs=pl.BlockSpec((blk, 1), lambda i: (i, 0)),
        out_shape=jax.ShapeDtypeStruct((B, 1), jnp.float32),
    )(x, upar, ipar, W1[:EMBED], W1[EMBED:], b1.reshape(1, -1),
      W2, b2.reshape(1, -1), W3.reshape(1, -1), b3.reshape(1, 1))


def _split_idx(idx, n):
    b = idx // TBLK
    start = jnp.minimum(b * TBLK, (n // HALFB - 1) * HALFB)
    w = idx - start
    pr = b * HALFB + w % HALFB
    half = (w // HALFB).astype(jnp.int32).reshape(B, 1)
    return pr, half


def kernel(user_input, item_input, user_table, item_table, W1, b1, W2, b2, W3, b3):
    user_packed = _pack_table(user_table.T)
    item_packed = _pack_table(item_table.T)
    upr, upar = _split_idx(user_input, user_table.shape[0])
    ipr, ipar = _split_idx(item_input, item_table.shape[0])
    x = _make_sc_gather()(upr, ipr, user_packed, item_packed)
    return _tc_mlp(x, upar, ipar, W1, b1, W2, b2, W3, b3)

# --- scband reference (transcript-rebuilt; emitter-appended) ---
"""Pipeline reference for scband-neu-mfmodel-79800492360334 (READ-ONLY COPY).

The authoritative reference and input builder live on the scoring server;
editing this copy changes nothing except your own understanding.
"""

import jax, jax.numpy as jnp
import numpy as np

NUM_USERS = 1000000
NUM_ITEMS = 1000000
EMBED = 64
BATCH = 16384


def setup_inputs(seed: int = 0) -> dict:
    key = jax.random.key(seed)
    ks = jax.random.split(key, 10)
    user_input = jax.random.randint(ks[0], (BATCH,), 0, NUM_USERS, dtype=jnp.int64 if jax.config.jax_enable_x64 else jnp.int32).astype(jnp.int32)
    item_input = jax.random.randint(ks[1], (BATCH,), 0, NUM_ITEMS, dtype=jnp.int64 if jax.config.jax_enable_x64 else jnp.int32).astype(jnp.int32)
    user_table = jax.random.normal(ks[2], (NUM_USERS, EMBED), dtype=jnp.float32) * 0.05
    item_table = jax.random.normal(ks[3], (NUM_ITEMS, EMBED), dtype=jnp.float32) * 0.05
    W1 = jax.random.normal(ks[4], (2 * EMBED, 128), dtype=jnp.float32) * 0.05
    b1 = jnp.zeros((128,), dtype=jnp.float32)
    W2 = jax.random.normal(ks[5], (128, 64), dtype=jnp.float32) * 0.05
    b2 = jnp.zeros((64,), dtype=jnp.float32)
    W3 = jax.random.normal(ks[6], (64, 1), dtype=jnp.float32) * 0.05
    b3 = jnp.zeros((1,), dtype=jnp.float32)
    return {
        "user_input": user_input,
        "item_input": item_input,
        "user_table": user_table,
        "item_table": item_table,
        "W1": W1, "b1": b1,
        "W2": W2, "b2": b2,
        "W3": W3, "b3": b3,
    }


def reference(user_input, item_input, user_table, item_table, W1, b1, W2, b2, W3, b3):
    # Embedding lookups (gather)
    user_vec = jnp.take(user_table, user_input, axis=0)  # [B, EMBED]
    item_vec = jnp.take(item_table, item_input, axis=0)  # [B, EMBED]
    concat = jnp.concatenate([user_vec, item_vec], axis=-1)  # [B, 2*EMBED]
    x = jax.nn.relu(concat @ W1 + b1)
    x = jax.nn.relu(x @ W2 + b2)
    out = jax.nn.sigmoid(x @ W3 + b3) * 5.0  # [B, 1]
    return out

if __name__ == "__main__":
    import jax
    _d = setup_inputs()
    print(jax.jit(kernel)(*tuple(_d.values())))

</pallas_src>

<mosaic_0001>
#map = affine_map<(d0, d1) -> (0)>
#map1 = affine_map<(d0, d1) -> (0, 0)>
module attributes {stable_mosaic.version = 14 : i64} {
  func.func @_sc_gather(%arg0: i32, %arg1: i32, %arg2: memref<16384xi32, #tpu.memory_space<hbm>>, %arg3: memref<16384xi32, #tpu.memory_space<hbm>>, %arg4: memref<505856x128xf32, #tpu.memory_space<hbm>>, %arg5: memref<505856x128xf32, #tpu.memory_space<hbm>>, %arg6: memref<16384x256xf32, #tpu.memory_space<hbm>>, %arg7: memref<512xi32, #tpu.memory_space<vmem>>, %arg8: memref<512xi32, #tpu.memory_space<vmem>>, %arg9: memref<256x256xf32, #tpu.memory_space<vmem>>, %arg10: memref<!tpu.dma_semaphore, #tpu.memory_space<semaphore_mem>>) attributes {dimension_semantics = [#tpu.dimension_semantics<core_parallel>, #tpu.dimension_semantics<subcore_parallel>], iteration_bounds = array<i64: 2, 16>, scalar_prefetch = 0 : i64, scratch_operands = 4 : i64, tpu.core_type = #tpu.core_type<sc_vector_subcore>, window_params = [{transform_indices = #map}, {transform_indices = #map}, {transform_indices = #map1}, {transform_indices = #map1}, {transform_indices = #map1}]} {
    %mul3A = arith.constant 2 : i32
    %mul3A_0 = arith.muli %arg1, %mul3A : i32
    %add3A = arith.addi %mul3A_0, %arg0 : i32
    %mul3A_1 = arith.constant 512 : i32
    %mul3A_2 = arith.muli %add3A, %mul3A_1 : i32
    "tpu.region"() ({
      %run_scoped3A = tpu.sem_alloc : memref<!tpu.dma_semaphore, #tpu.memory_space<semaphore_mem>>
      %dma_start3A = tpu.memref_slice %arg2[%mul3A_2] : memref<16384xi32, #tpu.memory_space<hbm>> -> memref<512xi32, #tpu.memory_space<hbm>>
      %dma_start3A_31 = tpu.memref_slice %arg2[%mul3A_2] : memref<16384xi32, #tpu.memory_space<hbm>> -> memref<512xi32, #tpu.memory_space<hbm>>
      tpu.enqueue_dma source(%dma_start3A_31 : memref<512xi32, #tpu.memory_space<hbm>>) target(%arg7 : memref<512xi32, #tpu.memory_space<vmem>>) target_semaphore(%run_scoped3A : memref<!tpu.dma_semaphore, #tpu.memory_space<semaphore_mem>>)
      %dma_wait3A_32 = tpu.memref_slice %arg2[%mul3A_2] : memref<16384xi32, #tpu.memory_space<hbm>> -> memref<512xi32, #tpu.memory_space<hbm>>
      %dma_wait3A_33 = tpu.memref_slice %arg2[%mul3A_2] : memref<16384xi32, #tpu.memory_space<hbm>> -> memref<512xi32, #tpu.memory_space<hbm>>
      tpu.wait_dma2 semaphore(%run_scoped3A : memref<!tpu.dma_semaphore, #tpu.memory_space<semaphore_mem>>) src(%dma_wait3A_33 : memref<512xi32, #tpu.memory_space<hbm>>) dst(%arg7 : memref<512xi32, #tpu.memory_space<vmem>>)
      tpu.yield
    }) : () -> ()
    "tpu.region"() ({
      %run_scoped3A = tpu.sem_alloc : memref<!tpu.dma_semaphore, #tpu.memory_space<semaphore_mem>>
      %dma_start3A = tpu.memref_slice %arg3[%mul3A_2] : memref<16384xi32, #tpu.memory_space<hbm>> -> memref<512xi32, #tpu.memory_space<hbm>>
      %dma_start3A_31 = tpu.memref_slice %arg3[%mul3A_2] : memref<16384xi32, #tpu.memory_space<hbm>> -> memref<512xi32, #tpu.memory_space<hbm>>
      tpu.enqueue_dma source(%dma_start3A_31 : memref<512xi32, #tpu.memory_space<hbm>>) target(%arg8 : memref<512xi32, #tpu.memory_space<vmem>>) target_semaphore(%run_scoped3A : memref<!tpu.dma_semaphore, #tpu.memory_space<semaphore_mem>>)
      %dma_wait3A_32 = tpu.memref_slice %arg3[%mul3A_2] : memref<16384xi32, #tpu.memory_space<hbm>> -> memref<512xi32, #tpu.memory_space<hbm>>
      %dma_wait3A_33 = tpu.memref_slice %arg3[%mul3A_2] : memref<16384xi32, #tpu.memory_space<hbm>> -> memref<512xi32, #tpu.memory_space<hbm>>
      tpu.wait_dma2 semaphore(%run_scoped3A : memref<!tpu.dma_semaphore, #tpu.memory_space<semaphore_mem>>) src(%dma_wait3A_33 : memref<512xi32, #tpu.memory_space<hbm>>) dst(%arg8 : memref<512xi32, #tpu.memory_space<vmem>>)
      tpu.yield
    }) : () -> ()
    %scan3A = arith.constant 0 : i32
    %scan3A_3 = arith.constant 0 : i32
    %scan3A_4 = arith.constant 16 : i32
    %scan3A_5 = arith.addi %scan3A_3, %scan3A_4 : i32
    %scan3A_6 = arith.constant 1 : i32
    %scan3A_7 = scf.for %scan3A_31 = %scan3A_3 to %scan3A_5 step %scan3A_6 iter_args(%scan3A_32 = %scan3A) -> (i32)  : i32 {
      %mul3A_33 = arith.constant 16 : i32
      %mul3A_34 = arith.muli %scan3A_31, %mul3A_33 : i32
      %add3A_35 = arith.constant 0 : i32
      %add3A_36 = arith.addi %add3A_35, %mul3A_34 : i32
      %get3A = arith.index_cast %add3A_36 : i32 to index
      %get3A_37 = tpu.vector_load %arg7[%get3A] {strides = array<i32>} : memref<512xi32, #tpu.memory_space<vmem>>, vector<16xi32>,
      %get3A_38 = vector.shape_cast %get3A_37 : vector<16xi32> to vector<16xi32>
      %get3A_39 = arith.index_cast %add3A_36 : i32 to index
      %get3A_40 = tpu.vector_load %arg8[%get3A_39] {strides = array<i32>} : memref<512xi32, #tpu.memory_space<vmem>>, vector<16xi32>,
      %get3A_41 = vector.shape_cast %get3A_40 : vector<16xi32> to vector<16xi32>
      %slice3A = vector.extract_strided_slice %get3A_38 {offsets = [0], sizes = [1], strides = [1]} : vector<16xi32> to vector<1xi32>
      %squeeze3A = vector.extract %slice3A[0] : i32 from vector<1xi32>
      %mul3A_42 = arith.constant 16 : i32
      %mul3A_43 = arith.muli %scan3A_31, %mul3A_42 : i32
      %add3A_44 = arith.constant 0 : i32
      %add3A_45 = arith.addi %mul3A_43, %add3A_44 : i32
      %dma_start3A = arith.constant 0 : i32
      %dma_start3A_46 = tpu.memref_slice %arg9[%add3A_45, %dma_start3A] : memref<256x256xf32, #tpu.memory_space<vmem>> -> memref<1x128xf32, #tpu.memory_space<vmem>>
      %dma_start3A_47 = tpu.memref_squeeze %dma_start3A_46 : memref<1x128xf32, #tpu.memory_space<vmem>> -> memref<128xf32, #tpu.memory_space<vmem>>
      %dma_start3A_48 = arith.constant 0 : i32
      %dma_start3A_49 = tpu.memref_slice %arg4[%squeeze3A, %dma_start3A_48] : memref<505856x128xf32, #tpu.memory_space<hbm>> -> memref<1x128xf32, #tpu.memory_space<hbm>>
      %dma_start3A_50 = tpu.memref_squeeze %dma_start3A_49 : memref<1x128xf32, #tpu.memory_space<hbm>> -> memref<128xf32, #tpu.memory_space<hbm>>
      %dma_start3A_51 = arith.constant 0 : i32
      %dma_start3A_52 = tpu.memref_slice %arg9[%add3A_45, %dma_start3A_51] : memref<256x256xf32, #tpu.memory_space<vmem>> -> memref<1x128xf32, #tpu.memory_space<vmem>>
      %dma_start3A_53 = tpu.memref_squeeze %dma_start3A_52 : memref<1x128xf32, #tpu.memory_space<vmem>> -> memref<128xf32, #tpu.memory_space<vmem>>
      %dma_start3A_54 = arith.constant 0 : i32
      %dma_start3A_55 = tpu.memref_slice %arg4[%squeeze3A, %dma_start3A_54] : memref<505856x128xf32, #tpu.memory_space<hbm>> -> memref<1x128xf32, #tpu.memory_space<hbm>>
      %dma_start3A_56 = tpu.memref_squeeze %dma_start3A_55 : memref<1x128xf32, #tpu.memory_space<hbm>> -> memref<128xf32, #tpu.memory_space<hbm>>
      tpu.enqueue_dma source(%dma_start3A_56 : memref<128xf32, #tpu.memory_space<hbm>>) target(%dma_start3A_53 : memref<128xf32, #tpu.memory_space<vmem>>) target_semaphore(%arg10 : memref<!tpu.dma_semaphore, #tpu.memory_space<semaphore_mem>>)
      %slice3A_57 = vector.extract_strided_slice %get3A_41 {offsets = [0], sizes = [1], strides = [1]} : vector<16xi32> to vector<1xi32>
      %squeeze3A_58 = vector.extract %slice3A_57[0] : i32 from vector<1xi32>
      %mul3A_59 = arith.constant 16 : i32
      %mul3A_60 = arith.muli %scan3A_31, %mul3A_59 : i32
      %add3A_61 = arith.constant 0 : i32
      %add3A_62 = arith.addi %mul3A_60, %add3A_61 : i32
      %dma_start3A_63 = arith.constant 128 : i32
      %dma_start3A_64 = tpu.memref_slice %arg9[%add3A_62, %dma_start3A_63] : memref<256x256xf32, #tpu.memory_space<vmem>> -> memref<1x128xf32, #tpu.memory_space<vmem>>
      %dma_start3A_65 = tpu.memref_squeeze %dma_start3A_64 : memref<1x128xf32, #tpu.memory_space<vmem>> -> memref<128xf32, #tpu.memory_space<vmem>>
      %dma_start3A_66 = arith.constant 0 : i32
      %dma_start3A_67 = tpu.memref_slice %arg5[%squeeze3A_58, %dma_start3A_66] : memref<505856x128xf32, #tpu.memory_space<hbm>> -> memref<1x128xf32, #tpu.memory_space<hbm>>
      %dma_start3A_68 = tpu.memref_squeeze %dma_start3A_67 : memref<1x128xf32, #tpu.memory_space<hbm>> -> memref<128xf32, #tpu.memory_space<hbm>>
      %dma_start3A_69 = arith.constant 128 : i32
      %dma_start3A_70 = tpu.memref_slice %arg9[%add3A_62, %dma_start3A_69] : memref<256x256xf32, #tpu.memory_space<vmem>> -> memref<1x128xf32, #tpu.memory_space<vmem>>
      %dma_start3A_71 = tpu.memref_squeeze %dma_start3A_70 : memref<1x128xf32, #tpu.memory_space<vmem>> -> memref<128xf32, #tpu.memory_space<vmem>>
      %dma_start3A_72 = arith.constant 0 : i32
      %dma_start3A_73 = tpu.memref_slice %arg5[%squeeze3A_58, %dma_start3A_72] : memref<505856x128xf32, #tpu.memory_space<hbm>> -> memref<1x128xf32, #tpu.memory_space<hbm>>
      %dma_start3A_74 = tpu.memref_squeeze %dma_start3A_73 : memref<1x128xf32, #tpu.memory_space<hbm>> -> memref<128xf32, #tpu.memory_space<hbm>>
      tpu.enqueue_dma source(%dma_start3A_74 : memref<128xf32, #tpu.memory_space<hbm>>) target(%dma_start3A_71 : memref<128xf32, #tpu.memory_space<vmem>>) target_semaphore(%arg10 : memref<!tpu.dma_semaphore, #tpu.memory_space<semaphore_mem>>)
      %slice3A_75 = vector.extract_strided_slice %get3A_38 {offsets = [1], sizes = [1], strides = [1]} : vector<16xi32> to vector<1xi32>
      %squeeze3A_76 = vector.extract %slice3A_75[0] : i32 from vector<1xi32>
      %mul3A_77 = arith.constant 16 : i32
      %mul3A_78 = arith.muli %scan3A_31, %mul3A_77 : i32
      %add3A_79 = arith.constant 1 : i32
      %add3A_80 = arith.addi %mul3A_78, %add3A_79 : i32
      %dma_start3A_81 = arith.constant 0 : i32
      %dma_start3A_82 = tpu.memref_slice %arg9[%add3A_80, %dma_start3A_81] : memref<256x256xf32, #tpu.memory_space<vmem>> -> memref<1x128xf32, #tpu.memory_space<vmem>>
      %dma_start3A_83 = tpu.memref_squeeze %dma_start3A_82 : memref<1x128xf32, #tpu.memory_space<vmem>> -> memref<128xf32, #tpu.memory_space<vmem>>
      %dma_start3A_84 = arith.constant 0 : i32
      %dma_start3A_85 = tpu.memref_slice %arg4[%squeeze3A_76, %dma_start3A_84] : memref<505856x128xf32, #tpu.memory_space<hbm>> -> memref<1x128xf32, #tpu.memory_space<hbm>>
      %dma_start3A_86 = tpu.memref_squeeze %dma_start3A_85 : memref<1x128xf32, #tpu.memory_space<hbm>> -> memref<128xf32, #tpu.memory_space<hbm>>
      %dma_start3A_87 = arith.constant 0 : i32
      %dma_start3A_88 = tpu.memref_slice %arg9[%add3A_80, %dma_start3A_87] : memref<256x256xf32, #tpu.memory_space<vmem>> -> memref<1x128xf32, #tpu.memory_space<vmem>>
      %dma_start3A_89 = tpu.memref_squeeze %dma_start3A_88 : memref<1x128xf32, #tpu.memory_space<vmem>> -> memref<128xf32, #tpu.memory_space<vmem>>
      %dma_start3A_90 = arith.constant 0 : i32
      %dma_start3A_91 = tpu.memref_slice %arg4[%squeeze3A_76, %dma_start3A_90] : memref<505856x128xf32, #tpu.memory_space<hbm>> -> memref<1x128xf32, #tpu.memory_space<hbm>>
      %dma_start3A_92 = tpu.memref_squeeze %dma_start3A_91 : memref<1x128xf32, #tpu.memory_space<hbm>> -> memref<128xf32, #tpu.memory_space<hbm>>
      tpu.enqueue_dma source(%dma_start3A_92 : memref<128xf32, #tpu.memory_space<hbm>>) target(%dma_start3A_89 : memref<128xf32, #tpu.memory_space<vmem>>) target_semaphore(%arg10 : memref<!tpu.dma_semaphore, #tpu.memory_space<semaphore_mem>>)
      %slice3A_93 = vector.extract_strided_slice %get3A_41 {offsets = [1], sizes = [1], strides = [1]} : vector<16xi32> to vector<1xi32>
      %squeeze3A_94 = vector.extract %slice3A_93[0] : i32 from vector<1xi32>
      %mul3A_95 = arith.constant 16 : i32
      %mul3A_96 = arith.muli %scan3A_31, %mul3A_95 : i32
      %add3A_97 = arith.constant 1 : i32
      %add3A_98 = arith.addi %mul3A_96, %add3A_97 : i32
      %dma_start3A_99 = arith.constant 128 : i32
      %dma_start3A_100 = tpu.memref_slice %arg9[%add3A_98, %dma_start3A_99] : memref<256x256xf32, #tpu.memory_space<vmem>> -> memref<1x128xf32, #tpu.memory_space<vmem>>
      %dma_start3A_101 = tpu.memref_squeeze %dma_start3A_100 : memref<1x128xf32, #tpu.memory_space<vmem>> -> memref<128xf32, #tpu.memory_space<vmem>>
      %dma_start3A_102 = arith.constant 0 : i32
      %dma_start3A_103 = tpu.memref_slice %arg5[%squeeze3A_94, %dma_start3A_102] : memref<505856x128xf32, #tpu.memory_space<hbm>> -> memref<1x128xf32, #tpu.memory_space<hbm>>
      %dma_start3A_104 = tpu.memref_squeeze %dma_start3A_103 : memref<1x128xf32, #tpu.memory_space<hbm>> -> memref<128xf32, #tpu.memory_space<hbm>>
      %dma_start3A_105 = arith.constant 128 : i32
      %dma_start3A_106 = tpu.memref_slice %arg9[%add3A_98, %dma_start3A_105] : memref<256x256xf32, #tpu.memory_space<vmem>> -> memref<1x128xf32, #tpu.memory_space<vmem>>
      %dma_start3A_107 = tpu.memref_squeeze %dma_start3A_106 : memref<1x128xf32, #tpu.memory_space<vmem>> -> memref<128xf32, #tpu.memory_space<vmem>>
      %dma_start3A_108 = arith.constant 0 : i32
      %dma_start3A_109 = tpu.memref_slice %arg5[%squeeze3A_94, %dma_start3A_108] : memref<505856x128xf32, #tpu.memory_space<hbm>> -> memref<1x128xf32, #tpu.memory_space<hbm>>
      %dma_start3A_110 = tpu.memref_squeeze %dma_start3A_109 : memref<1x128xf32, #tpu.memory_space<hbm>> -> memref<128xf32, #tpu.memory_space<hbm>>
      tpu.enqueue_dma source(%dma_start3A_110 : memref<128xf32, #tpu.memory_space<hbm>>) target(%dma_start3A_107 : memref<128xf32, #tpu.memory_space<vmem>>) target_semaphore(%arg10 : memref<!tpu.dma_semaphore, #tpu.memory_space<semaphore_mem>>)
      %slice3A_111 = vector.extract_strided_slice %get3A_38 {offsets = [2], sizes = [1], strides = [1]} : vector<16xi32> to vector<1xi32>
      %squeeze3A_112 = vector.extract %slice3A_111[0] : i32 from vector<1xi32>
      %mul3A_113 = arith.constant 16 : i32
      %mul3A_114 = arith.muli %scan3A_31, %mul3A_113 : i32
      %add3A_115 = arith.constant 2 : i32
      %add3A_116 = arith.addi %mul3A_114, %add3A_115 : i32
      %dma_start3A_117 = arith.constant 0 : i32
      %dma_start3A_118 = tpu.memref_slice %arg9[%add3A_116, %dma_start3A_117] : memref<256x256xf32, #tpu.memory_space<vmem>> -> memref<1x128xf32, #tpu.memory_space<vmem>>
      %dma_start3A_119 = tpu.memref_squeeze %dma_start3A_118 : memref<1x128xf32, #tpu.memory_space<vmem>> -> memref<128xf32, #tpu.memory_space<vmem>>
      %dma_start3A_120 = arith.constant 0 : i32
      %dma_start3A_121 = tpu.memref_slice %arg4[%squeeze3A_112, %dma_start3A_120] : memref<505856x128xf32, #tpu.memory_space<hbm>> -> memref<1x128xf32, #tpu.memory_space<hbm>>
      %dma_start3A_122 = tpu.memref_squeeze %dma_start3A_121 : memref<1x128xf32, #tpu.memory_space<hbm>> -> memref<128xf32, #tpu.memory_space<hbm>>
      %dma_start3A_123 = arith.constant 0 : i32
      %dma_start3A_124 = tpu.memref_slice %arg9[%add3A_116, %dma_start3A_123] : memref<256x256xf32, #tpu.memory_space<vmem>> -> memref<1x128xf32, #tpu.memory_space<vmem>>
      %dma_start3A_125 = tpu.memref_squeeze %dma_start3A_124 : memref<1x128xf32, #tpu.memory_space<vmem>> -> memref<128xf32, #tpu.memory_space<vmem>>
      %dma_start3A_126 = arith.constant 0 : i32
      %dma_start3A_127 = tpu.memref_slice %arg4[%squeeze3A_112, %dma_start3A_126] : memref<505856x128xf32, #tpu.memory_space<hbm>> -> memref<1x128xf32, #tpu.memory_space<hbm>>
      %dma_start3A_128 = tpu.memref_squeeze %dma_start3A_127 : memref<1x128xf32, #tpu.memory_space<hbm>> -> memref<128xf32, #tpu.memory_space<hbm>>
      tpu.enqueue_dma source(%dma_start3A_128 : memref<128xf32, #tpu.memory_space<hbm>>) target(%dma_start3A_125 : memref<128xf32, #tpu.memory_space<vmem>>) target_semaphore(%arg10 : memref<!tpu.dma_semaphore, #tpu.memory_space<semaphore_mem>>)
      %slice3A_129 = vector.extract_strided_slice %get3A_41 {offsets = [2], sizes = [1], strides = [1]} : vector<16xi32> to vector<1xi32>
      %squeeze3A_130 = vector.extract %slice3A_129[0] : i32 from vector<1xi32>
      %mul3A_131 = arith.constant 16 : i32
      %mul3A_132 = arith.muli %scan3A_31, %mul3A_131 : i32
      %add3A_133 = arith.constant 2 : i32
      %add3A_134 = arith.addi %mul3A_132, %add3A_133 : i32
      %dma_start3A_135 = arith.constant 128 : i32
      %dma_start3A_136 = tpu.memref_slice %arg9[%add3A_134, %dma_start3A_135] : memref<256x256xf32, #tpu.memory_space<vmem>> -> memref<1x128xf32, #tpu.memory_space<vmem>>
      %dma_start3A_137 = tpu.memref_squeeze %dma_start3A_136 : memref<1x128xf32, #tpu.memory_space<vmem>> -> memref<128xf32, #tpu.memory_space<vmem>>
      %dma_start3A_138 = arith.constant 0 : i32
      %dma_start3A_139 = tpu.memref_slice %arg5[%squeeze3A_130, %dma_start3A_138] : memref<505856x128xf32, #tpu.memory_space<hbm>> -> memref<1x128xf32, #tpu.memory_space<hbm>>
      %dma_start3A_140 = tpu.memref_squeeze %dma_start3A_139 : memref<1x128xf32, #tpu.memory_space<hbm>> -> memref<128xf32, #tpu.memory_space<hbm>>
      %dma_start3A_141 = arith.constant 128 : i32
      %dma_start3A_142 = tpu.memref_slice %arg9[%add3A_134, %dma_start3A_141] : memref<256x256xf32, #tpu.memory_space<vmem>> -> memref<1x128xf32, #tpu.memory_space<vmem>>
      %dma_start3A_143 = tpu.memref_squeeze %dma_start3A_142 : memref<1x128xf32, #tpu.memory_space<vmem>> -> memref<128xf32, #tpu.memory_space<vmem>>
      %dma_start3A_144 = arith.constant 0 : i32
      %dma_start3A_145 = tpu.memref_slice %arg5[%squeeze3A_130, %dma_start3A_144] : memref<505856x128xf32, #tpu.memory_space<hbm>> -> memref<1x128xf32, #tpu.memory_space<hbm>>
      %dma_start3A_146 = tpu.memref_squeeze %dma_start3A_145 : memref<1x128xf32, #tpu.memory_space<hbm>> -> memref<128xf32, #tpu.memory_space<hbm>>
      tpu.enqueue_dma source(%dma_start3A_146 : memref<128xf32, #tpu.memory_space<hbm>>) target(%dma_start3A_143 : memref<128xf32, #tpu.memory_space<vmem>>) target_semaphore(%arg10 : memref<!tpu.dma_semaphore, #tpu.memory_space<semaphore_mem>>)
      %slice3A_147 = vector.extract_strided_slice %get3A_38 {offsets = [3], sizes = [1], strides = [1]} : vector<16xi32> to vector<1xi32>
      %squeeze3A_148 = vector.extract %slice3A_147[0] : i32 from vector<1xi32>
      %mul3A_149 = arith.constant 16 : i32
      %mul3A_150 = arith.muli %scan3A_31, %mul3A_149 : i32
      %add3A_151 = arith.constant 3 : i32
      %add3A_152 = arith.addi %mul3A_150, %add3A_151 : i32
      %dma_start3A_153 = arith.constant 0 : i32
      %dma_start3A_154 = tpu.memref_slice %arg9[%add3A_152, %dma_start3A_153] : memref<256x256xf32, #tpu.memory_space<vmem>> -> memref<1x128xf32, #tpu.memory_space<vmem>>
      %dma_start3A_155 = tpu.memref_squeeze %dma_start3A_154 : memref<1x128xf32, #tpu.memory_space<vmem>> -> memref<128xf32, #tpu.memory_space<vmem>>
      %dma_start3A_156 = arith.constant 0 : i32
      %dma_start3A_157 = tpu.memref_slice %arg4[%squeeze3A_148, %dma_start3A_156] : memref<505856x128xf32, #tpu.memory_space<hbm>> -> memref<1x128xf32, #tpu.memory_space<hbm>>
      %dma_start3A_158 = tpu.memref_squeeze %dma_start3A_157 : memref<1x128xf32, #tpu.memory_space<hbm>> -> memref<128xf32, #tpu.memory_space<hbm>>
      %dma_start3A_159 = arith.constant 0 : i32
      %dma_start3A_160 = tpu.memref_slice %arg9[%add3A_152, %dma_start3A_159] : memref<256x256xf32, #tpu.memory_space<vmem>> -> memref<1x128xf32, #tpu.memory_space<vmem>>
      %dma_start3A_161 = tpu.memref_squeeze %dma_start3A_160 : memref<1x128xf32, #tpu.memory_space<vmem>> -> memref<128xf32, #tpu.memory_space<vmem>>
      %dma_start3A_162 = arith.constant 0 : i32
      %dma_start3A_163 = tpu.memref_slice %arg4[%squeeze3A_148, %dma_start3A_162] : memref<505856x128xf32, #tpu.memory_space<hbm>> -> memref<1x128xf32, #tpu.memory_space<hbm>>
      %dma_start3A_164 = tpu.memref_squeeze %dma_start3A_163 : memref<1x128xf32, #tpu.memory_space<hbm>> -> memref<128xf32, #tpu.memory_space<hbm>>
      tpu.enqueue_dma source(%dma_start3A_164 : memref<128xf32, #tpu.memory_space<hbm>>) target(%dma_start3A_161 : memref<128xf32, #tpu.memory_space<vmem>>) target_semaphore(%arg10 : memref<!tpu.dma_semaphore, #tpu.memory_space<semaphore_mem>>)
      %slice3A_165 = vector.extract_strided_slice %get3A_41 {offsets = [3], sizes = [1], strides = [1]} : vector<16xi32> to vector<1xi32>
      %squeeze3A_166 = vector.extract %slice3A_165[0] : i32 from vector<1xi32>
      %mul3A_167 = arith.constant 16 : i32
      %mul3A_168 = arith.muli %scan3A_31, %mul3A_167 : i32
      %add3A_169 = arith.constant 3 : i32
      %add3A_170 = arith.addi %mul3A_168, %add3A_169 : i32
      %dma_start3A_171 = arith.constant 128 : i32
      %dma_start3A_172 = tpu.memref_slice %arg9[%add3A_170, %dma_start3A_171] : memref<256x256xf32, #tpu.memory_space<vmem>> -> memref<1x128xf32, #tpu.memory_space<vmem>>
      %dma_start3A_173 = tpu.memref_squeeze %dma_start3A_172 : memref<1x128xf32, #tpu.memory_space<vmem>> -> memref<128xf32, #tpu.memory_space<vmem>>
      %dma_start3A_174 = arith.constant 0 : i32
      %dma_start3A_175 = tpu.memref_slice %arg5[%squeeze3A_166, %dma_start3A_174] : memref<505856x128xf32, #tpu.memory_space<hbm>> -> memref<1x128xf32, #tpu.memory_space<hbm>>
      %dma_start3A_176 = tpu.memref_squeeze %dma_start3A_175 : memref<1x128xf32, #tpu.memory_space<hbm>> -> memref<128xf32, #tpu.memory_space<hbm>>
      %dma_start3A_177 = arith.constant 128 : i32
      %dma_start3A_178 = tpu.memref_slice %arg9[%add3A_170, %dma_start3A_177] : memref<256x256xf32, #tpu.memory_space<vmem>> -> memref<1x128xf32, #tpu.memory_space<vmem>>
      %dma_start3A_179 = tpu.memref_squeeze %dma_start3A_178 : memref<1x128xf32, #tpu.memory_space<vmem>> -> memref<128xf32, #tpu.memory_space<vmem>>
      %dma_start3A_180 = arith.constant 0 : i32
      %dma_start3A_181 = tpu.memref_slice %arg5[%squeeze3A_166, %dma_start3A_180] : memref<505856x128xf32, #tpu.memory_space<hbm>> -> memref<1x128xf32, #tpu.memory_space<hbm>>
      %dma_start3A_182 = tpu.memref_squeeze %dma_start3A_181 : memref<1x128xf32, #tpu.memory_space<hbm>> -> memref<128xf32, #tpu.memory_space<hbm>>
      tpu.enqueue_dma source(%dma_start3A_182 : memref<128xf32, #tpu.memory_space<hbm>>) target(%dma_start3A_179 : memref<128xf32, #tpu.memory_space<vmem>>) target_semaphore(%arg10 : memref<!tpu.dma_semaphore, #tpu.memory_space<semaphore_mem>>)
      %slice3A_183 = vector.extract_strided_slice %get3A_38 {offsets = [4], sizes = [1], strides = [1]} : vector<16xi32> to vector<1xi32>
      %squeeze3A_184 = vector.extract %slice3A_183[0] : i32 from vector<1xi32>
      %mul3A_185 = arith.constant 16 : i32
      %mul3A_186 = arith.muli %scan3A_31, %mul3A_185 : i32
      %add3A_187 = arith.constant 4 : i32
      %add3A_188 = arith.addi %mul3A_186, %add3A_187 : i32
      %dma_start3A_189 = arith.constant 0 : i32
      %dma_start3A_190 = tpu.memref_slice %arg9[%add3A_188, %dma_start3A_189] : memref<256x256xf32, #tpu.memory_space<vmem>> -> memref<1x128xf32, #tpu.memory_space<vmem>>
      %dma_start3A_191 = tpu.memref_squeeze %dma_start3A_190 : memref<1x128xf32, #tpu.memory_space<vmem>> -> memref<128xf32, #tpu.memory_space<vmem>>
      %dma_start3A_192 = arith.constant 0 : i32
      %dma_start3A_193 = tpu.memref_slice %arg4[%squeeze3A_184, %dma_start3A_192] : memref<505856x128xf32, #tpu.memory_space<hbm>> -> memref<1x128xf32, #tpu.memory_space<hbm>>
      %dma_start3A_194 = tpu.memref_squeeze %dma_start3A_193 : memref<1x128xf32, #tpu.memory_space<hbm>> -> memref<128xf32, #tpu.memory_space<hbm>>
      %dma_start3A_195 = arith.constant 0 : i32
      %dma_start3A_196 = tpu.memref_slice %arg9[%add3A_188, %dma_start3A_195] : memref<256x256xf32, #tpu.memory_space<vmem>> -> memref<1x128xf32, #tpu.memory_space<vmem>>
      %dma_start3A_197 = tpu.memref_squeeze %dma_start3A_196 : memref<1x128xf32, #tpu.memory_space<vmem>> -> memref<128xf32, #tpu.memory_space<vmem>>
      %dma_start3A_198 = arith.constant 0 : i32
      %dma_start3A_199 = tpu.memref_slice %arg4[%squeeze3A_184, %dma_start3A_198] : memref<505856x128xf32, #tpu.memory_space<hbm>> -> memref<1x128xf32, #tpu.memory_space<hbm>>
      %dma_start3A_200 = tpu.memref_squeeze %dma_start3A_199 : memref<1x128xf32, #tpu.memory_space<hbm>> -> memref<128xf32, #tpu.memory_space<hbm>>
      tpu.enqueue_dma source(%dma_start3A_200 : memref<128xf32, #tpu.memory_space<hbm>>) target(%dma_start3A_197 : memref<128xf32, #tpu.memory_space<vmem>>) target_semaphore(%arg10 : memref<!tpu.dma_semaphore, #tpu.memory_space<semaphore_mem>>)
      %slice3A_201 = vector.extract_strided_slice %get3A_41 {offsets = [4], sizes = [1], strides = [1]} : vector<16xi32> to vector<1xi32>
      %squeeze3A_202 = vector.extract %slice3A_201[0] : i32 from vector<1xi32>
      %mul3A_203 = arith.constant 16 : i32
      %mul3A_204 = arith.muli %scan3A_31, %mul3A_203 : i32
      %add3A_205 = arith.constant 4 : i32
      %add3A_206 = arith.addi %mul3A_204, %add3A_205 : i32
      %dma_start3A_207 = arith.constant 128 : i32
      %dma_start3A_208 = tpu.memref_slice %arg9[%add3A_206, %dma_start3A_207] : memref<256x256xf32, #tpu.memory_space<vmem>> -> memref<1x128xf32, #tpu.memory_space<vmem>>
      %dma_start3A_209 = tpu.memref_squeeze %dma_start3A_208 : memref<1x128xf32, #tpu.memory_space<vmem>> -> memref<128xf32, #tpu.memory_space<vmem>>
      %dma_start3A_210 = arith.constant 0 : i32
      %dma_start3A_211 = tpu.memref_slice %arg5[%squeeze3A_202, %dma_start3A_210] : memref<505856x128xf32, #tpu.memory_space<hbm>> -> memref<1x128xf32, #tpu.memory_space<hbm>>
      %dma_start3A_212 = tpu.memref_squeeze %dma_start3A_211 : memref<1x128xf32, #tpu.memory_space<hbm>> -> memref<128xf32, #tpu.memory_space<hbm>>
      %dma_start3A_213 = arith.constant 128 : i32
      %dma_start3A_214 = tpu.memref_slice %arg9[%add3A_206, %dma_start3A_213] : memref<256x256xf32, #tpu.memory_space<vmem>> -> memref<1x128xf32, #tpu.memory_space<vmem>>
      %dma_start3A_215 = tpu.memref_squeeze %dma_start3A_214 : memref<1x128xf32, #tpu.memory_space<vmem>> -> memref<128xf32, #tpu.memory_space<vmem>>
      %dma_start3A_216 = arith.constant 0 : i32
      %dma_start3A_217 = tpu.memref_slice %arg5[%squeeze3A_202, %dma_start3A_216] : memref<505856x128xf32, #tpu.memory_space<hbm>> -> memref<1x128xf32, #tpu.memory_space<hbm>>
      %dma_start3A_218 = tpu.memref_squeeze %dma_start3A_217 : memref<1x128xf32, #tpu.memory_space<hbm>> -> memref<128xf32, #tpu.memory_space<hbm>>
      tpu.enqueue_dma source(%dma_start3A_218 : memref<128xf32, #tpu.memory_space<hbm>>) target(%dma_start3A_215 : memref<128xf32, #tpu.memory_space<vmem>>) target_semaphore(%arg10 : memref<!tpu.dma_semaphore, #tpu.memory_space<semaphore_mem>>)
      %slice3A_219 = vector.extract_strided_slice %get3A_38 {offsets = [5], sizes = [1], strides = [1]} : vector<16xi32> to vector<1xi32>
      %squeeze3A_220 = vector.extract %slice3A_219[0] : i32 from vector<1xi32>
      %mul3A_221 = arith.constant 16 : i32
      %mul3A_222 = arith.muli %scan3A_31, %mul3A_221 : i32
      %add3A_223 = arith.constant 5 : i32
      %add3A_224 = arith.addi %mul3A_222, %add3A_223 : i32
      %dma_start3A_225 = arith.constant 0 : i32
      %dma_start3A_226 = tpu.memref_slice %arg9[%add3A_224, %dma_start3A_225] : memref<256x256xf32, #tpu.memory_space<vmem>> -> memref<1x128xf32, #tpu.memory_space<vmem>>
      %dma_start3A_227 = tpu.memref_squeeze %dma_start3A_226 : memref<1x128xf32, #tpu.memory_space<vmem>> -> memref<128xf32, #tpu.memory_space<vmem>>
      %dma_start3A_228 = arith.constant 0 : i32
      %dma_start3A_229 = tpu.memref_slice %arg4[%squeeze3A_220, %dma_start3A_228] : memref<505856x128xf32, #tpu.memory_space<hbm>> -> memref<1x128xf32, #tpu.memory_space<hbm>>
      %dma_start3A_230 = tpu.memref_squeeze %dma_start3A_229 : memref<1x128xf32, #tpu.memory_space<hbm>> -> memref<128xf32, #tpu.memory_space<hbm>>
      %dma_start3A_231 = arith.constant 0 : i32
      %dma_start3A_232 = tpu.memref_slice %arg9[%add3A_224, %dma_start3A_231] : memref<256x256xf32, #tpu.memory_space<vmem>> -> memref<1x128xf32, #tpu.memory_space<vmem>>
      %dma_start3A_233 = tpu.memref_squeeze %dma_start3A_232 : memref<1x128xf32, #tpu.memory_space<vmem>> -> memref<128xf32, #tpu.memory_space<vmem>>
      %dma_start3A_234 = arith.constant 0 : i32
      %dma_start3A_235 = tpu.memref_slice %arg4[%squeeze3A_220, %dma_start3A_234] : memref<505856x128xf32, #tpu.memory_space<hbm>> -> memref<1x128xf32, #tpu.memory_space<hbm>>
      %dma_start3A_236 = tpu.memref_squeeze %dma_start3A_235 : memref<1x128xf32, #tpu.memory_space<hbm>> -> memref<128xf32, #tpu.memory_space<hbm>>
      tpu.enqueue_dma source(%dma_start3A_236 : memref<128xf32, #tpu.memory_space<hbm>>) target(%dma_start3A_233 : memref<128xf32, #tpu.memory_space<vmem>>) target_semaphore(%arg10 : memref<!tpu.dma_semaphore, #tpu.memory_space<semaphore_mem>>)
      %slice3A_237 = vector.extract_strided_slice %get3A_41 {offsets = [5], sizes = [1], strides = [1]} : vector<16xi32> to vector<1xi32>
      %squeeze3A_238 = vector.extract %slice3A_237[0] : i32 from vector<1xi32>
      %mul3A_239 = arith.constant 16 : i32
      %mul3A_240 = arith.muli %scan3A_31, %mul3A_239 : i32
      %add3A_241 = arith.constant 5 : i32
      %add3A_242 = arith.addi %mul3A_240, %add3A_241 : i32
      %dma_start3A_243 = arith.constant 128 : i32
      %dma_start3A_244 = tpu.memref_slice %arg9[%add3A_242, %dma_start3A_243] : memref<256x256xf32, #tpu.memory_space<vmem>> -> memref<1x128xf32, #tpu.memory_space<vmem>>
      %dma_start3A_245 = tpu.memref_squeeze %dma_start3A_244 : memref<1x128xf32, #tpu.memory_space<vmem>> -> memref<128xf32, #tpu.memory_space<vmem>>
      %dma_start3A_246 = arith.constant 0 : i32
      %dma_start3A_247 = tpu.memref_slice %arg5[%squeeze3A_238, %dma_start3A_246] : memref<505856x128xf32, #tpu.memory_space<hbm>> -> memref<1x128xf32, #tpu.memory_space<hbm>>
      %dma_start3A_248 = tpu.memref_squeeze %dma_start3A_247 : memref<1x128xf32, #tpu.memory_space<hbm>> -> memref<128xf32, #tpu.memory_space<hbm>>
      %dma_start3A_249 = arith.constant 128 : i32
      %dma_start3A_250 = tpu.memref_slice %arg9[%add3A_242, %dma_start3A_249] : memref<256x256xf32, #tpu.memory_space<vmem>> -> memref<1x128xf32, #tpu.memory_space<vmem>>
      %dma_start3A_251 = tpu.memref_squeeze %dma_start3A_250 : memref<1x128xf32, #tpu.memory_space<vmem>> -> memref<128xf32, #tpu.memory_space<vmem>>
      %dma_start3A_252 = arith.constant 0 : i32
      %dma_start3A_253 = tpu.memref_slice %arg5[%squeeze3A_238, %dma_start3A_252] : memref<505856x128xf32, #tpu.memory_space<hbm>> -> memref<1x128xf32, #tpu.memory_space<hbm>>
      %dma_start3A_254 = tpu.memref_squeeze %dma_start3A_253 : memref<1x128xf32, #tpu.memory_space<hbm>> -> memref<128xf32, #tpu.memory_space<hbm>>
      tpu.enqueue_dma source(%dma_start3A_254 : memref<128xf32, #tpu.memory_space<hbm>>) target(%dma_start3A_251 : memref<128xf32, #tpu.memory_space<vmem>>) target_semaphore(%arg10 : memref<!tpu.dma_semaphore, #tpu.memory_space<semaphore_mem>>)
      %slice3A_255 = vector.extract_strided_slice %get3A_38 {offsets = [6], sizes = [1], strides = [1]} : vector<16xi32> to vector<1xi32>
      %squeeze3A_256 = vector.extract %slice3A_255[0] : i32 from vector<1xi32>
      %mul3A_257 = arith.constant 16 : i32
      %mul3A_258 = arith.muli %scan3A_31, %mul3A_257 : i32
      %add3A_259 = arith.constant 6 : i32
      %add3A_260 = arith.addi %mul3A_258, %add3A_259 : i32
      %dma_start3A_261 = arith.constant 0 : i32
      %dma_start3A_262 = tpu.memref_slice %arg9[%add3A_260, %dma_start3A_261] : memref<256x256xf32, #tpu.memory_space<vmem>> -> memref<1x128xf32, #tpu.memory_space<vmem>>
      %dma_start3A_263 = tpu.memref_squeeze %dma_start3A_262 : memref<1x128xf32, #tpu.memory_space<vmem>> -> memref<128xf32, #tpu.memory_space<vmem>>
      %dma_start3A_264 = arith.constant 0 : i32
      %dma_start3A_265 = tpu.memref_slice %arg4[%squeeze3A_256, %dma_start3A_264] : memref<505856x128xf32, #tpu.memory_space<hbm>> -> memref<1x128xf32, #tpu.memory_space<hbm>>
      %dma_start3A_266 = tpu.memref_squeeze %dma_start3A_265 : memref<1x128xf32, #tpu.memory_space<hbm>> -> memref<128xf32, #tpu.memory_space<hbm>>
      %dma_start3A_267 = arith.constant 0 : i32
      %dma_start3A_268 = tpu.memref_slice %arg9[%add3A_260, %dma_start3A_267] : memref<256x256xf32, #tpu.memory_space<vmem>> -> memref<1x128xf32, #tpu.memory_space<vmem>>
      %dma_start3A_269 = tpu.memref_squeeze %dma_start3A_268 : memref<1x128xf32, #tpu.memory_space<vmem>> -> memref<128xf32, #tpu.memory_space<vmem>>
      %dma_start3A_270 = arith.constant 0 : i32
      %dma_start3A_271 = tpu.memref_slice %arg4[%squeeze3A_256, %dma_start3A_270] : memref<505856x128xf32, #tpu.memory_space<hbm>> -> memref<1x128xf32, #tpu.memory_space<hbm>>
      %dma_start3A_272 = tpu.memref_squeeze %dma_start3A_271 : memref<1x128xf32, #tpu.memory_space<hbm>> -> memref<128xf32, #tpu.memory_space<hbm>>
      tpu.enqueue_dma source(%dma_start3A_272 : memref<128xf32, #tpu.memory_space<hbm>>) target(%dma_start3A_269 : memref<128xf32, #tpu.memory_space<vmem>>) target_semaphore(%arg10 : memref<!tpu.dma_semaphore, #tpu.memory_space<semaphore_mem>>)
      %slice3A_273 = vector.extract_strided_slice %get3A_41 {offsets = [6], sizes = [1], strides = [1]} : vector<16xi32> to vector<1xi32>
      %squeeze3A_274 = vector.extract %slice3A_273[0] : i32 from vector<1xi32>
      %mul3A_275 = arith.constant 16 : i32
      %mul3A_276 = arith.muli %scan3A_31, %mul3A_275 : i32
      %add3A_277 = arith.constant 6 : i32
      %add3A_278 = arith.addi %mul3A_276, %add3A_277 : i32
      %dma_start3A_279 = arith.constant 128 : i32
      %dma_start3A_280 = tpu.memref_slice %arg9[%add3A_278, %dma_start3A_279] : memref<256x256xf32, #tpu.memory_space<vmem>> -> memref<1x128xf32, #tpu.memory_space<vmem>>
      %dma_start3A_281 = tpu.memref_squeeze %dma_start3A_280 : memref<1x128xf32, #tpu.memory_space<vmem>> -> memref<128xf32, #tpu.memory_space<vmem>>
      %dma_start3A_282 = arith.constant 0 : i32
      %dma_start3A_283 = tpu.memref_slice %arg5[%squeeze3A_274, %dma_start3A_282] : memref<505856x128xf32, #tpu.memory_space<hbm>> -> memref<1x128xf32, #tpu.memory_space<hbm>>
      %dma_start3A_284 = tpu.memref_squeeze %dma_start3A_283 : memref<1x128xf32, #tpu.memory_space<hbm>> -> memref<128xf32, #tpu.memory_space<hbm>>
      %dma_start3A_285 = arith.constant 128 : i32
      %dma_start3A_286 = tpu.memref_slice %arg9[%add3A_278, %dma_start3A_285] : memref<256x256xf32, #tpu.memory_space<vmem>> -> memref<1x128xf32, #tpu.memory_space<vmem>>
      %dma_start3A_287 = tpu.memref_squeeze %dma_start3A_286 : memref<1x128xf32, #tpu.memory_space<vmem>> -> memref<128xf32, #tpu.memory_space<vmem>>
      %dma_start3A_288 = arith.constant 0 : i32
      %dma_start3A_289 = tpu.memref_slice %arg5[%squeeze3A_274, %dma_start3A_288] : memref<505856x128xf32, #tpu.memory_space<hbm>> -> memref<1x128xf32, #tpu.memory_space<hbm>>
      %dma_start3A_290 = tpu.memref_squeeze %dma_start3A_289 : memref<1x128xf32, #tpu.memory_space<hbm>> -> memref<128xf32, #tpu.memory_space<hbm>>
      tpu.enqueue_dma source(%dma_start3A_290 : memref<128xf32, #tpu.memory_space<hbm>>) target(%dma_start3A_287 : memref<128xf32, #tpu.memory_space<vmem>>) target_semaphore(%arg10 : memref<!tpu.dma_semaphore, #tpu.memory_space<semaphore_mem>>)
      %slice3A_291 = vector.extract_strided_slice %get3A_38 {offsets = [7], sizes = [1], strides = [1]} : vector<16xi32> to vector<1xi32>
      %squeeze3A_292 = vector.extract %slice3A_291[0] : i32 from vector<1xi32>
      %mul3A_293 = arith.constant 16 : i32
      %mul3A_294 = arith.muli %scan3A_31, %mul3A_293 : i32
      %add3A_295 = arith.constant 7 : i32
      %add3A_296 = arith.addi %mul3A_294, %add3A_295 : i32
      %dma_start3A_297 = arith.constant 0 : i32
      %dma_start3A_298 = tpu.memref_slice %arg9[%add3A_296, %dma_start3A_297] : memref<256x256xf32, #tpu.memory_space<vmem>> -> memref<1x128xf32, #tpu.memory_space<vmem>>
      %dma_start3A_299 = tpu.memref_squeeze %dma_start3A_298 : memref<1x128xf32, #tpu.memory_space<vmem>> -> memref<128xf32, #tpu.memory_space<vmem>>
      %dma_start3A_300 = arith.constant 0 : i32
      %dma_start3A_301 = tpu.memref_slice %arg4[%squeeze3A_292, %dma_start3A_300] : memref<505856x128xf32, #tpu.memory_space<hbm>> -> memref<1x128xf32, #tpu.memory_space<hbm>>
      %dma_start3A_302 = tpu.memref_squeeze %dma_start3A_301 : memref<1x128xf32, #tpu.memory_space<hbm>> -> memref<128xf32, #tpu.memory_space<hbm>>
      %dma_start3A_303 = arith.constant 0 : i32
      %dma_start3A_304 = tpu.memref_slice %arg9[%add3A_296, %dma_start3A_303] : memref<256x256xf32, #tpu.memory_space<vmem>> -> memref<1x128xf32, #tpu.memory_space<vmem>>
      %dma_start3A_305 = tpu.memref_squeeze %dma_start3A_304 : memref<1x128xf32, #tpu.memory_space<vmem>> -> memref<128xf32, #tpu.memory_space<vmem>>
      %dma_start3A_306 = arith.constant 0 : i32
      %dma_start3A_307 = tpu.memref_slice %arg4[%squeeze3A_292, %dma_start3A_306] : memref<505856x128xf32, #tpu.memory_space<hbm>> -> memref<1x128xf32, #tpu.memory_space<hbm>>
      %dma_start3A_308 = tpu.memref_squeeze %dma_start3A_307 : memref<1x128xf32, #tpu.memory_space<hbm>> -> memref<128xf32, #tpu.memory_space<hbm>>
      tpu.enqueue_dma source(%dma_start3A_308 : memref<128xf32, #tpu.memory_space<hbm>>) target(%dma_start3A_305 : memref<128xf32, #tpu.memory_space<vmem>>) target_semaphore(%arg10 : memref<!tpu.dma_semaphore, #tpu.memory_space<semaphore_mem>>)
      %slice3A_309 = vector.extract_strided_slice %get3A_41 {offsets = [7], sizes = [1], strides = [1]} : vector<16xi32> to vector<1xi32>
      %squeeze3A_310 = vector.extract %slice3A_309[0] : i32 from vector<1xi32>
      %mul3A_311 = arith.constant 16 : i32
      %mul3A_312 = arith.muli %scan3A_31, %mul3A_311 : i32
      %add3A_313 = arith.constant 7 : i32
      %add3A_314 = arith.addi %mul3A_312, %add3A_313 : i32
      %dma_start3A_315 = arith.constant 128 : i32
      %dma_start3A_316 = tpu.memref_slice %arg9[%add3A_314, %dma_start3A_315] : memref<256x256xf32, #tpu.memory_space<vmem>> -> memref<1x128xf32, #tpu.memory_space<vmem>>
      %dma_start3A_317 = tpu.memref_squeeze %dma_start3A_316 : memref<1x128xf32, #tpu.memory_space<vmem>> -> memref<128xf32, #tpu.memory_space<vmem>>
      %dma_start3A_318 = arith.constant 0 : i32
      %dma_start3A_319 = tpu.memref_slice %arg5[%squeeze3A_310, %dma_start3A_318] : memref<505856x128xf32, #tpu.memory_space<hbm>> -> memref<1x128xf32, #tpu.memory_space<hbm>>
      %dma_start3A_320 = tpu.memref_squeeze %dma_start3A_319 : memref<1x128xf32, #tpu.memory_space<hbm>> -> memref<128xf32, #tpu.memory_space<hbm>>
      %dma_start3A_321 = arith.constant 128 : i32
      %dma_start3A_322 = tpu.memref_slice %arg9[%add3A_314, %dma_start3A_321] : memref<256x256xf32, #tpu.memory_space<vmem>> -> memref<1x128xf32, #tpu.memory_space<vmem>>
      %dma_start3A_323 = tpu.memref_squeeze %dma_start3A_322 : memref<1x128xf32, #tpu.memory_space<vmem>> -> memref<128xf32, #tpu.memory_space<vmem>>
      %dma_start3A_324 = arith.constant 0 : i32
      %dma_start3A_325 = tpu.memref_slice %arg5[%squeeze3A_310, %dma_start3A_324] : memref<505856x128xf32, #tpu.memory_space<hbm>> -> memref<1x128xf32, #tpu.memory_space<hbm>>
      %dma_start3A_326 = tpu.memref_squeeze %dma_start3A_325 : memref<1x128xf32, #tpu.memory_space<hbm>> -> memref<128xf32, #tpu.memory_space<hbm>>
      tpu.enqueue_dma source(%dma_start3A_326 : memref<128xf32, #tpu.memory_space<hbm>>) target(%dma_start3A_323 : memref<128xf32, #tpu.memory_space<vmem>>) target_semaphore(%arg10 : memref<!tpu.dma_semaphore, #tpu.memory_space<semaphore_mem>>)
      %slice3A_327 = vector.extract_strided_slice %get3A_38 {offsets = [8], sizes = [1], strides = [1]} : vector<16xi32> to vector<1xi32>
      %squeeze3A_328 = vector.extract %slice3A_327[0] : i32 from vector<1xi32>
      %mul3A_329 = arith.constant 16 : i32
      %mul3A_330 = arith.muli %scan3A_31, %mul3A_329 : i32
      %add3A_331 = arith.constant 8 : i32
      %add3A_332 = arith.addi %mul3A_330, %add3A_331 : i32
      %dma_start3A_333 = arith.constant 0 : i32
      %dma_start3A_334 = tpu.memref_slice %arg9[%add3A_332, %dma_start3A_333] : memref<256x256xf32, #tpu.memory_space<vmem>> -> memref<1x128xf32, #tpu.memory_space<vmem>>
      %dma_start3A_335 = tpu.memref_squeeze %dma_start3A_334 : memref<1x128xf32, #tpu.memory_space<vmem>> -> memref<128xf32, #tpu.memory_space<vmem>>
      %dma_start3A_336 = arith.constant 0 : i32
      %dma_start3A_337 = tpu.memref_slice %arg4[%squeeze3A_328, %dma_start3A_336] : memref<505856x128xf32, #tpu.memory_space<hbm>> -> memref<1x128xf32, #tpu.memory_space<hbm>>
      %dma_start3A_338 = tpu.memref_squeeze %dma_start3A_337 : memref<1x128xf32, #tpu.memory_space<hbm>> -> memref<128xf32, #tpu.memory_space<hbm>>
      %dma_start3A_339 = arith.constant 0 : i32
      %dma_start3A_340 = tpu.memref_slice %arg9[%add3A_332, %dma_start3A_339] : memref<256x256xf32, #tpu.memory_space<vmem>> -> memref<1x128xf32, #tpu.memory_space<vmem>>
      %dma_start3A_341 = tpu.memref_squeeze %dma_start3A_340 : memref<1x128xf32, #tpu.memory_space<vmem>> -> memref<128xf32, #tpu.memory_space<vmem>>
      %dma_start3A_342 = arith.constant 0 : i32
      %dma_start3A_343 = tpu.memref_slice %arg4[%squeeze3A_328, %dma_start3A_342] : memref<505856x128xf32, #tpu.memory_space<hbm>> -> memref<1x128xf32, #tpu.memory_space<hbm>>
      %dma_start3A_344 = tpu.memref_squeeze %dma_start3A_343 : memref<1x128xf32, #tpu.memory_space<hbm>> -> memref<128xf32, #tpu.memory_space<hbm>>
      tpu.enqueue_dma source(%dma_start3A_344 : memref<128xf32, #tpu.memory_space<hbm>>) target(%dma_start3A_341 : memref<128xf32, #tpu.memory_space<vmem>>) target_semaphore(%arg10 : memref<!tpu.dma_semaphore, #tpu.memory_space<semaphore_mem>>)
      %slice3A_345 = vector.extract_strided_slice %get3A_41 {offsets = [8], sizes = [1], strides = [1]} : vector<16xi32> to vector<1xi32>
      %squeeze3A_346 = vector.extract %slice3A_345[0] : i32 from vector<1xi32>
      %mul3A_347 = arith.constant 16 : i32
      %mul3A_348 = arith.muli %scan3A_31, %mul3A_347 : i32
      %add3A_349 = arith.constant 8 : i32
      %add3A_350 = arith.addi %mul3A_348, %add3A_349 : i32
      %dma_start3A_351 = arith.constant 128 : i32
      %dma_start3A_352 = tpu.memref_slice %arg9[%add3A_350, %dma_start3A_351] : memref<256x256xf32, #tpu.memory_space<vmem>> -> memref<1x128xf32, #tpu.memory_space<vmem>>
      %dma_start3A_353 = tpu.memref_squeeze %dma_start3A_352 : memref<1x128xf32, #tpu.memory_space<vmem>> -> memref<128xf32, #tpu.memory_space<vmem>>
      %dma_start3A_354 = arith.constant 0 : i32
      %dma_start3A_355 = tpu.memref_slice %arg5[%squeeze3A_346, %dma_start3A_354] : memref<505856x128xf32, #tpu.memory_space<hbm>> -> memref<1x128xf32, #tpu.memory_space<hbm>>
      %dma_start3A_356 = tpu.memref_squeeze %dma_start3A_355 : memref<1x128xf32, #tpu.memory_space<hbm>> -> memref<128xf32, #tpu.memory_space<hbm>>
      %dma_start3A_357 = arith.constant 128 : i32
      %dma_start3A_358 = tpu.memref_slice %arg9[%add3A_350, %dma_start3A_357] : memref<256x256xf32, #tpu.memory_space<vmem>> -> memref<1x128xf32, #tpu.memory_space<vmem>>
      %dma_start3A_359 = tpu.memref_squeeze %dma_start3A_358 : memref<1x128xf32, #tpu.memory_space<vmem>> -> memref<128xf32, #tpu.memory_space<vmem>>
      %dma_start3A_360 = arith.constant 0 : i32
      %dma_start3A_361 = tpu.memref_slice %arg5[%squeeze3A_346, %dma_start3A_360] : memref<505856x128xf32, #tpu.memory_space<hbm>> -> memref<1x128xf32, #tpu.memory_space<hbm>>
      %dma_start3A_362 = tpu.memref_squeeze %dma_start3A_361 : memref<1x128xf32, #tpu.memory_space<hbm>> -> memref<128xf32, #tpu.memory_space<hbm>>
      tpu.enqueue_dma source(%dma_start3A_362 : memref<128xf32, #tpu.memory_space<hbm>>) target(%dma_start3A_359 : memref<128xf32, #tpu.memory_space<vmem>>) target_semaphore(%arg10 : memref<!tpu.dma_semaphore, #tpu.memory_space<semaphore_mem>>)
      %slice3A_363 = vector.extract_strided_slice %get3A_38 {offsets = [9], sizes = [1], strides = [1]} : vector<16xi32> to vector<1xi32>
      %squeeze3A_364 = vector.extract %slice3A_363[0] : i32 from vector<1xi32>
      %mul3A_365 = arith.constant 16 : i32
      %mul3A_366 = arith.muli %scan3A_31, %mul3A_365 : i32
      %add3A_367 = arith.constant 9 : i32
      %add3A_368 = arith.addi %mul3A_366, %add3A_367 : i32
      %dma_start3A_369 = arith.constant 0 : i32
      %dma_start3A_370 = tpu.memref_slice %arg9[%add3A_368, %dma_start3A_369] : memref<256x256xf32, #tpu.memory_space<vmem>> -> memref<1x128xf32, #tpu.memory_space<vmem>>
      %dma_start3A_371 = tpu.memref_squeeze %dma_start3A_370 : memref<1x128xf32, #tpu.memory_space<vmem>> -> memref<128xf32, #tpu.memory_space<vmem>>
      %dma_start3A_372 = arith.constant 0 : i32
      %dma_start3A_373 = tpu.memref_slice %arg4[%squeeze3A_364, %dma_start3A_372] : memref<505856x128xf32, #tpu.memory_space<hbm>> -> memref<1x128xf32, #tpu.memory_space<hbm>>
      %dma_start3A_374 = tpu.memref_squeeze %dma_start3A_373 : memref<1x128xf32, #tpu.memory_space<hbm>> -> memref<128xf32, #tpu.memory_space<hbm>>
      %dma_start3A_375 = arith.constant 0 : i32
      %dma_start3A_376 = tpu.memref_slice %arg9[%add3A_368, %dma_start3A_375] : memref<256x256xf32, #tpu.memory_space<vmem>> -> memref<1x128xf32, #tpu.memory_space<vmem>>
      %dma_start3A_377 = tpu.memref_squeeze %dma_start3A_376 : memref<1x128xf32, #tpu.memory_space<vmem>> -> memref<128xf32, #tpu.memory_space<vmem>>
      %dma_start3A_378 = arith.constant 0 : i32
      %dma_start3A_379 = tpu.memref_slice %arg4[%squeeze3A_364, %dma_start3A_378] : memref<505856x128xf32, #tpu.memory_space<hbm>> -> memref<1x128xf32, #tpu.memory_space<hbm>>
      %dma_start3A_380 = tpu.memref_squeeze %dma_start3A_379 : memref<1x128xf32, #tpu.memory_space<hbm>> -> memref<128xf32, #tpu.memory_space<hbm>>
      tpu.enqueue_dma source(%dma_start3A_380 : memref<128xf32, #tpu.memory_space<hbm>>) target(%dma_start3A_377 : memref<128xf32, #tpu.memory_space<vmem>>) target_semaphore(%arg10 : memref<!tpu.dma_semaphore, #tpu.memory_space<semaphore_mem>>)
      %slice3A_381 = vector.extract_strided_slice %get3A_41 {offsets = [9], sizes = [1], strides = [1]} : vector<16xi32> to vector<1xi32>
      %squeeze3A_382 = vector.extract %slice3A_381[0] : i32 from vector<1xi32>
      %mul3A_383 = arith.constant 16 : i32
      %mul3A_384 = arith.muli %scan3A_31, %mul3A_383 : i32
      %add3A_385 = arith.constant 9 : i32
      %add3A_386 = arith.addi %mul3A_384, %add3A_385 : i32
      %dma_start3A_387 = arith.constant 128 : i32
      %dma_start3A_388 = tpu.memref_slice %arg9[%add3A_386, %dma_start3A_387] : memref<256x256xf32, #tpu.memory_space<vmem>> -> memref<1x128xf32, #tpu.memory_space<vmem>>
      %dma_start3A_389 = tpu.memref_squeeze %dma_start3A_388 : memref<1x128xf32, #tpu.memory_space<vmem>> -> memref<128xf32, #tpu.memory_space<vmem>>
      %dma_start3A_390 = arith.constant 0 : i32
      %dma_start3A_391 = tpu.memref_slice %arg5[%squeeze3A_382, %dma_start3A_390] : memref<505856x128xf32, #tpu.memory_space<hbm>> -> memref<1x128xf32, #tpu.memory_space<hbm>>
      %dma_start3A_392 = tpu.memref_squeeze %dma_start3A_391 : memref<1x128xf32, #tpu.memory_space<hbm>> -> memref<128xf32, #tpu.memory_space<hbm>>
      %dma_start3A_393 = arith.constant 128 : i32
      %dma_start3A_394 = tpu.memref_slice %arg9[%add3A_386, %dma_start3A_393] : memref<256x256xf32, #tpu.memory_space<vmem>> -> memref<1x128xf32, #tpu.memory_space<vmem>>
      %dma_start3A_395 = tpu.memref_squeeze %dma_start3A_394 : memref<1x128xf32, #tpu.memory_space<vmem>> -> memref<128xf32, #tpu.memory_space<vmem>>
      %dma_start3A_396 = arith.constant 0 : i32
      %dma_start3A_397 = tpu.memref_slice %arg5[%squeeze3A_382, %dma_start3A_396] : memref<505856x128xf32, #tpu.memory_space<hbm>> -> memref<1x128xf32, #tpu.memory_space<hbm>>
      %dma_start3A_398 = tpu.memref_squeeze %dma_start3A_397 : memref<1x128xf32, #tpu.memory_space<hbm>> -> memref<128xf32, #tpu.memory_space<hbm>>
      tpu.enqueue_dma source(%dma_start3A_398 : memref<128xf32, #tpu.memory_space<hbm>>) target(%dma_start3A_395 : memref<128xf32, #tpu.memory_space<vmem>>) target_semaphore(%arg10 : memref<!tpu.dma_semaphore, #tpu.memory_space<semaphore_mem>>)
      %slice3A_399 = vector.extract_strided_slice %get3A_38 {offsets = [10], sizes = [1], strides = [1]} : vector<16xi32> to vector<1xi32>
      %squeeze3A_400 = vector.extract %slice3A_399[0] : i32 from vector<1xi32>
      %mul3A_401 = arith.constant 16 : i32
      %mul3A_402 = arith.muli %scan3A_31, %mul3A_401 : i32
      %add3A_403 = arith.constant 10 : i32
      %add3A_404 = arith.addi %mul3A_402, %add3A_403 : i32
      %dma_start3A_405 = arith.constant 0 : i32
      %dma_start3A_406 = tpu.memref_slice %arg9[%add3A_404, %dma_start3A_405] : memref<256x256xf32, #tpu.memory_space<vmem>> -> memref<1x128xf32, #tpu.memory_space<vmem>>
      %dma_start3A_407 = tpu.memref_squeeze %dma_start3A_406 : memref<1x128xf32, #tpu.memory_space<vmem>> -> memref<128xf32, #tpu.memory_space<vmem>>
      %dma_start3A_408 = arith.constant 0 : i32
      %dma_start3A_409 = tpu.memref_slice %arg4[%squeeze3A_400, %dma_start3A_408] : memref<505856x128xf32, #tpu.memory_space<hbm>> -> memref<1x128xf32, #tpu.memory_space<hbm>>
      %dma_start3A_410 = tpu.memref_squeeze %dma_start3A_409 : memref<1x128xf32, #tpu.memory_space<hbm>> -> memref<128xf32, #tpu.memory_space<hbm>>
      %dma_start3A_411 = arith.constant 0 : i32
      %dma_start3A_412 = tpu.memref_slice %arg9[%add3A_404, %dma_start3A_411] : memref<256x256xf32, #tpu.memory_space<vmem>> -> memref<1x128xf32, #tpu.memory_space<vmem>>
      %dma_start3A_413 = tpu.memref_squeeze %dma_start3A_412 : memref<1x128xf32, #tpu.memory_space<vmem>> -> memref<128xf32, #tpu.memory_space<vmem>>
      %dma_start3A_414 = arith.constant 0 : i32
      %dma_start3A_415 = tpu.memref_slice %arg4[%squeeze3A_400, %dma_start3A_414] : memref<505856x128xf32, #tpu.memory_space<hbm>> -> memref<1x128xf32, #tpu.memory_space<hbm>>
      %dma_start3A_416 = tpu.memref_squeeze %dma_start3A_415 : memref<1x128xf32, #tpu.memory_space<hbm>> -> memref<128xf32, #tpu.memory_space<hbm>>
      tpu.enqueue_dma source(%dma_start3A_416 : memref<128xf32, #tpu.memory_space<hbm>>) target(%dma_start3A_413 : memref<128xf32, #tpu.memory_space<vmem>>) target_semaphore(%arg10 : memref<!tpu.dma_semaphore, #tpu.memory_space<semaphore_mem>>)
      %slice3A_417 = vector.extract_strided_slice %get3A_41 {offsets = [10], sizes = [1], strides = [1]} : vector<16xi32> to vector<1xi32>
      %squeeze3A_418 = vector.extract %slice3A_417[0] : i32 from vector<1xi32>
      %mul3A_419 = arith.constant 16 : i32
      %mul3A_420 = arith.muli %scan3A_31, %mul3A_419 : i32
      %add3A_421 = arith.constant 10 : i32
      %add3A_422 = arith.addi %mul3A_420, %add3A_421 : i32
      %dma_start3A_423 = arith.constant 128 : i32
      %dma_start3A_424 = tpu.memref_slice %arg9[%add3A_422, %dma_start3A_423] : memref<256x256xf32, #tpu.memory_space<vmem>> -> memref<1x128xf32, #tpu.memory_space<vmem>>
      %dma_start3A_425 = tpu.memref_squeeze %dma_start3A_424 : memref<1x128xf32, #tpu.memory_space<vmem>> -> memref<128xf32, #tpu.memory_space<vmem>>
      %dma_start3A_426 = arith.constant 0 : i32
      %dma_start3A_427 = tpu.memref_slice %arg5[%squeeze3A_418, %dma_start3A_426] : memref<505856x128xf32, #tpu.memory_space<hbm>> -> memref<1x128xf32, #tpu.memory_space<hbm>>
      %dma_start3A_428 = tpu.memref_squeeze %dma_start3A_427 : memref<1x128xf32, #tpu.memory_space<hbm>> -> memref<128xf32, #tpu.memory_space<hbm>>
      %dma_start3A_429 = arith.constant 128 : i32
      %dma_start3A_430 = tpu.memref_slice %arg9[%add3A_422, %dma_start3A_429] : memref<256x256xf32, #tpu.memory_space<vmem>> -> memref<1x128xf32, #tpu.memory_space<vmem>>
      %dma_start3A_431 = tpu.memref_squeeze %dma_start3A_430 : memref<1x128xf32, #tpu.memory_space<vmem>> -> memref<128xf32, #tpu.memory_space<vmem>>
      %dma_start3A_432 = arith.constant 0 : i32
      %dma_start3A_433 = tpu.memref_slice %arg5[%squeeze3A_418, %dma_start3A_432] : memref<505856x128xf32, #tpu.memory_space<hbm>> -> memref<1x128xf32, #tpu.memory_space<hbm>>
      %dma_start3A_434 = tpu.memref_squeeze %dma_start3A_433 : memref<1x128xf32, #tpu.memory_space<hbm>> -> memref<128xf32, #tpu.memory_space<hbm>>
      tpu.enqueue_dma source(%dma_start3A_434 : memref<128xf32, #tpu.memory_space<hbm>>) target(%dma_start3A_431 : memref<128xf32, #tpu.memory_space<vmem>>) target_semaphore(%arg10 : memref<!tpu.dma_semaphore, #tpu.memory_space<semaphore_mem>>)
      %slice3A_435 = vector.extract_strided_slice %get3A_38 {offsets = [11], sizes = [1], strides = [1]} : vector<16xi32> to vector<1xi32>
      %squeeze3A_436 = vector.extract %slice3A_435[0] : i32 from vector<1xi32>
      %mul3A_437 = arith.constant 16 : i32
      %mul3A_438 = arith.muli %scan3A_31, %mul3A_437 : i32
      %add3A_439 = arith.constant 11 : i32
      %add3A_440 = arith.addi %mul3A_438, %add3A_439 : i32
      %dma_start3A_441 = arith.constant 0 : i32
      %dma_start3A_442 = tpu.memref_slice %arg9[%add3A_440, %dma_start3A_441] : memref<256x256xf32, #tpu.memory_space<vmem>> -> memref<1x128xf32, #tpu.memory_space<vmem>>
      %dma_start3A_443 = tpu.memref_squeeze %dma_start3A_442 : memref<1x128xf32, #tpu.memory_space<vmem>> -> memref<128xf32, #tpu.memory_space<vmem>>
      %dma_start3A_444 = arith.constant 0 : i32
      %dma_start3A_445 = tpu.memref_slice %arg4[%squeeze3A_436, %dma_start3A_444] : memref<505856x128xf32, #tpu.memory_space<hbm>> -> memref<1x128xf32, #tpu.memory_space<hbm>>
      %dma_start3A_446 = tpu.memref_squeeze %dma_start3A_445 : memref<1x128xf32, #tpu.memory_space<hbm>> -> memref<128xf32, #tpu.memory_space<hbm>>
      %dma_start3A_447 = arith.constant 0 : i32
      %dma_start3A_448 = tpu.memref_slice %arg9[%add3A_440, %dma_start3A_447] : memref<256x256xf32, #tpu.memory_space<vmem>> -> memref<1x128xf32, #tpu.memory_space<vmem>>
      %dma_start3A_449 = tpu.memref_squeeze %dma_start3A_448 : memref<1x128xf32, #tpu.memory_space<vmem>> -> memref<128xf32, #tpu.memory_space<vmem>>
      %dma_start3A_450 = arith.constant 0 : i32
      %dma_start3A_451 = tpu.memref_slice %arg4[%squeeze3A_436, %dma_start3A_450] : memref<505856x128xf32, #tpu.memory_space<hbm>> -> memref<1x128xf32, #tpu.memory_space<hbm>>
      %dma_start3A_452 = tpu.memref_squeeze %dma_start3A_451 : memref<1x128xf32, #tpu.memory_space<hbm>> -> memref<128xf32, #tpu.memory_space<hbm>>
      tpu.enqueue_dma source(%dma_start3A_452 : memref<128xf32, #tpu.memory_space<hbm>>) target(%dma_start3A_449 : memref<128xf32, #tpu.memory_space<vmem>>) target_semaphore(%arg10 : memref<!tpu.dma_semaphore, #tpu.memory_space<semaphore_mem>>)
      %slice3A_453 = vector.extract_strided_slice %get3A_41 {offsets = [11], sizes = [1], strides = [1]} : vector<16xi32> to vector<1xi32>
      %squeeze3A_454 = vector.extract %slice3A_453[0] : i32 from vector<1xi32>
      %mul3A_455 = arith.constant 16 : i32
      %mul3A_456 = arith.muli %scan3A_31, %mul3A_455 : i32
      %add3A_457 = arith.constant 11 : i32
      %add3A_458 = arith.addi %mul3A_456, %add3A_457 : i32
      %dma_start3A_459 = arith.constant 128 : i32
      %dma_start3A_460 = tpu.memref_slice %arg9[%add3A_458, %dma_start3A_459] : memref<256x256xf32, #tpu.memory_space<vmem>> -> memref<1x128xf32, #tpu.memory_space<vmem>>
      %dma_start3A_461 = tpu.memref_squeeze %dma_start3A_460 : memref<1x128xf32, #tpu.memory_space<vmem>> -> memref<128xf32, #tpu.memory_space<vmem>>
      %dma_start3A_462 = arith.constant 0 : i32
      %dma_start3A_463 = tpu.memref_slice %arg5[%squeeze3A_454, %dma_start3A_462] : memref<505856x128xf32, #tpu.memory_space<hbm>> -> memref<1x128xf32, #tpu.memory_space<hbm>>
      %dma_start3A_464 = tpu.memref_squeeze %dma_start3A_463 : memref<1x128xf32, #tpu.memory_space<hbm>> -> memref<128xf32, #tpu.memory_space<hbm>>
      %dma_start3A_465 = arith.constant 128 : i32
      %dma_start3A_466 = tpu.memref_slice %arg9[%add3A_458, %dma_start3A_465] : memref<256x256xf32, #tpu.memory_space<vmem>> -> memref<1x128xf32, #tpu.memory_space<vmem>>
      %dma_start3A_467 = tpu.memref_squeeze %dma_start3A_466 : memref<1x128xf32, #tpu.memory_space<vmem>> -> memref<128xf32, #tpu.memory_space<vmem>>
      %dma_start3A_468 = arith.constant 0 : i32
      %dma_start3A_469 = tpu.memref_slice %arg5[%squeeze3A_454, %dma_start3A_468] : memref<505856x128xf32, #tpu.memory_space<hbm>> -> memref<1x128xf32, #tpu.memory_space<hbm>>
      %dma_start3A_470 = tpu.memref_squeeze %dma_start3A_469 : memref<1x128xf32, #tpu.memory_space<hbm>> -> memref<128xf32, #tpu.memory_space<hbm>>
      tpu.enqueue_dma source(%dma_start3A_470 : memref<128xf32, #tpu.memory_space<hbm>>) target(%dma_start3A_467 : memref<128xf32, #tpu.memory_space<vmem>>) target_semaphore(%arg10 : memref<!tpu.dma_semaphore, #tpu.memory_space<semaphore_mem>>)
      %slice3A_471 = vector.extract_strided_slice %get3A_38 {offsets = [12], sizes = [1], strides = [1]} : vector<16xi32> to vector<1xi32>
      %squeeze3A_472 = vector.extract %slice3A_471[0] : i32 from vector<1xi32>
      %mul3A_473 = arith.constant 16 : i32
      %mul3A_474 = arith.muli %scan3A_31, %mul3A_473 : i32
      %add3A_475 = arith.constant 12 : i32
      %add3A_476 = arith.addi %mul3A_474, %add3A_475 : i32
      %dma_start3A_477 = arith.constant 0 : i32
      %dma_start3A_478 = tpu.memref_slice %arg9[%add3A_476, %dma_start3A_477] : memref<256x256xf32, #tpu.memory_space<vmem>> -> memref<1x128xf32, #tpu.memory_space<vmem>>
      %dma_start3A_479 = tpu.memref_squeeze %dma_start3A_478 : memref<1x128xf32, #tpu.memory_space<vmem>> -> memref<128xf32, #tpu.memory_space<vmem>>
      %dma_start3A_480 = arith.constant 0 : i32
      %dma_start3A_481 = tpu.memref_slice %arg4[%squeeze3A_472, %dma_start3A_480] : memref<505856x128xf32, #tpu.memory_space<hbm>> -> memref<1x128xf32, #tpu.memory_space<hbm>>
      %dma_start3A_482 = tpu.memref_squeeze %dma_start3A_481 : memref<1x128xf32, #tpu.memory_space<hbm>> -> memref<128xf32, #tpu.memory_space<hbm>>
      %dma_start3A_483 = arith.constant 0 : i32
      %dma_start3A_484 = tpu.memref_slice %arg9[%add3A_476, %dma_start3A_483] : memref<256x256xf32, #tpu.memory_space<vmem>> -> memref<1x128xf32, #tpu.memory_space<vmem>>
      %dma_start3A_485 = tpu.memref_squeeze %dma_start3A_484 : memref<1x128xf32, #tpu.memory_space<vmem>> -> memref<128xf32, #tpu.memory_space<vmem>>
      %dma_start3A_486 = arith.constant 0 : i32
      %dma_start3A_487 = tpu.memref_slice %arg4[%squeeze3A_472, %dma_start3A_486] : memref<505856x128xf32, #tpu.memory_space<hbm>> -> memref<1x128xf32, #tpu.memory_space<hbm>>
      %dma_start3A_488 = tpu.memref_squeeze %dma_start3A_487 : memref<1x128xf32, #tpu.memory_space<hbm>> -> memref<128xf32, #tpu.memory_space<hbm>>
      tpu.enqueue_dma source(%dma_start3A_488 : memref<128xf32, #tpu.memory_space<hbm>>) target(%dma_start3A_485 : memref<128xf32, #tpu.memory_space<vmem>>) target_semaphore(%arg10 : memref<!tpu.dma_semaphore, #tpu.memory_space<semaphore_mem>>)
      %slice3A_489 = vector.extract_strided_slice %get3A_41 {offsets = [12], sizes = [1], strides = [1]} : vector<16xi32> to vector<1xi32>
      %squeeze3A_490 = vector.extract %slice3A_489[0] : i32 from vector<1xi32>
      %mul3A_491 = arith.constant 16 : i32
      %mul3A_492 = arith.muli %scan3A_31, %mul3A_491 : i32
      %add3A_493 = arith.constant 12 : i32
      %add3A_494 = arith.addi %mul3A_492, %add3A_493 : i32
      %dma_start3A_495 = arith.constant 128 : i32
      %dma_start3A_496 = tpu.memref_slice %arg9[%add3A_494, %dma_start3A_495] : memref<256x256xf32, #tpu.memory_space<vmem>> -> memref<1x128xf32, #tpu.memory_space<vmem>>
      %dma_start3A_497 = tpu.memref_squeeze %dma_start3A_496 : memref<1x128xf32, #tpu.memory_space<vmem>> -> memref<128xf32, #tpu.memory_space<vmem>>
      %dma_start3A_498 = arith.constant 0 : i32
      %dma_start3A_499 = tpu.memref_slice %arg5[%squeeze3A_490, %dma_start3A_498] : memref<505856x128xf32, #tpu.memory_space<hbm>> -> memref<1x128xf32, #tpu.memory_space<hbm>>
      %dma_start3A_500 = tpu.memref_squeeze %dma_start3A_499 : memref<1x128xf32, #tpu.memory_space<hbm>> -> memref<128xf32, #tpu.memory_space<hbm>>
      %dma_start3A_501 = arith.constant 128 : i32
      %dma_start3A_502 = tpu.memref_slice %arg9[%add3A_494, %dma_start3A_501] : memref<256x256xf32, #tpu.memory_space<vmem>> -> memref<1x128xf32, #tpu.memory_space<vmem>>
      %dma_start3A_503 = tpu.memref_squeeze %dma_start3A_502 : memref<1x128xf32, #tpu.memory_space<vmem>> -> memref<128xf32, #tpu.memory_space<vmem>>
      %dma_start3A_504 = arith.constant 0 : i32
      %dma_start3A_505 = tpu.memref_slice %arg5[%squeeze3A_490, %dma_start3A_504] : memref<505856x128xf32, #tpu.memory_space<hbm>> -> memref<1x128xf32, #tpu.memory_space<hbm>>
      %dma_start3A_506 = tpu.memref_squeeze %dma_start3A_505 : memref<1x128xf32, #tpu.memory_space<hbm>> -> memref<128xf32, #tpu.memory_space<hbm>>
      tpu.enqueue_dma source(%dma_start3A_506 : memref<128xf32, #tpu.memory_space<hbm>>) target(%dma_start3A_503 : memref<128xf32, #tpu.memory_space<vmem>>) target_semaphore(%arg10 : memref<!tpu.dma_semaphore, #tpu.memory_space<semaphore_mem>>)
      %slice3A_507 = vector.extract_strided_slice %get3A_38 {offsets = [13], sizes = [1], strides = [1]} : vector<16xi32> to vector<1xi32>
      %squeeze3A_508 = vector.extract %slice3A_507[0] : i32 from vector<1xi32>
      %mul3A_509 = arith.constant 16 : i32
      %mul3A_510 = arith.muli %scan3A_31, %mul3A_509 : i32
      %add3A_511 = arith.constant 13 : i32
      %add3A_512 = arith.addi %mul3A_510, %add3A_511 : i32
      %dma_start3A_513 = arith.constant 0 : i32
      %dma_start3A_514 = tpu.memref_slice %arg9[%add3A_512, %dma_start3A_513] : memref<256x256xf32, #tpu.memory_space<vmem>> -> memref<1x128xf32, #tpu.memory_space<vmem>>
      %dma_start3A_515 = tpu.memref_squeeze %dma_start3A_514 : memref<1x128xf32, #tpu.memory_space<vmem>> -> memref<128xf32, #tpu.memory_space<vmem>>
      %dma_start3A_516 = arith.constant 0 : i32
      %dma_start3A_517 = tpu.memref_slice %arg4[%squeeze3A_508, %dma_start3A_516] : memref<505856x128xf32, #tpu.memory_space<hbm>> -> memref<1x128xf32, #tpu.memory_space<hbm>>
      %dma_start3A_518 = tpu.memref_squeeze %dma_start3A_517 : memref<1x128xf32, #tpu.memory_space<hbm>> -> memref<128xf32, #tpu.memory_space<hbm>>
      %dma_start3A_519 = arith.constant 0 : i32
      %dma_start3A_520 = tpu.memref_slice %arg9[%add3A_512, %dma_start3A_519] : memref<256x256xf32, #tpu.memory_space<vmem>> -> memref<1x128xf32, #tpu.memory_space<vmem>>
      %dma_start3A_521 = tpu.memref_squeeze %dma_start3A_520 : memref<1x128xf32, #tpu.memory_space<vmem>> -> memref<128xf32, #tpu.memory_space<vmem>>
      %dma_start3A_522 = arith.constant 0 : i32
      %dma_start3A_523 = tpu.memref_slice %arg4[%squeeze3A_508, %dma_start3A_522] : memref<505856x128xf32, #tpu.memory_space<hbm>> -> memref<1x128xf32, #tpu.memory_space<hbm>>
      %dma_start3A_524 = tpu.memref_squeeze %dma_start3A_523 : memref<1x128xf32, #tpu.memory_space<hbm>> -> memref<128xf32, #tpu.memory_space<hbm>>
      tpu.enqueue_dma source(%dma_start3A_524 : memref<128xf32, #tpu.memory_space<hbm>>) target(%dma_start3A_521 : memref<128xf32, #tpu.memory_space<vmem>>) target_semaphore(%arg10 : memref<!tpu.dma_semaphore, #tpu.memory_space<semaphore_mem>>)
      %slice3A_525 = vector.extract_strided_slice %get3A_41 {offsets = [13], sizes = [1], strides = [1]} : vector<16xi32> to vector<1xi32>
      %squeeze3A_526 = vector.extract %slice3A_525[0] : i32 from vector<1xi32>
      %mul3A_527 = arith.constant 16 : i32
      %mul3A_528 = arith.muli %scan3A_31, %mul3A_527 : i32
      %add3A_529 = arith.constant 13 : i32
      %add3A_530 = arith.addi %mul3A_528, %add3A_529 : i32
      %dma_start3A_531 = arith.constant 128 : i32
      %dma_start3A_532 = tpu.memref_slice %arg9[%add3A_530, %dma_start3A_531] : memref<256x256xf32, #tpu.memory_space<vmem>> -> memref<1x128xf32, #tpu.memory_space<vmem>>
      %dma_start3A_533 = tpu.memref_squeeze %dma_start3A_532 : memref<1x128xf32, #tpu.memory_space<vmem>> -> memref<128xf32, #tpu.memory_space<vmem>>
      %dma_start3A_534 = arith.constant 0 : i32
      %dma_start3A_535 = tpu.memref_slice %arg5[%squeeze3A_526, %dma_start3A_534] : memref<505856x128xf32, #tpu.memory_space<hbm>> -> memref<1x128xf32, #tpu.memory_space<hbm>>
      %dma_start3A_536 = tpu.memref_squeeze %dma_start3A_535 : memref<1x128xf32, #tpu.memory_space<hbm>> -> memref<128xf32, #tpu.memory_space<hbm>>
      %dma_start3A_537 = arith.constant 128 : i32
      %dma_start3A_538 = tpu.memref_slice %arg9[%add3A_530, %dma_start3A_537] : memref<256x256xf32, #tpu.memory_space<vmem>> -> memref<1x128xf32, #tpu.memory_space<vmem>>
      %dma_start3A_539 = tpu.memref_squeeze %dma_start3A_538 : memref<1x128xf32, #tpu.memory_space<vmem>> -> memref<128xf32, #tpu.memory_space<vmem>>
      %dma_start3A_540 = arith.constant 0 : i32
      %dma_start3A_541 = tpu.memref_slice %arg5[%squeeze3A_526, %dma_start3A_540] : memref<505856x128xf32, #tpu.memory_space<hbm>> -> memref<1x128xf32, #tpu.memory_space<hbm>>
      %dma_start3A_542 = tpu.memref_squeeze %dma_start3A_541 : memref<1x128xf32, #tpu.memory_space<hbm>> -> memref<128xf32, #tpu.memory_space<hbm>>
      tpu.enqueue_dma source(%dma_start3A_542 : memref<128xf32, #tpu.memory_space<hbm>>) target(%dma_start3A_539 : memref<128xf32, #tpu.memory_space<vmem>>) target_semaphore(%arg10 : memref<!tpu.dma_semaphore, #tpu.memory_space<semaphore_mem>>)
      %slice3A_543 = vector.extract_strided_slice %get3A_38 {offsets = [14], sizes = [1], strides = [1]} : vector<16xi32> to vector<1xi32>
      %squeeze3A_544 = vector.extract %slice3A_543[0] : i32 from vector<1xi32>
      %mul3A_545 = arith.constant 16 : i32
      %mul3A_546 = arith.muli %scan3A_31, %mul3A_545 : i32
      %add3A_547 = arith.constant 14 : i32
      %add3A_548 = arith.addi %mul3A_546, %add3A_547 : i32
      %dma_start3A_549 = arith.constant 0 : i32
      %dma_start3A_550 = tpu.memref_slice %arg9[%add3A_548, %dma_start3A_549] : memref<256x256xf32, #tpu.memory_space<vmem>> -> memref<1x128xf32, #tpu.memory_space<vmem>>
      %dma_start3A_551 = tpu.memref_squeeze %dma_start3A_550 : memref<1x128xf32, #tpu.memory_space<vmem>> -> memref<128xf32, #tpu.memory_space<vmem>>
      %dma_start3A_552 = arith.constant 0 : i32
      %dma_start3A_553 = tpu.memref_slice %arg4[%squeeze3A_544, %dma_start3A_552] : memref<505856x128xf32, #tpu.memory_space<hbm>> -> memref<1x128xf32, #tpu.memory_space<hbm>>
      %dma_start3A_554 = tpu.memref_squeeze %dma_start3A_553 : memref<1x128xf32, #tpu.memory_space<hbm>> -> memref<128xf32, #tpu.memory_space<hbm>>
      %dma_start3A_555 = arith.constant 0 : i32
      %dma_start3A_556 = tpu.memref_slice %arg9[%add3A_548, %dma_start3A_555] : memref<256x256xf32, #tpu.memory_space<vmem>> -> memref<1x128xf32, #tpu.memory_space<vmem>>
      %dma_start3A_557 = tpu.memref_squeeze %dma_start3A_556 : memref<1x128xf32, #tpu.memory_space<vmem>> -> memref<128xf32, #tpu.memory_space<vmem>>
      %dma_start3A_558 = arith.constant 0 : i32
      %dma_start3A_559 = tpu.memref_slice %arg4[%squeeze3A_544, %dma_start3A_558] : memref<505856x128xf32, #tpu.memory_space<hbm>> -> memref<1x128xf32, #tpu.memory_space<hbm>>
      %dma_start3A_560 = tpu.memref_squeeze %dma_start3A_559 : memref<1x128xf32, #tpu.memory_space<hbm>> -> memref<128xf32, #tpu.memory_space<hbm>>
      tpu.enqueue_dma source(%dma_start3A_560 : memref<128xf32, #tpu.memory_space<hbm>>) target(%dma_start3A_557 : memref<128xf32, #tpu.memory_space<vmem>>) target_semaphore(%arg10 : memref<!tpu.dma_semaphore, #tpu.memory_space<semaphore_mem>>)
      %slice3A_561 = vector.extract_strided_slice %get3A_41 {offsets = [14], sizes = [1], strides = [1]} : vector<16xi32> to vector<1xi32>
      %squeeze3A_562 = vector.extract %slice3A_561[0] : i32 from vector<1xi32>
      %mul3A_563 = arith.constant 16 : i32
      %mul3A_564 = arith.muli %scan3A_31, %mul3A_563 : i32
      %add3A_565 = arith.constant 14 : i32
      %add3A_566 = arith.addi %mul3A_564, %add3A_565 : i32
      %dma_start3A_567 = arith.constant 128 : i32
      %dma_start3A_568 = tpu.memref_slice %arg9[%add3A_566, %dma_start3A_567] : memref<256x256xf32, #tpu.memory_space<vmem>> -> memref<1x128xf32, #tpu.memory_space<vmem>>
      %dma_start3A_569 = tpu.memref_squeeze %dma_start3A_568 : memref<1x128xf32, #tpu.memory_space<vmem>> -> memref<128xf32, #tpu.memory_space<vmem>>
      %dma_start3A_570 = arith.constant 0 : i32
      %dma_start3A_571 = tpu.memref_slice %arg5[%squeeze3A_562, %dma_start3A_570] : memref<505856x128xf32, #tpu.memory_space<hbm>> -> memref<1x128xf32, #tpu.memory_space<hbm>>
      %dma_start3A_572 = tpu.memref_squeeze %dma_start3A_571 : memref<1x128xf32, #tpu.memory_space<hbm>> -> memref<128xf32, #tpu.memory_space<hbm>>
      %dma_start3A_573 = arith.constant 128 : i32
      %dma_start3A_574 = tpu.memref_slice %arg9[%add3A_566, %dma_start3A_573] : memref<256x256xf32, #tpu.memory_space<vmem>> -> memref<1x128xf32, #tpu.memory_space<vmem>>
      %dma_start3A_575 = tpu.memref_squeeze %dma_start3A_574 : memref<1x128xf32, #tpu.memory_space<vmem>> -> memref<128xf32, #tpu.memory_space<vmem>>
      %dma_start3A_576 = arith.constant 0 : i32
      %dma_start3A_577 = tpu.memref_slice %arg5[%squeeze3A_562, %dma_start3A_576] : memref<505856x128xf32, #tpu.memory_space<hbm>> -> memref<1x128xf32, #tpu.memory_space<hbm>>
      %dma_start3A_578 = tpu.memref_squeeze %dma_start3A_577 : memref<1x128xf32, #tpu.memory_space<hbm>> -> memref<128xf32, #tpu.memory_space<hbm>>
      tpu.enqueue_dma source(%dma_start3A_578 : memref<128xf32, #tpu.memory_space<hbm>>) target(%dma_start3A_575 : memref<128xf32, #tpu.memory_space<vmem>>) target_semaphore(%arg10 : memref<!tpu.dma_semaphore, #tpu.memory_space<semaphore_mem>>)
      %slice3A_579 = vector.extract_strided_slice %get3A_38 {offsets = [15], sizes = [1], strides = [1]} : vector<16xi32> to vector<1xi32>
      %squeeze3A_580 = vector.extract %slice3A_579[0] : i32 from vector<1xi32>
      %mul3A_581 = arith.constant 16 : i32
      %mul3A_582 = arith.muli %scan3A_31, %mul3A_581 : i32
      %add3A_583 = arith.constant 15 : i32
      %add3A_584 = arith.addi %mul3A_582, %add3A_583 : i32
      %dma_start3A_585 = arith.constant 0 : i32
      %dma_start3A_586 = tpu.memref_slice %arg9[%add3A_584, %dma_start3A_585] : memref<256x256xf32, #tpu.memory_space<vmem>> -> memref<1x128xf32, #tpu.memory_space<vmem>>
      %dma_start3A_587 = tpu.memref_squeeze %dma_start3A_586 : memref<1x128xf32, #tpu.memory_space<vmem>> -> memref<128xf32, #tpu.memory_space<vmem>>
      %dma_start3A_588 = arith.constant 0 : i32
      %dma_start3A_589 = tpu.memref_slice %arg4[%squeeze3A_580, %dma_start3A_588] : memref<505856x128xf32, #tpu.memory_space<hbm>> -> memref<1x128xf32, #tpu.memory_space<hbm>>
      %dma_start3A_590 = tpu.memref_squeeze %dma_start3A_589 : memref<1x128xf32, #tpu.memory_space<hbm>> -> memref<128xf32, #tpu.memory_space<hbm>>
      %dma_start3A_591 = arith.constant 0 : i32
      %dma_start3A_592 = tpu.memref_slice %arg9[%add3A_584, %dma_start3A_591] : memref<256x256xf32, #tpu.memory_space<vmem>> -> memref<1x128xf32, #tpu.memory_space<vmem>>
      %dma_start3A_593 = tpu.memref_squeeze %dma_start3A_592 : memref<1x128xf32, #tpu.memory_space<vmem>> -> memref<128xf32, #tpu.memory_space<vmem>>
      %dma_start3A_594 = arith.constant 0 : i32
      %dma_start3A_595 = tpu.memref_slice %arg4[%squeeze3A_580, %dma_start3A_594] : memref<505856x128xf32, #tpu.memory_space<hbm>> -> memref<1x128xf32, #tpu.memory_space<hbm>>
      %dma_start3A_596 = tpu.memref_squeeze %dma_start3A_595 : memref<1x128xf32, #tpu.memory_space<hbm>> -> memref<128xf32, #tpu.memory_space<hbm>>
      tpu.enqueue_dma source(%dma_start3A_596 : memref<128xf32, #tpu.memory_space<hbm>>) target(%dma_start3A_593 : memref<128xf32, #tpu.memory_space<vmem>>) target_semaphore(%arg10 : memref<!tpu.dma_semaphore, #tpu.memory_space<semaphore_mem>>)
      %slice3A_597 = vector.extract_strided_slice %get3A_41 {offsets = [15], sizes = [1], strides = [1]} : vector<16xi32> to vector<1xi32>
      %squeeze3A_598 = vector.extract %slice3A_597[0] : i32 from vector<1xi32>
      %mul3A_599 = arith.constant 16 : i32
      %mul3A_600 = arith.muli %scan3A_31, %mul3A_599 : i32
      %add3A_601 = arith.constant 15 : i32
      %add3A_602 = arith.addi %mul3A_600, %add3A_601 : i32
      %dma_start3A_603 = arith.constant 128 : i32
      %dma_start3A_604 = tpu.memref_slice %arg9[%add3A_602, %dma_start3A_603] : memref<256x256xf32, #tpu.memory_space<vmem>> -> memref<1x128xf32, #tpu.memory_space<vmem>>
      %dma_start3A_605 = tpu.memref_squeeze %dma_start3A_604 : memref<1x128xf32, #tpu.memory_space<vmem>> -> memref<128xf32, #tpu.memory_space<vmem>>
      %dma_start3A_606 = arith.constant 0 : i32
      %dma_start3A_607 = tpu.memref_slice %arg5[%squeeze3A_598, %dma_start3A_606] : memref<505856x128xf32, #tpu.memory_space<hbm>> -> memref<1x128xf32, #tpu.memory_space<hbm>>
      %dma_start3A_608 = tpu.memref_squeeze %dma_start3A_607 : memref<1x128xf32, #tpu.memory_space<hbm>> -> memref<128xf32, #tpu.memory_space<hbm>>
      %dma_start3A_609 = arith.constant 128 : i32
      %dma_start3A_610 = tpu.memref_slice %arg9[%add3A_602, %dma_start3A_609] : memref<256x256xf32, #tpu.memory_space<vmem>> -> memref<1x128xf32, #tpu.memory_space<vmem>>
      %dma_start3A_611 = tpu.memref_squeeze %dma_start3A_610 : memref<1x128xf32, #tpu.memory_space<vmem>> -> memref<128xf32, #tpu.memory_space<vmem>>
      %dma_start3A_612 = arith.constant 0 : i32
      %dma_start3A_613 = tpu.memref_slice %arg5[%squeeze3A_598, %dma_start3A_612] : memref<505856x128xf32, #tpu.memory_space<hbm>> -> memref<1x128xf32, #tpu.memory_space<hbm>>
      %dma_start3A_614 = tpu.memref_squeeze %dma_start3A_613 : memref<1x128xf32, #tpu.memory_space<hbm>> -> memref<128xf32, #tpu.memory_space<hbm>>
      tpu.enqueue_dma source(%dma_start3A_614 : memref<128xf32, #tpu.memory_space<hbm>>) target(%dma_start3A_611 : memref<128xf32, #tpu.memory_space<vmem>>) target_semaphore(%arg10 : memref<!tpu.dma_semaphore, #tpu.memory_space<semaphore_mem>>)
      %scan3A_615 = arith.constant 0 : i32
      scf.yield %scan3A_615 : i32
    }
    %scan3A_8 = arith.constant 16 : i32
    %dma_wait3A = arith.constant 0 : i32
    %dma_wait3A_9 = arith.constant 0 : i32
    %dma_wait3A_10 = tpu.memref_slice %arg6[%dma_wait3A, %dma_wait3A_9] : memref<16384x256xf32, #tpu.memory_space<hbm>> -> memref<256x256xf32, #tpu.memory_space<hbm>>
    %dma_wait3A_11 = arith.constant 0 : i32
    %dma_wait3A_12 = arith.constant 0 : i32
    %dma_wait3A_13 = tpu.memref_slice %arg6[%dma_wait3A_11, %dma_wait3A_12] : memref<16384x256xf32, #tpu.memory_space<hbm>> -> memref<256x256xf32, #tpu.memory_space<hbm>>
    tpu.wait_dma2 semaphore(%arg10 : memref<!tpu.dma_semaphore, #tpu.memory_space<semaphore_mem>>) src(%dma_wait3A_13 : memref<256x256xf32, #tpu.memory_space<hbm>>) dst(%arg9 : memref<256x256xf32, #tpu.memory_space<vmem>>)
    %add3A_14 = arith.constant 0 : i32
    %add3A_15 = arith.addi %mul3A_2, %add3A_14 : i32
    "tpu.region"() ({
      %run_scoped3A = tpu.sem_alloc : memref<!tpu.dma_semaphore, #tpu.memory_space<semaphore_mem>>
      %dma_start3A = arith.constant 0 : i32
      %dma_start3A_31 = tpu.memref_slice %arg6[%add3A_15, %dma_start3A] : memref<16384x256xf32, #tpu.memory_space<hbm>> -> memref<256x256xf32, #tpu.memory_space<hbm>>
      %dma_start3A_32 = arith.constant 0 : i32
      %dma_start3A_33 = tpu.memref_slice %arg6[%add3A_15, %dma_start3A_32] : memref<16384x256xf32, #tpu.memory_space<hbm>> -> memref<256x256xf32, #tpu.memory_space<hbm>>
      tpu.enqueue_dma source(%arg9 : memref<256x256xf32, #tpu.memory_space<vmem>>) target(%dma_start3A_33 : memref<256x256xf32, #tpu.memory_space<hbm>>) target_semaphore(%run_scoped3A : memref<!tpu.dma_semaphore, #tpu.memory_space<semaphore_mem>>)
      %dma_wait3A_34 = arith.constant 0 : i32
      %dma_wait3A_35 = tpu.memref_slice %arg6[%add3A_15, %dma_wait3A_34] : memref<16384x256xf32, #tpu.memory_space<hbm>> -> memref<256x256xf32, #tpu.memory_space<hbm>>
      %dma_wait3A_36 = arith.constant 0 : i32
      %dma_wait3A_37 = tpu.memref_slice %arg6[%add3A_15, %dma_wait3A_36] : memref<16384x256xf32, #tpu.memory_space<hbm>> -> memref<256x256xf32, #tpu.memory_space<hbm>>
      tpu.wait_dma2 semaphore(%run_scoped3A : memref<!tpu.dma_semaphore, #tpu.memory_space<semaphore_mem>>) src(%arg9 : memref<256x256xf32, #tpu.memory_space<vmem>>) dst(%dma_wait3A_37 : memref<256x256xf32, #tpu.memory_space<hbm>>)
      tpu.yield
    }) : () -> ()
    %scan3A_16 = arith.constant 0 : i32
    %scan3A_17 = arith.constant 0 : i32
    %scan3A_18 = arith.constant 16 : i32
    %scan3A_19 = arith.addi %scan3A_17, %scan3A_18 : i32
    %scan3A_20 = arith.constant 1 : i32
    %scan3A_21 = scf.for %scan3A_31 = %scan3A_17 to %scan3A_19 step %scan3A_20 iter_args(%scan3A_32 = %scan3A_16) -> (i32)  : i32 {
      %mul3A_33 = arith.constant 16 : i32
      %mul3A_34 = arith.muli %scan3A_31, %mul3A_33 : i32
      %add3A_35 = arith.constant 256 : i32
      %add3A_36 = arith.addi %add3A_35, %mul3A_34 : i32
      %get3A = arith.index_cast %add3A_36 : i32 to index
      %get3A_37 = tpu.vector_load %arg7[%get3A] {strides = array<i32>} : memref<512xi32, #tpu.memory_space<vmem>>, vector<16xi32>,
      %get3A_38 = vector.shape_cast %get3A_37 : vector<16xi32> to vector<16xi32>
      %get3A_39 = arith.index_cast %add3A_36 : i32 to index
      %get3A_40 = tpu.vector_load %arg8[%get3A_39] {strides = array<i32>} : memref<512xi32, #tpu.memory_space<vmem>>, vector<16xi32>,
      %get3A_41 = vector.shape_cast %get3A_40 : vector<16xi32> to vector<16xi32>
      %slice3A = vector.extract_strided_slice %get3A_38 {offsets = [0], sizes = [1], strides = [1]} : vector<16xi32> to vector<1xi32>
      %squeeze3A = vector.extract %slice3A[0] : i32 from vector<1xi32>
      %mul3A_42 = arith.constant 16 : i32
      %mul3A_43 = arith.muli %scan3A_31, %mul3A_42 : i32
      %add3A_44 = arith.constant 0 : i32
      %add3A_45 = arith.addi %mul3A_43, %add3A_44 : i32
      %dma_start3A = arith.constant 0 : i32
      %dma_start3A_46 = tpu.memref_slice %arg9[%add3A_45, %dma_start3A] : memref<256x256xf32, #tpu.memory_space<vmem>> -> memref<1x128xf32, #tpu.memory_space<vmem>>
      %dma_start3A_47 = tpu.memref_squeeze %dma_start3A_46 : memref<1x128xf32, #tpu.memory_space<vmem>> -> memref<128xf32, #tpu.memory_space<vmem>>
      %dma_start3A_48 = arith.constant 0 : i32
      %dma_start3A_49 = tpu.memref_slice %arg4[%squeeze3A, %dma_start3A_48] : memref<505856x128xf32, #tpu.memory_space<hbm>> -> memref<1x128xf32, #tpu.memory_space<hbm>>
      %dma_start3A_50 = tpu.memref_squeeze %dma_start3A_49 : memref<1x128xf32, #tpu.memory_space<hbm>> -> memref<128xf32, #tpu.memory_space<hbm>>
      %dma_start3A_51 = arith.constant 0 : i32
      %dma_start3A_52 = tpu.memref_slice %arg9[%add3A_45, %dma_start3A_51] : memref<256x256xf32, #tpu.memory_space<vmem>> -> memref<1x128xf32, #tpu.memory_space<vmem>>
      %dma_start3A_53 = tpu.memref_squeeze %dma_start3A_52 : memref<1x128xf32, #tpu.memory_space<vmem>> -> memref<128xf32, #tpu.memory_space<vmem>>
      %dma_start3A_54 = arith.constant 0 : i32
      %dma_start3A_55 = tpu.memref_slice %arg4[%squeeze3A, %dma_start3A_54] : memref<505856x128xf32, #tpu.memory_space<hbm>> -> memref<1x128xf32, #tpu.memory_space<hbm>>
      %dma_start3A_56 = tpu.memref_squeeze %dma_start3A_55 : memref<1x128xf32, #tpu.memory_space<hbm>> -> memref<128xf32, #tpu.memory_space<hbm>>
      tpu.enqueue_dma source(%dma_start3A_56 : memref<128xf32, #tpu.memory_space<hbm>>) target(%dma_start3A_53 : memref<128xf32, #tpu.memory_space<vmem>>) target_semaphore(%arg10 : memref<!tpu.dma_semaphore, #tpu.memory_space<semaphore_mem>>)
      %slice3A_57 = vector.extract_strided_slice %get3A_41 {offsets = [0], sizes = [1], strides = [1]} : vector<16xi32> to vector<1xi32>
      %squeeze3A_58 = vector.extract %slice3A_57[0] : i32 from vector<1xi32>
      %mul3A_59 = arith.constant 16 : i32
      %mul3A_60 = arith.muli %scan3A_31, %mul3A_59 : i32
      %add3A_61 = arith.constant 0 : i32
      %add3A_62 = arith.addi %mul3A_60, %add3A_61 : i32
      %dma_start3A_63 = arith.constant 128 : i32
      %dma_start3A_64 = tpu.memref_slice %arg9[%add3A_62, %dma_start3A_63] : memref<256x256xf32, #tpu.memory_space<vmem>> -> memref<1x128xf32, #tpu.memory_space<vmem>>
      %dma_start3A_65 = tpu.memref_squeeze %dma_start3A_64 : memref<1x128xf32, #tpu.memory_space<vmem>> -> memref<128xf32, #tpu.memory_space<vmem>>
      %dma_start3A_66 = arith.constant 0 : i32
      %dma_start3A_67 = tpu.memref_slice %arg5[%squeeze3A_58, %dma_start3A_66] : memref<505856x128xf32, #tpu.memory_space<hbm>> -> memref<1x128xf32, #tpu.memory_space<hbm>>
      %dma_start3A_68 = tpu.memref_squeeze %dma_start3A_67 : memref<1x128xf32, #tpu.memory_space<hbm>> -> memref<128xf32, #tpu.memory_space<hbm>>
      %dma_start3A_69 = arith.constant 128 : i32
      %dma_start3A_70 = tpu.memref_slice %arg9[%add3A_62, %dma_start3A_69] : memref<256x256xf32, #tpu.memory_space<vmem>> -> memref<1x128xf32, #tpu.memory_space<vmem>>
      %dma_start3A_71 = tpu.memref_squeeze %dma_start3A_70 : memref<1x128xf32, #tpu.memory_space<vmem>> -> memref<128xf32, #tpu.memory_space<vmem>>
      %dma_start3A_72 = arith.constant 0 : i32
      %dma_start3A_73 = tpu.memref_slice %arg5[%squeeze3A_58, %dma_start3A_72] : memref<505856x128xf32, #tpu.memory_space<hbm>> -> memref<1x128xf32, #tpu.memory_space<hbm>>
      %dma_start3A_74 = tpu.memref_squeeze %dma_start3A_73 : memref<1x128xf32, #tpu.memory_space<hbm>> -> memref<128xf32, #tpu.memory_space<hbm>>
      tpu.enqueue_dma source(%dma_start3A_74 : memref<128xf32, #tpu.memory_space<hbm>>) target(%dma_start3A_71 : memref<128xf32, #tpu.memory_space<vmem>>) target_semaphore(%arg10 : memref<!tpu.dma_semaphore, #tpu.memory_space<semaphore_mem>>)
      %slice3A_75 = vector.extract_strided_slice %get3A_38 {offsets = [1], sizes = [1], strides = [1]} : vector<16xi32> to vector<1xi32>
      %squeeze3A_76 = vector.extract %slice3A_75[0] : i32 from vector<1xi32>
      %mul3A_77 = arith.constant 16 : i32
      %mul3A_78 = arith.muli %scan3A_31, %mul3A_77 : i32
      %add3A_79 = arith.constant 1 : i32
      %add3A_80 = arith.addi %mul3A_78, %add3A_79 : i32
      %dma_start3A_81 = arith.constant 0 : i32
      %dma_start3A_82 = tpu.memref_slice %arg9[%add3A_80, %dma_start3A_81] : memref<256x256xf32, #tpu.memory_space<vmem>> -> memref<1x128xf32, #tpu.memory_space<vmem>>
      %dma_start3A_83 = tpu.memref_squeeze %dma_start3A_82 : memref<1x128xf32, #tpu.memory_space<vmem>> -> memref<128xf32, #tpu.memory_space<vmem>>
      %dma_start3A_84 = arith.constant 0 : i32
      %dma_start3A_85 = tpu.memref_slice %arg4[%squeeze3A_76, %dma_start3A_84] : memref<505856x128xf32, #tpu.memory_space<hbm>> -> memref<1x128xf32, #tpu.memory_space<hbm>>
      %dma_start3A_86 = tpu.memref_squeeze %dma_start3A_85 : memref<1x128xf32, #tpu.memory_space<hbm>> -> memref<128xf32, #tpu.memory_space<hbm>>
      %dma_start3A_87 = arith.constant 0 : i32
      %dma_start3A_88 = tpu.memref_slice %arg9[%add3A_80, %dma_start3A_87] : memref<256x256xf32, #tpu.memory_space<vmem>> -> memref<1x128xf32, #tpu.memory_space<vmem>>
      %dma_start3A_89 = tpu.memref_squeeze %dma_start3A_88 : memref<1x128xf32, #tpu.memory_space<vmem>> -> memref<128xf32, #tpu.memory_space<vmem>>
      %dma_start3A_90 = arith.constant 0 : i32
      %dma_start3A_91 = tpu.memref_slice %arg4[%squeeze3A_76, %dma_start3A_90] : memref<505856x128xf32, #tpu.memory_space<hbm>> -> memref<1x128xf32, #tpu.memory_space<hbm>>
      %dma_start3A_92 = tpu.memref_squeeze %dma_start3A_91 : memref<1x128xf32, #tpu.memory_space<hbm>> -> memref<128xf32, #tpu.memory_space<hbm>>
      tpu.enqueue_dma source(%dma_start3A_92 : memref<128xf32, #tpu.memory_space<hbm>>) target(%dma_start3A_89 : memref<128xf32, #tpu.memory_space<vmem>>) target_semaphore(%arg10 : memref<!tpu.dma_semaphore, #tpu.memory_space<semaphore_mem>>)
      %slice3A_93 = vector.extract_strided_slice %get3A_41 {offsets = [1], sizes = [1], strides = [1]} : vector<16xi32> to vector<1xi32>
      %squeeze3A_94 = vector.extract %slice3A_93[0] : i32 from vector<1xi32>
      %mul3A_95 = arith.constant 16 : i32
      %mul3A_96 = arith.muli %scan3A_31, %mul3A_95 : i32
      %add3A_97 = arith.constant 1 : i32
      %add3A_98 = arith.addi %mul3A_96, %add3A_97 : i32
      %dma_start3A_99 = arith.constant 128 : i32
      %dma_start3A_100 = tpu.memref_slice %arg9[%add3A_98, %dma_start3A_99] : memref<256x256xf32, #tpu.memory_space<vmem>> -> memref<1x128xf32, #tpu.memory_space<vmem>>
      %dma_start3A_101 = tpu.memref_squeeze %dma_start3A_100 : memref<1x128xf32, #tpu.memory_space<vmem>> -> memref<128xf32, #tpu.memory_space<vmem>>
      %dma_start3A_102 = arith.constant 0 : i32
      %dma_start3A_103 = tpu.memref_slice %arg5[%squeeze3A_94, %dma_start3A_102] : memref<505856x128xf32, #tpu.memory_space<hbm>> -> memref<1x128xf32, #tpu.memory_space<hbm>>
      %dma_start3A_104 = tpu.memref_squeeze %dma_start3A_103 : memref<1x128xf32, #tpu.memory_space<hbm>> -> memref<128xf32, #tpu.memory_space<hbm>>
      %dma_start3A_105 = arith.constant 128 : i32
      %dma_start3A_106 = tpu.memref_slice %arg9[%add3A_98, %dma_start3A_105] : memref<256x256xf32, #tpu.memory_space<vmem>> -> memref<1x128xf32, #tpu.memory_space<vmem>>
      %dma_start3A_107 = tpu.memref_squeeze %dma_start3A_106 : memref<1x128xf32, #tpu.memory_space<vmem>> -> memref<128xf32, #tpu.memory_space<vmem>>
      %dma_start3A_108 = arith.constant 0 : i32
      %dma_start3A_109 = tpu.memref_slice %arg5[%squeeze3A_94, %dma_start3A_108] : memref<505856x128xf32, #tpu.memory_space<hbm>> -> memref<1x128xf32, #tpu.memory_space<hbm>>
      %dma_start3A_110 = tpu.memref_squeeze %dma_start3A_109 : memref<1x128xf32, #tpu.memory_space<hbm>> -> memref<128xf32, #tpu.memory_space<hbm>>
      tpu.enqueue_dma source(%dma_start3A_110 : memref<128xf32, #tpu.memory_space<hbm>>) target(%dma_start3A_107 : memref<128xf32, #tpu.memory_space<vmem>>) target_semaphore(%arg10 : memref<!tpu.dma_semaphore, #tpu.memory_space<semaphore_mem>>)
      %slice3A_111 = vector.extract_strided_slice %get3A_38 {offsets = [2], sizes = [1], strides = [1]} : vector<16xi32> to vector<1xi32>
      %squeeze3A_112 = vector.extract %slice3A_111[0] : i32 from vector<1xi32>
      %mul3A_113 = arith.constant 16 : i32
      %mul3A_114 = arith.muli %scan3A_31, %mul3A_113 : i32
      %add3A_115 = arith.constant 2 : i32
      %add3A_116 = arith.addi %mul3A_114, %add3A_115 : i32
      %dma_start3A_117 = arith.constant 0 : i32
      %dma_start3A_118 = tpu.memref_slice %arg9[%add3A_116, %dma_start3A_117] : memref<256x256xf32, #tpu.memory_space<vmem>> -> memref<1x128xf32, #tpu.memory_space<vmem>>
      %dma_start3A_119 = tpu.memref_squeeze %dma_start3A_118 : memref<1x128xf32, #tpu.memory_space<vmem>> -> memref<128xf32, #tpu.memory_space<vmem>>
      %dma_start3A_120 = arith.constant 0 : i32
      %dma_start3A_121 = tpu.memref_slice %arg4[%squeeze3A_112, %dma_start3A_120] : memref<505856x128xf32, #tpu.memory_space<hbm>> -> memref<1x128xf32, #tpu.memory_space<hbm>>
      %dma_start3A_122 = tpu.memref_squeeze %dma_start3A_121 : memref<1x128xf32, #tpu.memory_space<hbm>> -> memref<128xf32, #tpu.memory_space<hbm>>
      %dma_start3A_123 = arith.constant 0 : i32
      %dma_start3A_124 = tpu.memref_slice %arg9[%add3A_116, %dma_start3A_123] : memref<256x256xf32, #tpu.memory_space<vmem>> -> memref<1x128xf32, #tpu.memory_space<vmem>>
      %dma_start3A_125 = tpu.memref_squeeze %dma_start3A_124 : memref<1x128xf32, #tpu.memory_space<vmem>> -> memref<128xf32, #tpu.memory_space<vmem>>
      %dma_start3A_126 = arith.constant 0 : i32
      %dma_start3A_127 = tpu.memref_slice %arg4[%squeeze3A_112, %dma_start3A_126] : memref<505856x128xf32, #tpu.memory_space<hbm>> -> memref<1x128xf32, #tpu.memory_space<hbm>>
      %dma_start3A_128 = tpu.memref_squeeze %dma_start3A_127 : memref<1x128xf32, #tpu.memory_space<hbm>> -> memref<128xf32, #tpu.memory_space<hbm>>
      tpu.enqueue_dma source(%dma_start3A_128 : memref<128xf32, #tpu.memory_space<hbm>>) target(%dma_start3A_125 : memref<128xf32, #tpu.memory_space<vmem>>) target_semaphore(%arg10 : memref<!tpu.dma_semaphore, #tpu.memory_space<semaphore_mem>>)
      %slice3A_129 = vector.extract_strided_slice %get3A_41 {offsets = [2], sizes = [1], strides = [1]} : vector<16xi32> to vector<1xi32>
      %squeeze3A_130 = vector.extract %slice3A_129[0] : i32 from vector<1xi32>
      %mul3A_131 = arith.constant 16 : i32
      %mul3A_132 = arith.muli %scan3A_31, %mul3A_131 : i32
      %add3A_133 = arith.constant 2 : i32
      %add3A_134 = arith.addi %mul3A_132, %add3A_133 : i32
      %dma_start3A_135 = arith.constant 128 : i32
      %dma_start3A_136 = tpu.memref_slice %arg9[%add3A_134, %dma_start3A_135] : memref<256x256xf32, #tpu.memory_space<vmem>> -> memref<1x128xf32, #tpu.memory_space<vmem>>
      %dma_start3A_137 = tpu.memref_squeeze %dma_start3A_136 : memref<1x128xf32, #tpu.memory_space<vmem>> -> memref<128xf32, #tpu.memory_space<vmem>>
      %dma_start3A_138 = arith.constant 0 : i32
      %dma_start3A_139 = tpu.memref_slice %arg5[%squeeze3A_130, %dma_start3A_138] : memref<505856x128xf32, #tpu.memory_space<hbm>> -> memref<1x128xf32, #tpu.memory_space<hbm>>
      %dma_start3A_140 = tpu.memref_squeeze %dma_start3A_139 : memref<1x128xf32, #tpu.memory_space<hbm>> -> memref<128xf32, #tpu.memory_space<hbm>>
      %dma_start3A_141 = arith.constant 128 : i32
      %dma_start3A_142 = tpu.memref_slice %arg9[%add3A_134, %dma_start3A_141] : memref<256x256xf32, #tpu.memory_space<vmem>> -> memref<1x128xf32, #tpu.memory_space<vmem>>
      %dma_start3A_143 = tpu.memref_squeeze %dma_start3A_142 : memref<1x128xf32, #tpu.memory_space<vmem>> -> memref<128xf32, #tpu.memory_space<vmem>>
      %dma_start3A_144 = arith.constant 0 : i32
      %dma_start3A_145 = tpu.memref_slice %arg5[%squeeze3A_130, %dma_start3A_144] : memref<505856x128xf32, #tpu.memory_space<hbm>> -> memref<1x128xf32, #tpu.memory_space<hbm>>
      %dma_start3A_146 = tpu.memref_squeeze %dma_start3A_145 : memref<1x128xf32, #tpu.memory_space<hbm>> -> memref<128xf32, #tpu.memory_space<hbm>>
      tpu.enqueue_dma source(%dma_start3A_146 : memref<128xf32, #tpu.memory_space<hbm>>) target(%dma_start3A_143 : memref<128xf32, #tpu.memory_space<vmem>>) target_semaphore(%arg10 : memref<!tpu.dma_semaphore, #tpu.memory_space<semaphore_mem>>)
      %slice3A_147 = vector.extract_strided_slice %get3A_38 {offsets = [3], sizes = [1], strides = [1]} : vector<16xi32> to vector<1xi32>
      %squeeze3A_148 = vector.extract %slice3A_147[0] : i32 from vector<1xi32>
      %mul3A_149 = arith.constant 16 : i32
      %mul3A_150 = arith.muli %scan3A_31, %mul3A_149 : i32
      %add3A_151 = arith.constant 3 : i32
      %add3A_152 = arith.addi %mul3A_150, %add3A_151 : i32
      %dma_start3A_153 = arith.constant 0 : i32
      %dma_start3A_154 = tpu.memref_slice %arg9[%add3A_152, %dma_start3A_153] : memref<256x256xf32, #tpu.memory_space<vmem>> -> memref<1x128xf32, #tpu.memory_space<vmem>>
      %dma_start3A_155 = tpu.memref_squeeze %dma_start3A_154 : memref<1x128xf32, #tpu.memory_space<vmem>> -> memref<128xf32, #tpu.memory_space<vmem>>
      %dma_start3A_156 = arith.constant 0 : i32
      %dma_start3A_157 = tpu.memref_slice %arg4[%squeeze3A_148, %dma_start3A_156] : memref<505856x128xf32, #tpu.memory_space<hbm>> -> memref<1x128xf32, #tpu.memory_space<hbm>>
      %dma_start3A_158 = tpu.memref_squeeze %dma_start3A_157 : memref<1x128xf32, #tpu.memory_space<hbm>> -> memref<128xf32, #tpu.memory_space<hbm>>
      %dma_start3A_159 = arith.constant 0 : i32
      %dma_start3A_160 = tpu.memref_slice %arg9[%add3A_152, %dma_start3A_159] : memref<256x256xf32, #tpu.memory_space<vmem>> -> memref<1x128xf32, #tpu.memory_space<vmem>>
      %dma_start3A_161 = tpu.memref_squeeze %dma_start3A_160 : memref<1x128xf32, #tpu.memory_space<vmem>> -> memref<128xf32, #tpu.memory_space<vmem>>
      %dma_start3A_162 = arith.constant 0 : i32
      %dma_start3A_163 = tpu.memref_slice %arg4[%squeeze3A_148, %dma_start3A_162] : memref<505856x128xf32, #tpu.memory_space<hbm>> -> memref<1x128xf32, #tpu.memory_space<hbm>>
      %dma_start3A_164 = tpu.memref_squeeze %dma_start3A_163 : memref<1x128xf32, #tpu.memory_space<hbm>> -> memref<128xf32, #tpu.memory_space<hbm>>
      tpu.enqueue_dma source(%dma_start3A_164 : memref<128xf32, #tpu.memory_space<hbm>>) target(%dma_start3A_161 : memref<128xf32, #tpu.memory_space<vmem>>) target_semaphore(%arg10 : memref<!tpu.dma_semaphore, #tpu.memory_space<semaphore_mem>>)
      %slice3A_165 = vector.extract_strided_slice %get3A_41 {offsets = [3], sizes = [1], strides = [1]} : vector<16xi32> to vector<1xi32>
      %squeeze3A_166 = vector.extract %slice3A_165[0] : i32 from vector<1xi32>
      %mul3A_167 = arith.constant 16 : i32
      %mul3A_168 = arith.muli %scan3A_31, %mul3A_167 : i32
      %add3A_169 = arith.constant 3 : i32
      %add3A_170 = arith.addi %mul3A_168, %add3A_169 : i32
      %dma_start3A_171 = arith.constant 128 : i32
      %dma_start3A_172 = tpu.memref_slice %arg9[%add3A_170, %dma_start3A_171] : memref<256x256xf32, #tpu.memory_space<vmem>> -> memref<1x128xf32, #tpu.memory_space<vmem>>
      %dma_start3A_173 = tpu.memref_squeeze %dma_start3A_172 : memref<1x128xf32, #tpu.memory_space<vmem>> -> memref<128xf32, #tpu.memory_space<vmem>>
      %dma_start3A_174 = arith.constant 0 : i32
      %dma_start3A_175 = tpu.memref_slice %arg5[%squeeze3A_166, %dma_start3A_174] : memref<505856x128xf32, #tpu.memory_space<hbm>> -> memref<1x128xf32, #tpu.memory_space<hbm>>
      %dma_start3A_176 = tpu.memref_squeeze %dma_start3A_175 : memref<1x128xf32, #tpu.memory_space<hbm>> -> memref<128xf32, #tpu.memory_space<hbm>>
      %dma_start3A_177 = arith.constant 128 : i32
      %dma_start3A_178 = tpu.memref_slice %arg9[%add3A_170, %dma_start3A_177] : memref<256x256xf32, #tpu.memory_space<vmem>> -> memref<1x128xf32, #tpu.memory_space<vmem>>
      %dma_start3A_179 = tpu.memref_squeeze %dma_start3A_178 : memref<1x128xf32, #tpu.memory_space<vmem>> -> memref<128xf32, #tpu.memory_space<vmem>>
      %dma_start3A_180 = arith.constant 0 : i32
      %dma_start3A_181 = tpu.memref_slice %arg5[%squeeze3A_166, %dma_start3A_180] : memref<505856x128xf32, #tpu.memory_space<hbm>> -> memref<1x128xf32, #tpu.memory_space<hbm>>
      %dma_start3A_182 = tpu.memref_squeeze %dma_start3A_181 : memref<1x128xf32, #tpu.memory_space<hbm>> -> memref<128xf32, #tpu.memory_space<hbm>>
      tpu.enqueue_dma source(%dma_start3A_182 : memref<128xf32, #tpu.memory_space<hbm>>) target(%dma_start3A_179 : memref<128xf32, #tpu.memory_space<vmem>>) target_semaphore(%arg10 : memref<!tpu.dma_semaphore, #tpu.memory_space<semaphore_mem>>)
      %slice3A_183 = vector.extract_strided_slice %get3A_38 {offsets = [4], sizes = [1], strides = [1]} : vector<16xi32> to vector<1xi32>
      %squeeze3A_184 = vector.extract %slice3A_183[0] : i32 from vector<1xi32>
      %mul3A_185 = arith.constant 16 : i32
      %mul3A_186 = arith.muli %scan3A_31, %mul3A_185 : i32
      %add3A_187 = arith.constant 4 : i32
      %add3A_188 = arith.addi %mul3A_186, %add3A_187 : i32
      %dma_start3A_189 = arith.constant 0 : i32
      %dma_start3A_190 = tpu.memref_slice %arg9[%add3A_188, %dma_start3A_189] : memref<256x256xf32, #tpu.memory_space<vmem>> -> memref<1x128xf32, #tpu.memory_space<vmem>>
      %dma_start3A_191 = tpu.memref_squeeze %dma_start3A_190 : memref<1x128xf32, #tpu.memory_space<vmem>> -> memref<128xf32, #tpu.memory_space<vmem>>
      %dma_start3A_192 = arith.constant 0 : i32
      %dma_start3A_193 = tpu.memref_slice %arg4[%squeeze3A_184, %dma_start3A_192] : memref<505856x128xf32, #tpu.memory_space<hbm>> -> memref<1x128xf32, #tpu.memory_space<hbm>>
      %dma_start3A_194 = tpu.memref_squeeze %dma_start3A_193 : memref<1x128xf32, #tpu.memory_space<hbm>> -> memref<128xf32, #tpu.memory_space<hbm>>
      %dma_start3A_195 = arith.constant 0 : i32
      %dma_start3A_196 = tpu.memref_slice %arg9[%add3A_188, %dma_start3A_195] : memref<256x256xf32, #tpu.memory_space<vmem>> -> memref<1x128xf32, #tpu.memory_space<vmem>>
      %dma_start3A_197 = tpu.memref_squeeze %dma_start3A_196 : memref<1x128xf32, #tpu.memory_space<vmem>> -> memref<128xf32, #tpu.memory_space<vmem>>
      %dma_start3A_198 = arith.constant 0 : i32
      %dma_start3A_199 = tpu.memref_slice %arg4[%squeeze3A_184, %dma_start3A_198] : memref<505856x128xf32, #tpu.memory_space<hbm>> -> memref<1x128xf32, #tpu.memory_space<hbm>>
      %dma_start3A_200 = tpu.memref_squeeze %dma_start3A_199 : memref<1x128xf32, #tpu.memory_space<hbm>> -> memref<128xf32, #tpu.memory_space<hbm>>
      tpu.enqueue_dma source(%dma_start3A_200 : memref<128xf32, #tpu.memory_space<hbm>>) target(%dma_start3A_197 : memref<128xf32, #tpu.memory_space<vmem>>) target_semaphore(%arg10 : memref<!tpu.dma_semaphore, #tpu.memory_space<semaphore_mem>>)
      %slice3A_201 = vector.extract_strided_slice %get3A_41 {offsets = [4], sizes = [1], strides = [1]} : vector<16xi32> to vector<1xi32>
      %squeeze3A_202 = vector.extract %slice3A_201[0] : i32 from vector<1xi32>
      %mul3A_203 = arith.constant 16 : i32
      %mul3A_204 = arith.muli %scan3A_31, %mul3A_203 : i32
      %add3A_205 = arith.constant 4 : i32
      %add3A_206 = arith.addi %mul3A_204, %add3A_205 : i32
      %dma_start3A_207 = arith.constant 128 : i32
      %dma_start3A_208 = tpu.memref_slice %arg9[%add3A_206, %dma_start3A_207] : memref<256x256xf32, #tpu.memory_space<vmem>> -> memref<1x128xf32, #tpu.memory_space<vmem>>
      %dma_start3A_209 = tpu.memref_squeeze %dma_start3A_208 : memref<1x128xf32, #tpu.memory_space<vmem>> -> memref<128xf32, #tpu.memory_space<vmem>>
      %dma_start3A_210 = arith.constant 0 : i32
      %dma_start3A_211 = tpu.memref_slice %arg5[%squeeze3A_202, %dma_start3A_210] : memref<505856x128xf32, #tpu.memory_space<hbm>> -> memref<1x128xf32, #tpu.memory_space<hbm>>
      %dma_start3A_212 = tpu.memref_squeeze %dma_start3A_211 : memref<1x128xf32, #tpu.memory_space<hbm>> -> memref<128xf32, #tpu.memory_space<hbm>>
      %dma_start3A_213 = arith.constant 128 : i32
      %dma_start3A_214 = tpu.memref_slice %arg9[%add3A_206, %dma_start3A_213] : memref<256x256xf32, #tpu.memory_space<vmem>> -> memref<1x128xf32, #tpu.memory_space<vmem>>
      %dma_start3A_215 = tpu.memref_squeeze %dma_start3A_214 : memref<1x128xf32, #tpu.memory_space<vmem>> -> memref<128xf32, #tpu.memory_space<vmem>>
      %dma_start3A_216 = arith.constant 0 : i32
      %dma_start3A_217 = tpu.memref_slice %arg5[%squeeze3A_202, %dma_start3A_216] : memref<505856x128xf32, #tpu.memory_space<hbm>> -> memref<1x128xf32, #tpu.memory_space<hbm>>
      %dma_start3A_218 = tpu.memref_squeeze %dma_start3A_217 : memref<1x128xf32, #tpu.memory_space<hbm>> -> memref<128xf32, #tpu.memory_space<hbm>>
      tpu.enqueue_dma source(%dma_start3A_218 : memref<128xf32, #tpu.memory_space<hbm>>) target(%dma_start3A_215 : memref<128xf32, #tpu.memory_space<vmem>>) target_semaphore(%arg10 : memref<!tpu.dma_semaphore, #tpu.memory_space<semaphore_mem>>)
      %slice3A_219 = vector.extract_strided_slice %get3A_38 {offsets = [5], sizes = [1], strides = [1]} : vector<16xi32> to vector<1xi32>
      %squeeze3A_220 = vector.extract %slice3A_219[0] : i32 from vector<1xi32>
      %mul3A_221 = arith.constant 16 : i32
      %mul3A_222 = arith.muli %scan3A_31, %mul3A_221 : i32
      %add3A_223 = arith.constant 5 : i32
      %add3A_224 = arith.addi %mul3A_222, %add3A_223 : i32
      %dma_start3A_225 = arith.constant 0 : i32
      %dma_start3A_226 = tpu.memref_slice %arg9[%add3A_224, %dma_start3A_225] : memref<256x256xf32, #tpu.memory_space<vmem>> -> memref<1x128xf32, #tpu.memory_space<vmem>>
      %dma_start3A_227 = tpu.memref_squeeze %dma_start3A_226 : memref<1x128xf32, #tpu.memory_space<vmem>> -> memref<128xf32, #tpu.memory_space<vmem>>
      %dma_start3A_228 = arith.constant 0 : i32
      %dma_start3A_229 = tpu.memref_slice %arg4[%squeeze3A_220, %dma_start3A_228] : memref<505856x128xf32, #tpu.memory_space<hbm>> -> memref<1x128xf32, #tpu.memory_space<hbm>>
      %dma_start3A_230 = tpu.memref_squeeze %dma_start3A_229 : memref<1x128xf32, #tpu.memory_space<hbm>> -> memref<128xf32, #tpu.memory_space<hbm>>
      %dma_start3A_231 = arith.constant 0 : i32
      %dma_start3A_232 = tpu.memref_slice %arg9[%add3A_224, %dma_start3A_231] : memref<256x256xf32, #tpu.memory_space<vmem>> -> memref<1x128xf32, #tpu.memory_space<vmem>>
      %dma_start3A_233 = tpu.memref_squeeze %dma_start3A_232 : memref<1x128xf32, #tpu.memory_space<vmem>> -> memref<128xf32, #tpu.memory_space<vmem>>
      %dma_start3A_234 = arith.constant 0 : i32
      %dma_start3A_235 = tpu.memref_slice %arg4[%squeeze3A_220, %dma_start3A_234] : memref<505856x128xf32, #tpu.memory_space<hbm>> -> memref<1x128xf32, #tpu.memory_space<hbm>>
      %dma_start3A_236 = tpu.memref_squeeze %dma_start3A_235 : memref<1x128xf32, #tpu.memory_space<hbm>> -> memref<128xf32, #tpu.memory_space<hbm>>
      tpu.enqueue_dma source(%dma_start3A_236 : memref<128xf32, #tpu.memory_space<hbm>>) target(%dma_start3A_233 : memref<128xf32, #tpu.memory_space<vmem>>) target_semaphore(%arg10 : memref<!tpu.dma_semaphore, #tpu.memory_space<semaphore_mem>>)
      %slice3A_237 = vector.extract_strided_slice %get3A_41 {offsets = [5], sizes = [1], strides = [1]} : vector<16xi32> to vector<1xi32>
      %squeeze3A_238 = vector.extract %slice3A_237[0] : i32 from vector<1xi32>
      %mul3A_239 = arith.constant 16 : i32
      %mul3A_240 = arith.muli %scan3A_31, %mul3A_239 : i32
      %add3A_241 = arith.constant 5 : i32
      %add3A_242 = arith.addi %mul3A_240, %add3A_241 : i32
      %dma_start3A_243 = arith.constant 128 : i32
      %dma_start3A_244 = tpu.memref_slice %arg9[%add3A_242, %dma_start3A_243] : memref<256x256xf32, #tpu.memory_space<vmem>> -> memref<1x128xf32, #tpu.memory_space<vmem>>
      %dma_start3A_245 = tpu.memref_squeeze %dma_start3A_244 : memref<1x128xf32, #tpu.memory_space<vmem>> -> memref<128xf32, #tpu.memory_space<vmem>>
      %dma_start3A_246 = arith.constant 0 : i32
      %dma_start3A_247 = tpu.memref_slice %arg5[%squeeze3A_238, %dma_start3A_246] : memref<505856x128xf32, #tpu.memory_space<hbm>> -> memref<1x128xf32, #tpu.memory_space<hbm>>
      %dma_start3A_248 = tpu.memref_squeeze %dma_start3A_247 : memref<1x128xf32, #tpu.memory_space<hbm>> -> memref<128xf32, #tpu.memory_space<hbm>>
      %dma_start3A_249 = arith.constant 128 : i32
      %dma_start3A_250 = tpu.memref_slice %arg9[%add3A_242, %dma_start3A_249] : memref<256x256xf32, #tpu.memory_space<vmem>> -> memref<1x128xf32, #tpu.memory_space<vmem>>
      %dma_start3A_251 = tpu.memref_squeeze %dma_start3A_250 : memref<1x128xf32, #tpu.memory_space<vmem>> -> memref<128xf32, #tpu.memory_space<vmem>>
      %dma_start3A_252 = arith.constant 0 : i32
      %dma_start3A_253 = tpu.memref_slice %arg5[%squeeze3A_238, %dma_start3A_252] : memref<505856x128xf32, #tpu.memory_space<hbm>> -> memref<1x128xf32, #tpu.memory_space<hbm>>
      %dma_start3A_254 = tpu.memref_squeeze %dma_start3A_253 : memref<1x128xf32, #tpu.memory_space<hbm>> -> memref<128xf32, #tpu.memory_space<hbm>>
      tpu.enqueue_dma source(%dma_start3A_254 : memref<128xf32, #tpu.memory_space<hbm>>) target(%dma_start3A_251 : memref<128xf32, #tpu.memory_space<vmem>>) target_semaphore(%arg10 : memref<!tpu.dma_semaphore, #tpu.memory_space<semaphore_mem>>)
      %slice3A_255 = vector.extract_strided_slice %get3A_38 {offsets = [6], sizes = [1], strides = [1]} : vector<16xi32> to vector<1xi32>
      %squeeze3A_256 = vector.extract %slice3A_255[0] : i32 from vector<1xi32>
      %mul3A_257 = arith.constant 16 : i32
      %mul3A_258 = arith.muli %scan3A_31, %mul3A_257 : i32
      %add3A_259 = arith.constant 6 : i32
      %add3A_260 = arith.addi %mul3A_258, %add3A_259 : i32
      %dma_start3A_261 = arith.constant 0 : i32
      %dma_start3A_262 = tpu.memref_slice %arg9[%add3A_260, %dma_start3A_261] : memref<256x256xf32, #tpu.memory_space<vmem>> -> memref<1x128xf32, #tpu.memory_space<vmem>>
      %dma_start3A_263 = tpu.memref_squeeze %dma_start3A_262 : memref<1x128xf32, #tpu.memory_space<vmem>> -> memref<128xf32, #tpu.memory_space<vmem>>
      %dma_start3A_264 = arith.constant 0 : i32
      %dma_start3A_265 = tpu.memref_slice %arg4[%squeeze3A_256, %dma_start3A_264] : memref<505856x128xf32, #tpu.memory_space<hbm>> -> memref<1x128xf32, #tpu.memory_space<hbm>>
      %dma_start3A_266 = tpu.memref_squeeze %dma_start3A_265 : memref<1x128xf32, #tpu.memory_space<hbm>> -> memref<128xf32, #tpu.memory_space<hbm>>
      %dma_start3A_267 = arith.constant 0 : i32
      %dma_start3A_268 = tpu.memref_slice %arg9[%add3A_260, %dma_start3A_267] : memref<256x256xf32, #tpu.memory_space<vmem>> -> memref<1x128xf32, #tpu.memory_space<vmem>>
      %dma_start3A_269 = tpu.memref_squeeze %dma_start3A_268 : memref<1x128xf32, #tpu.memory_space<vmem>> -> memref<128xf32, #tpu.memory_space<vmem>>
      %dma_start3A_270 = arith.constant 0 : i32
      %dma_start3A_271 = tpu.memref_slice %arg4[%squeeze3A_256, %dma_start3A_270] : memref<505856x128xf32, #tpu.memory_space<hbm>> -> memref<1x128xf32, #tpu.memory_space<hbm>>
      %dma_start3A_272 = tpu.memref_squeeze %dma_start3A_271 : memref<1x128xf32, #tpu.memory_space<hbm>> -> memref<128xf32, #tpu.memory_space<hbm>>
      tpu.enqueue_dma source(%dma_start3A_272 : memref<128xf32, #tpu.memory_space<hbm>>) target(%dma_start3A_269 : memref<128xf32, #tpu.memory_space<vmem>>) target_semaphore(%arg10 : memref<!tpu.dma_semaphore, #tpu.memory_space<semaphore_mem>>)
      %slice3A_273 = vector.extract_strided_slice %get3A_41 {offsets = [6], sizes = [1], strides = [1]} : vector<16xi32> to vector<1xi32>
      %squeeze3A_274 = vector.extract %slice3A_273[0] : i32 from vector<1xi32>
      %mul3A_275 = arith.constant 16 : i32
      %mul3A_276 = arith.muli %scan3A_31, %mul3A_275 : i32
      %add3A_277 = arith.constant 6 : i32
      %add3A_278 = arith.addi %mul3A_276, %add3A_277 : i32
      %dma_start3A_279 = arith.constant 128 : i32
      %dma_start3A_280 = tpu.memref_slice %arg9[%add3A_278, %dma_start3A_279] : memref<256x256xf32, #tpu.memory_space<vmem>> -> memref<1x128xf32, #tpu.memory_space<vmem>>
      %dma_start3A_281 = tpu.memref_squeeze %dma_start3A_280 : memref<1x128xf32, #tpu.memory_space<vmem>> -> memref<128xf32, #tpu.memory_space<vmem>>
      %dma_start3A_282 = arith.constant 0 : i32
      %dma_start3A_283 = tpu.memref_slice %arg5[%squeeze3A_274, %dma_start3A_282] : memref<505856x128xf32, #tpu.memory_space<hbm>> -> memref<1x128xf32, #tpu.memory_space<hbm>>
      %dma_start3A_284 = tpu.memref_squeeze %dma_start3A_283 : memref<1x128xf32, #tpu.memory_space<hbm>> -> memref<128xf32, #tpu.memory_space<hbm>>
      %dma_start3A_285 = arith.constant 128 : i32
      %dma_start3A_286 = tpu.memref_slice %arg9[%add3A_278, %dma_start3A_285] : memref<256x256xf32, #tpu.memory_space<vmem>> -> memref<1x128xf32, #tpu.memory_space<vmem>>
      %dma_start3A_287 = tpu.memref_squeeze %dma_start3A_286 : memref<1x128xf32, #tpu.memory_space<vmem>> -> memref<128xf32, #tpu.memory_space<vmem>>
      %dma_start3A_288 = arith.constant 0 : i32
      %dma_start3A_289 = tpu.memref_slice %arg5[%squeeze3A_274, %dma_start3A_288] : memref<505856x128xf32, #tpu.memory_space<hbm>> -> memref<1x128xf32, #tpu.memory_space<hbm>>
      %dma_start3A_290 = tpu.memref_squeeze %dma_start3A_289 : memref<1x128xf32, #tpu.memory_space<hbm>> -> memref<128xf32, #tpu.memory_space<hbm>>
      tpu.enqueue_dma source(%dma_start3A_290 : memref<128xf32, #tpu.memory_space<hbm>>) target(%dma_start3A_287 : memref<128xf32, #tpu.memory_space<vmem>>) target_semaphore(%arg10 : memref<!tpu.dma_semaphore, #tpu.memory_space<semaphore_mem>>)
      %slice3A_291 = vector.extract_strided_slice %get3A_38 {offsets = [7], sizes = [1], strides = [1]} : vector<16xi32> to vector<1xi32>
      %squeeze3A_292 = vector.extract %slice3A_291[0] : i32 from vector<1xi32>
      %mul3A_293 = arith.constant 16 : i32
      %mul3A_294 = arith.muli %scan3A_31, %mul3A_293 : i32
      %add3A_295 = arith.constant 7 : i32
      %add3A_296 = arith.addi %mul3A_294, %add3A_295 : i32
      %dma_start3A_297 = arith.constant 0 : i32
      %dma_start3A_298 = tpu.memref_slice %arg9[%add3A_296, %dma_start3A_297] : memref<256x256xf32, #tpu.memory_space<vmem>> -> memref<1x128xf32, #tpu.memory_space<vmem>>
      %dma_start3A_299 = tpu.memref_squeeze %dma_start3A_298 : memref<1x128xf32, #tpu.memory_space<vmem>> -> memref<128xf32, #tpu.memory_space<vmem>>
      %dma_start3A_300 = arith.constant 0 : i32
      %dma_start3A_301 = tpu.memref_slice %arg4[%squeeze3A_292, %dma_start3A_300] : memref<505856x128xf32, #tpu.memory_space<hbm>> -> memref<1x128xf32, #tpu.memory_space<hbm>>
      %dma_start3A_302 = tpu.memref_squeeze %dma_start3A_301 : memref<1x128xf32, #tpu.memory_space<hbm>> -> memref<128xf32, #tpu.memory_space<hbm>>
      %dma_start3A_303 = arith.constant 0 : i32
      %dma_start3A_304 = tpu.memref_slice %arg9[%add3A_296, %dma_start3A_303] : memref<256x256xf32, #tpu.memory_space<vmem>> -> memref<1x128xf32, #tpu.memory_space<vmem>>
      %dma_start3A_305 = tpu.memref_squeeze %dma_start3A_304 : memref<1x128xf32, #tpu.memory_space<vmem>> -> memref<128xf32, #tpu.memory_space<vmem>>
      %dma_start3A_306 = arith.constant 0 : i32
      %dma_start3A_307 = tpu.memref_slice %arg4[%squeeze3A_292, %dma_start3A_306] : memref<505856x128xf32, #tpu.memory_space<hbm>> -> memref<1x128xf32, #tpu.memory_space<hbm>>
      %dma_start3A_308 = tpu.memref_squeeze %dma_start3A_307 : memref<1x128xf32, #tpu.memory_space<hbm>> -> memref<128xf32, #tpu.memory_space<hbm>>
      tpu.enqueue_dma source(%dma_start3A_308 : memref<128xf32, #tpu.memory_space<hbm>>) target(%dma_start3A_305 : memref<128xf32, #tpu.memory_space<vmem>>) target_semaphore(%arg10 : memref<!tpu.dma_semaphore, #tpu.memory_space<semaphore_mem>>)
      %slice3A_309 = vector.extract_strided_slice %get3A_41 {offsets = [7], sizes = [1], strides = [1]} : vector<16xi32> to vector<1xi32>
      %squeeze3A_310 = vector.extract %slice3A_309[0] : i32 from vector<1xi32>
      %mul3A_311 = arith.constant 16 : i32
      %mul3A_312 = arith.muli %scan3A_31, %mul3A_311 : i32
      %add3A_313 = arith.constant 7 : i32
      %add3A_314 = arith.addi %mul3A_312, %add3A_313 : i32
      %dma_start3A_315 = arith.constant 128 : i32
      %dma_start3A_316 = tpu.memref_slice %arg9[%add3A_314, %dma_start3A_315] : memref<256x256xf32, #tpu.memory_space<vmem>> -> memref<1x128xf32, #tpu.memory_space<vmem>>
      %dma_start3A_317 = tpu.memref_squeeze %dma_start3A_316 : memref<1x128xf32, #tpu.memory_space<vmem>> -> memref<128xf32, #tpu.memory_space<vmem>>
      %dma_start3A_318 = arith.constant 0 : i32
      %dma_start3A_319 = tpu.memref_slice %arg5[%squeeze3A_310, %dma_start3A_318] : memref<505856x128xf32, #tpu.memory_space<hbm>> -> memref<1x128xf32, #tpu.memory_space<hbm>>
      %dma_start3A_320 = tpu.memref_squeeze %dma_start3A_319 : memref<1x128xf32, #tpu.memory_space<hbm>> -> memref<128xf32, #tpu.memory_space<hbm>>
      %dma_start3A_321 = arith.constant 128 : i32
      %dma_start3A_322 = tpu.memref_slice %arg9[%add3A_314, %dma_start3A_321] : memref<256x256xf32, #tpu.memory_space<vmem>> -> memref<1x128xf32, #tpu.memory_space<vmem>>
      %dma_start3A_323 = tpu.memref_squeeze %dma_start3A_322 : memref<1x128xf32, #tpu.memory_space<vmem>> -> memref<128xf32, #tpu.memory_space<vmem>>
      %dma_start3A_324 = arith.constant 0 : i32
      %dma_start3A_325 = tpu.memref_slice %arg5[%squeeze3A_310, %dma_start3A_324] : memref<505856x128xf32, #tpu.memory_space<hbm>> -> memref<1x128xf32, #tpu.memory_space<hbm>>
      %dma_start3A_326 = tpu.memref_squeeze %dma_start3A_325 : memref<1x128xf32, #tpu.memory_space<hbm>> -> memref<128xf32, #tpu.memory_space<hbm>>
      tpu.enqueue_dma source(%dma_start3A_326 : memref<128xf32, #tpu.memory_space<hbm>>) target(%dma_start3A_323 : memref<128xf32, #tpu.memory_space<vmem>>) target_semaphore(%arg10 : memref<!tpu.dma_semaphore, #tpu.memory_space<semaphore_mem>>)
      %slice3A_327 = vector.extract_strided_slice %get3A_38 {offsets = [8], sizes = [1], strides = [1]} : vector<16xi32> to vector<1xi32>
      %squeeze3A_328 = vector.extract %slice3A_327[0] : i32 from vector<1xi32>
      %mul3A_329 = arith.constant 16 : i32
      %mul3A_330 = arith.muli %scan3A_31, %mul3A_329 : i32
      %add3A_331 = arith.constant 8 : i32
      %add3A_332 = arith.addi %mul3A_330, %add3A_331 : i32
      %dma_start3A_333 = arith.constant 0 : i32
      %dma_start3A_334 = tpu.memref_slice %arg9[%add3A_332, %dma_start3A_333] : memref<256x256xf32, #tpu.memory_space<vmem>> -> memref<1x128xf32, #tpu.memory_space<vmem>>
      %dma_start3A_335 = tpu.memref_squeeze %dma_start3A_334 : memref<1x128xf32, #tpu.memory_space<vmem>> -> memref<128xf32, #tpu.memory_space<vmem>>
      %dma_start3A_336 = arith.constant 0 : i32
      %dma_start3A_337 = tpu.memref_slice %arg4[%squeeze3A_328, %dma_start3A_336] : memref<505856x128xf32, #tpu.memory_space<hbm>> -> memref<1x128xf32, #tpu.memory_space<hbm>>
      %dma_start3A_338 = tpu.memref_squeeze %dma_start3A_337 : memref<1x128xf32, #tpu.memory_space<hbm>> -> memref<128xf32, #tpu.memory_space<hbm>>
      %dma_start3A_339 = arith.constant 0 : i32
      %dma_start3A_340 = tpu.memref_slice %arg9[%add3A_332, %dma_start3A_339] : memref<256x256xf32, #tpu.memory_space<vmem>> -> memref<1x128xf32, #tpu.memory_space<vmem>>
      %dma_start3A_341 = tpu.memref_squeeze %dma_start3A_340 : memref<1x128xf32, #tpu.memory_space<vmem>> -> memref<128xf32, #tpu.memory_space<vmem>>
      %dma_start3A_342 = arith.constant 0 : i32
      %dma_start3A_343 = tpu.memref_slice %arg4[%squeeze3A_328, %dma_start3A_342] : memref<505856x128xf32, #tpu.memory_space<hbm>> -> memref<1x128xf32, #tpu.memory_space<hbm>>
      %dma_start3A_344 = tpu.memref_squeeze %dma_start3A_343 : memref<1x128xf32, #tpu.memory_space<hbm>> -> memref<128xf32, #tpu.memory_space<hbm>>
      tpu.enqueue_dma source(%dma_start3A_344 : memref<128xf32, #tpu.memory_space<hbm>>) target(%dma_start3A_341 : memref<128xf32, #tpu.memory_space<vmem>>) target_semaphore(%arg10 : memref<!tpu.dma_semaphore, #tpu.memory_space<semaphore_mem>>)
      %slice3A_345 = vector.extract_strided_slice %get3A_41 {offsets = [8], sizes = [1], strides = [1]} : vector<16xi32> to vector<1xi32>
      %squeeze3A_346 = vector.extract %slice3A_345[0] : i32 from vector<1xi32>
      %mul3A_347 = arith.constant 16 : i32
      %mul3A_348 = arith.muli %scan3A_31, %mul3A_347 : i32
      %add3A_349 = arith.constant 8 : i32
      %add3A_350 = arith.addi %mul3A_348, %add3A_349 : i32
      %dma_start3A_351 = arith.constant 128 : i32
      %dma_start3A_352 = tpu.memref_slice %arg9[%add3A_350, %dma_start3A_351] : memref<256x256xf32, #tpu.memory_space<vmem>> -> memref<1x128xf32, #tpu.memory_space<vmem>>
      %dma_start3A_353 = tpu.memref_squeeze %dma_start3A_352 : memref<1x128xf32, #tpu.memory_space<vmem>> -> memref<128xf32, #tpu.memory_space<vmem>>
      %dma_start3A_354 = arith.constant 0 : i32
      %dma_start3A_355 = tpu.memref_slice %arg5[%squeeze3A_346, %dma_start3A_354] : memref<505856x128xf32, #tpu.memory_space<hbm>> -> memref<1x128xf32, #tpu.memory_space<hbm>>
      %dma_start3A_356 = tpu.memref_squeeze %dma_start3A_355 : memref<1x128xf32, #tpu.memory_space<hbm>> -> memref<128xf32, #tpu.memory_space<hbm>>
      %dma_start3A_357 = arith.constant 128 : i32
      %dma_start3A_358 = tpu.memref_slice %arg9[%add3A_350, %dma_start3A_357] : memref<256x256xf32, #tpu.memory_space<vmem>> -> memref<1x128xf32, #tpu.memory_space<vmem>>
      %dma_start3A_359 = tpu.memref_squeeze %dma_start3A_358 : memref<1x128xf32, #tpu.memory_space<vmem>> -> memref<128xf32, #tpu.memory_space<vmem>>
      %dma_start3A_360 = arith.constant 0 : i32
      %dma_start3A_361 = tpu.memref_slice %arg5[%squeeze3A_346, %dma_start3A_360] : memref<505856x128xf32, #tpu.memory_space<hbm>> -> memref<1x128xf32, #tpu.memory_space<hbm>>
      %dma_start3A_362 = tpu.memref_squeeze %dma_start3A_361 : memref<1x128xf32, #tpu.memory_space<hbm>> -> memref<128xf32, #tpu.memory_space<hbm>>
      tpu.enqueue_dma source(%dma_start3A_362 : memref<128xf32, #tpu.memory_space<hbm>>) target(%dma_start3A_359 : memref<128xf32, #tpu.memory_space<vmem>>) target_semaphore(%arg10 : memref<!tpu.dma_semaphore, #tpu.memory_space<semaphore_mem>>)
      %slice3A_363 = vector.extract_strided_slice %get3A_38 {offsets = [9], sizes = [1], strides = [1]} : vector<16xi32> to vector<1xi32>
      %squeeze3A_364 = vector.extract %slice3A_363[0] : i32 from vector<1xi32>
      %mul3A_365 = arith.constant 16 : i32
      %mul3A_366 = arith.muli %scan3A_31, %mul3A_365 : i32
      %add3A_367 = arith.constant 9 : i32
      %add3A_368 = arith.addi %mul3A_366, %add3A_367 : i32
      %dma_start3A_369 = arith.constant 0 : i32
      %dma_start3A_370 = tpu.memref_slice %arg9[%add3A_368, %dma_start3A_369] : memref<256x256xf32, #tpu.memory_space<vmem>> -> memref<1x128xf32, #tpu.memory_space<vmem>>
      %dma_start3A_371 = tpu.memref_squeeze %dma_start3A_370 : memref<1x128xf32, #tpu.memory_space<vmem>> -> memref<128xf32, #tpu.memory_space<vmem>>
      %dma_start3A_372 = arith.constant 0 : i32
      %dma_start3A_373 = tpu.memref_slice %arg4[%squeeze3A_364, %dma_start3A_372] : memref<505856x128xf32, #tpu.memory_space<hbm>> -> memref<1x128xf32, #tpu.memory_space<hbm>>
      %dma_start3A_374 = tpu.memref_squeeze %dma_start3A_373 : memref<1x128xf32, #tpu.memory_space<hbm>> -> memref<128xf32, #tpu.memory_space<hbm>>
      %dma_start3A_375 = arith.constant 0 : i32
      %dma_start3A_376 = tpu.memref_slice %arg9[%add3A_368, %dma_start3A_375] : memref<256x256xf32, #tpu.memory_space<vmem>> -> memref<1x128xf32, #tpu.memory_space<vmem>>
      %dma_start3A_377 = tpu.memref_squeeze %dma_start3A_376 : memref<1x128xf32, #tpu.memory_space<vmem>> -> memref<128xf32, #tpu.memory_space<vmem>>
      %dma_start3A_378 = arith.constant 0 : i32
      %dma_start3A_379 = tpu.memref_slice %arg4[%squeeze3A_364, %dma_start3A_378] : memref<505856x128xf32, #tpu.memory_space<hbm>> -> memref<1x128xf32, #tpu.memory_space<hbm>>
      %dma_start3A_380 = tpu.memref_squeeze %dma_start3A_379 : memref<1x128xf32, #tpu.memory_space<hbm>> -> memref<128xf32, #tpu.memory_space<hbm>>
      tpu.enqueue_dma source(%dma_start3A_380 : memref<128xf32, #tpu.memory_space<hbm>>) target(%dma_start3A_377 : memref<128xf32, #tpu.memory_space<vmem>>) target_semaphore(%arg10 : memref<!tpu.dma_semaphore, #tpu.memory_space<semaphore_mem>>)
      %slice3A_381 = vector.extract_strided_slice %get3A_41 {offsets = [9], sizes = [1], strides = [1]} : vector<16xi32> to vector<1xi32>
      %squeeze3A_382 = vector.extract %slice3A_381[0] : i32 from vector<1xi32>
      %mul3A_383 = arith.constant 16 : i32
      %mul3A_384 = arith.muli %scan3A_31, %mul3A_383 : i32
      %add3A_385 = arith.constant 9 : i32
      %add3A_386 = arith.addi %mul3A_384, %add3A_385 : i32
      %dma_start3A_387 = arith.constant 128 : i32
      %dma_start3A_388 = tpu.memref_slice %arg9[%add3A_386, %dma_start3A_387] : memref<256x256xf32, #tpu.memory_space<vmem>> -> memref<1x128xf32, #tpu.memory_space<vmem>>
      %dma_start3A_389 = tpu.memref_squeeze %dma_start3A_388 : memref<1x128xf32, #tpu.memory_space<vmem>> -> memref<128xf32, #tpu.memory_space<vmem>>
      %dma_start3A_390 = arith.constant 0 : i32
      %dma_start3A_391 = tpu.memref_slice %arg5[%squeeze3A_382, %dma_start3A_390] : memref<505856x128xf32, #tpu.memory_space<hbm>> -> memref<1x128xf32, #tpu.memory_space<hbm>>
      %dma_start3A_392 = tpu.memref_squeeze %dma_start3A_391 : memref<1x128xf32, #tpu.memory_space<hbm>> -> memref<128xf32, #tpu.memory_space<hbm>>
      %dma_start3A_393 = arith.constant 128 : i32
      %dma_start3A_394 = tpu.memref_slice %arg9[%add3A_386, %dma_start3A_393] : memref<256x256xf32, #tpu.memory_space<vmem>> -> memref<1x128xf32, #tpu.memory_space<vmem>>
      %dma_start3A_395 = tpu.memref_squeeze %dma_start3A_394 : memref<1x128xf32, #tpu.memory_space<vmem>> -> memref<128xf32, #tpu.memory_space<vmem>>
      %dma_start3A_396 = arith.constant 0 : i32
      %dma_start3A_397 = tpu.memref_slice %arg5[%squeeze3A_382, %dma_start3A_396] : memref<505856x128xf32, #tpu.memory_space<hbm>> -> memref<1x128xf32, #tpu.memory_space<hbm>>
      %dma_start3A_398 = tpu.memref_squeeze %dma_start3A_397 : memref<1x128xf32, #tpu.memory_space<hbm>> -> memref<128xf32, #tpu.memory_space<hbm>>
      tpu.enqueue_dma source(%dma_start3A_398 : memref<128xf32, #tpu.memory_space<hbm>>) target(%dma_start3A_395 : memref<128xf32, #tpu.memory_space<vmem>>) target_semaphore(%arg10 : memref<!tpu.dma_semaphore, #tpu.memory_space<semaphore_mem>>)
      %slice3A_399 = vector.extract_strided_slice %get3A_38 {offsets = [10], sizes = [1], strides = [1]} : vector<16xi32> to vector<1xi32>
      %squeeze3A_400 = vector.extract %slice3A_399[0] : i32 from vector<1xi32>
      %mul3A_401 = arith.constant 16 : i32
      %mul3A_402 = arith.muli %scan3A_31, %mul3A_401 : i32
      %add3A_403 = arith.constant 10 : i32
      %add3A_404 = arith.addi %mul3A_402, %add3A_403 : i32
      %dma_start3A_405 = arith.constant 0 : i32
      %dma_start3A_406 = tpu.memref_slice %arg9[%add3A_404, %dma_start3A_405] : memref<256x256xf32, #tpu.memory_space<vmem>> -> memref<1x128xf32, #tpu.memory_space<vmem>>
      %dma_start3A_407 = tpu.memref_squeeze %dma_start3A_406 : memref<1x128xf32, #tpu.memory_space<vmem>> -> memref<128xf32, #tpu.memory_space<vmem>>
      %dma_start3A_408 = arith.constant 0 : i32
      %dma_start3A_409 = tpu.memref_slice %arg4[%squeeze3A_400, %dma_start3A_408] : memref<505856x128xf32, #tpu.memory_space<hbm>> -> memref<1x128xf32, #tpu.memory_space<hbm>>
      %dma_start3A_410 = tpu.memref_squeeze %dma_start3A_409 : memref<1x128xf32, #tpu.memory_space<hbm>> -> memref<128xf32, #tpu.memory_space<hbm>>
      %dma_start3A_411 = arith.constant 0 : i32
      %dma_start3A_412 = tpu.memref_slice %arg9[%add3A_404, %dma_start3A_411] : memref<256x256xf32, #tpu.memory_space<vmem>> -> memref<1x128xf32, #tpu.memory_space<vmem>>
      %dma_start3A_413 = tpu.memref_squeeze %dma_start3A_412 : memref<1x128xf32, #tpu.memory_space<vmem>> -> memref<128xf32, #tpu.memory_space<vmem>>
      %dma_start3A_414 = arith.constant 0 : i32
      %dma_start3A_415 = tpu.memref_slice %arg4[%squeeze3A_400, %dma_start3A_414] : memref<505856x128xf32, #tpu.memory_space<hbm>> -> memref<1x128xf32, #tpu.memory_space<hbm>>
      %dma_start3A_416 = tpu.memref_squeeze %dma_start3A_415 : memref<1x128xf32, #tpu.memory_space<hbm>> -> memref<128xf32, #tpu.memory_space<hbm>>
      tpu.enqueue_dma source(%dma_start3A_416 : memref<128xf32, #tpu.memory_space<hbm>>) target(%dma_start3A_413 : memref<128xf32, #tpu.memory_space<vmem>>) target_semaphore(%arg10 : memref<!tpu.dma_semaphore, #tpu.memory_space<semaphore_mem>>)
      %slice3A_417 = vector.extract_strided_slice %get3A_41 {offsets = [10], sizes = [1], strides = [1]} : vector<16xi32> to vector<1xi32>
      %squeeze3A_418 = vector.extract %slice3A_417[0] : i32 from vector<1xi32>
      %mul3A_419 = arith.constant 16 : i32
      %mul3A_420 = arith.muli %scan3A_31, %mul3A_419 : i32
      %add3A_421 = arith.constant 10 : i32
      %add3A_422 = arith.addi %mul3A_420, %add3A_421 : i32
      %dma_start3A_423 = arith.constant 128 : i32
      %dma_start3A_424 = tpu.memref_slice %arg9[%add3A_422, %dma_start3A_423] : memref<256x256xf32, #tpu.memory_space<vmem>> -> memref<1x128xf32, #tpu.memory_space<vmem>>
      %dma_start3A_425 = tpu.memref_squeeze %dma_start3A_424 : memref<1x128xf32, #tpu.memory_space<vmem>> -> memref<128xf32, #tpu.memory_space<vmem>>
      %dma_start3A_426 = arith.constant 0 : i32
      %dma_start3A_427 = tpu.memref_slice %arg5[%squeeze3A_418, %dma_start3A_426] : memref<505856x128xf32, #tpu.memory_space<hbm>> -> memref<1x128xf32, #tpu.memory_space<hbm>>
      %dma_start3A_428 = tpu.memref_squeeze %dma_start3A_427 : memref<1x128xf32, #tpu.memory_space<hbm>> -> memref<128xf32, #tpu.memory_space<hbm>>
      %dma_start3A_429 = arith.constant 128 : i32
      %dma_start3A_430 = tpu.memref_slice %arg9[%add3A_422, %dma_start3A_429] : memref<256x256xf32, #tpu.memory_space<vmem>> -> memref<1x128xf32, #tpu.memory_space<vmem>>
      %dma_start3A_431 = tpu.memref_squeeze %dma_start3A_430 : memref<1x128xf32, #tpu.memory_space<vmem>> -> memref<128xf32, #tpu.memory_space<vmem>>
      %dma_start3A_432 = arith.constant 0 : i32
      %dma_start3A_433 = tpu.memref_slice %arg5[%squeeze3A_418, %dma_start3A_432] : memref<505856x128xf32, #tpu.memory_space<hbm>> -> memref<1x128xf32, #tpu.memory_space<hbm>>
      %dma_start3A_434 = tpu.memref_squeeze %dma_start3A_433 : memref<1x128xf32, #tpu.memory_space<hbm>> -> memref<128xf32, #tpu.memory_space<hbm>>
      tpu.enqueue_dma source(%dma_start3A_434 : memref<128xf32, #tpu.memory_space<hbm>>) target(%dma_start3A_431 : memref<128xf32, #tpu.memory_space<vmem>>) target_semaphore(%arg10 : memref<!tpu.dma_semaphore, #tpu.memory_space<semaphore_mem>>)
      %slice3A_435 = vector.extract_strided_slice %get3A_38 {offsets = [11], sizes = [1], strides = [1]} : vector<16xi32> to vector<1xi32>
      %squeeze3A_436 = vector.extract %slice3A_435[0] : i32 from vector<1xi32>
      %mul3A_437 = arith.constant 16 : i32
      %mul3A_438 = arith.muli %scan3A_31, %mul3A_437 : i32
      %add3A_439 = arith.constant 11 : i32
      %add3A_440 = arith.addi %mul3A_438, %add3A_439 : i32
      %dma_start3A_441 = arith.constant 0 : i32
      %dma_start3A_442 = tpu.memref_slice %arg9[%add3A_440, %dma_start3A_441] : memref<256x256xf32, #tpu.memory_space<vmem>> -> memref<1x128xf32, #tpu.memory_space<vmem>>
      %dma_start3A_443 = tpu.memref_squeeze %dma_start3A_442 : memref<1x128xf32, #tpu.memory_space<vmem>> -> memref<128xf32, #tpu.memory_space<vmem>>
      %dma_start3A_444 = arith.constant 0 : i32
      %dma_start3A_445 = tpu.memref_slice %arg4[%squeeze3A_436, %dma_start3A_444] : memref<505856x128xf32, #tpu.memory_space<hbm>> -> memref<1x128xf32, #tpu.memory_space<hbm>>
      %dma_start3A_446 = tpu.memref_squeeze %dma_start3A_445 : memref<1x128xf32, #tpu.memory_space<hbm>> -> memref<128xf32, #tpu.memory_space<hbm>>
      %dma_start3A_447 = arith.constant 0 : i32
      %dma_start3A_448 = tpu.memref_slice %arg9[%add3A_440, %dma_start3A_447] : memref<256x256xf32, #tpu.memory_space<vmem>> -> memref<1x128xf32, #tpu.memory_space<vmem>>
      %dma_start3A_449 = tpu.memref_squeeze %dma_start3A_448 : memref<1x128xf32, #tpu.memory_space<vmem>> -> memref<128xf32, #tpu.memory_space<vmem>>
      %dma_start3A_450 = arith.constant 0 : i32
      %dma_start3A_451 = tpu.memref_slice %arg4[%squeeze3A_436, %dma_start3A_450] : memref<505856x128xf32, #tpu.memory_space<hbm>> -> memref<1x128xf32, #tpu.memory_space<hbm>>
      %dma_start3A_452 = tpu.memref_squeeze %dma_start3A_451 : memref<1x128xf32, #tpu.memory_space<hbm>> -> memref<128xf32, #tpu.memory_space<hbm>>
      tpu.enqueue_dma source(%dma_start3A_452 : memref<128xf32, #tpu.memory_space<hbm>>) target(%dma_start3A_449 : memref<128xf32, #tpu.memory_space<vmem>>) target_semaphore(%arg10 : memref<!tpu.dma_semaphore, #tpu.memory_space<semaphore_mem>>)
      %slice3A_453 = vector.extract_strided_slice %get3A_41 {offsets = [11], sizes = [1], strides = [1]} : vector<16xi32> to vector<1xi32>
      %squeeze3A_454 = vector.extract %slice3A_453[0] : i32 from vector<1xi32>
      %mul3A_455 = arith.constant 16 : i32
      %mul3A_456 = arith.muli %scan3A_31, %mul3A_455 : i32
      %add3A_457 = arith.constant 11 : i32
      %add3A_458 = arith.addi %mul3A_456, %add3A_457 : i32
      %dma_start3A_459 = arith.constant 128 : i32
      %dma_start3A_460 = tpu.memref_slice %arg9[%add3A_458, %dma_start3A_459] : memref<256x256xf32, #tpu.memory_space<vmem>> -> memref<1x128xf32, #tpu.memory_space<vmem>>
      %dma_start3A_461 = tpu.memref_squeeze %dma_start3A_460 : memref<1x128xf32, #tpu.memory_space<vmem>> -> memref<128xf32, #tpu.memory_space<vmem>>
      %dma_start3A_462 = arith.constant 0 : i32
      %dma_start3A_463 = tpu.memref_slice %arg5[%squeeze3A_454, %dma_start3A_462] : memref<505856x128xf32, #tpu.memory_space<hbm>> -> memref<1x128xf32, #tpu.memory_space<hbm>>
      %dma_start3A_464 = tpu.memref_squeeze %dma_start3A_463 : memref<1x128xf32, #tpu.memory_space<hbm>> -> memref<128xf32, #tpu.memory_space<hbm>>
      %dma_start3A_465 = arith.constant 128 : i32
      %dma_start3A_466 = tpu.memref_slice %arg9[%add3A_458, %dma_start3A_465] : memref<256x256xf32, #tpu.memory_space<vmem>> -> memref<1x128xf32, #tpu.memory_space<vmem>>
      %dma_start3A_467 = tpu.memref_squeeze %dma_start3A_466 : memref<1x128xf32, #tpu.memory_space<vmem>> -> memref<128xf32, #tpu.memory_space<vmem>>
      %dma_start3A_468 = arith.constant 0 : i32
      %dma_start3A_469 = tpu.memref_slice %arg5[%squeeze3A_454, %dma_start3A_468] : memref<505856x128xf32, #tpu.memory_space<hbm>> -> memref<1x128xf32, #tpu.memory_space<hbm>>
      %dma_start3A_470 = tpu.memref_squeeze %dma_start3A_469 : memref<1x128xf32, #tpu.memory_space<hbm>> -> memref<128xf32, #tpu.memory_space<hbm>>
      tpu.enqueue_dma source(%dma_start3A_470 : memref<128xf32, #tpu.memory_space<hbm>>) target(%dma_start3A_467 : memref<128xf32, #tpu.memory_space<vmem>>) target_semaphore(%arg10 : memref<!tpu.dma_semaphore, #tpu.memory_space<semaphore_mem>>)
      %slice3A_471 = vector.extract_strided_slice %get3A_38 {offsets = [12], sizes = [1], strides = [1]} : vector<16xi32> to vector<1xi32>
      %squeeze3A_472 = vector.extract %slice3A_471[0] : i32 from vector<1xi32>
      %mul3A_473 = arith.constant 16 : i32
      %mul3A_474 = arith.muli %scan3A_31, %mul3A_473 : i32
      %add3A_475 = arith.constant 12 : i32
      %add3A_476 = arith.addi %mul3A_474, %add3A_475 : i32
      %dma_start3A_477 = arith.constant 0 : i32
      %dma_start3A_478 = tpu.memref_slice %arg9[%add3A_476, %dma_start3A_477] : memref<256x256xf32, #tpu.memory_space<vmem>> -> memref<1x128xf32, #tpu.memory_space<vmem>>
      %dma_start3A_479 = tpu.memref_squeeze %dma_start3A_478 : memref<1x128xf32, #tpu.memory_space<vmem>> -> memref<128xf32, #tpu.memory_space<vmem>>
      %dma_start3A_480 = arith.constant 0 : i32
      %dma_start3A_481 = tpu.memref_slice %arg4[%squeeze3A_472, %dma_start3A_480] : memref<505856x128xf32, #tpu.memory_space<hbm>> -> memref<1x128xf32, #tpu.memory_space<hbm>>
      %dma_start3A_482 = tpu.memref_squeeze %dma_start3A_481 : memref<1x128xf32, #tpu.memory_space<hbm>> -> memref<128xf32, #tpu.memory_space<hbm>>
      %dma_start3A_483 = arith.constant 0 : i32
      %dma_start3A_484 = tpu.memref_slice %arg9[%add3A_476, %dma_start3A_483] : memref<256x256xf32, #tpu.memory_space<vmem>> -> memref<1x128xf32, #tpu.memory_space<vmem>>
      %dma_start3A_485 = tpu.memref_squeeze %dma_start3A_484 : memref<1x128xf32, #tpu.memory_space<vmem>> -> memref<128xf32, #tpu.memory_space<vmem>>
      %dma_start3A_486 = arith.constant 0 : i32
      %dma_start3A_487 = tpu.memref_slice %arg4[%squeeze3A_472, %dma_start3A_486] : memref<505856x128xf32, #tpu.memory_space<hbm>> -> memref<1x128xf32, #tpu.memory_space<hbm>>
      %dma_start3A_488 = tpu.memref_squeeze %dma_start3A_487 : memref<1x128xf32, #tpu.memory_space<hbm>> -> memref<128xf32, #tpu.memory_space<hbm>>
      tpu.enqueue_dma source(%dma_start3A_488 : memref<128xf32, #tpu.memory_space<hbm>>) target(%dma_start3A_485 : memref<128xf32, #tpu.memory_space<vmem>>) target_semaphore(%arg10 : memref<!tpu.dma_semaphore, #tpu.memory_space<semaphore_mem>>)
      %slice3A_489 = vector.extract_strided_slice %get3A_41 {offsets = [12], sizes = [1], strides = [1]} : vector<16xi32> to vector<1xi32>
      %squeeze3A_490 = vector.extract %slice3A_489[0] : i32 from vector<1xi32>
      %mul3A_491 = arith.constant 16 : i32
      %mul3A_492 = arith.muli %scan3A_31, %mul3A_491 : i32
      %add3A_493 = arith.constant 12 : i32
      %add3A_494 = arith.addi %mul3A_492, %add3A_493 : i32
      %dma_start3A_495 = arith.constant 128 : i32
      %dma_start3A_496 = tpu.memref_slice %arg9[%add3A_494, %dma_start3A_495] : memref<256x256xf32, #tpu.memory_space<vmem>> -> memref<1x128xf32, #tpu.memory_space<vmem>>
      %dma_start3A_497 = tpu.memref_squeeze %dma_start3A_496 : memref<1x128xf32, #tpu.memory_space<vmem>> -> memref<128xf32, #tpu.memory_space<vmem>>
      %dma_start3A_498 = arith.constant 0 : i32
      %dma_start3A_499 = tpu.memref_slice %arg5[%squeeze3A_490, %dma_start3A_498] : memref<505856x128xf32, #tpu.memory_space<hbm>> -> memref<1x128xf32, #tpu.memory_space<hbm>>
      %dma_start3A_500 = tpu.memref_squeeze %dma_start3A_499 : memref<1x128xf32, #tpu.memory_space<hbm>> -> memref<128xf32, #tpu.memory_space<hbm>>
      %dma_start3A_501 = arith.constant 128 : i32
      %dma_start3A_502 = tpu.memref_slice %arg9[%add3A_494, %dma_start3A_501] : memref<256x256xf32, #tpu.memory_space<vmem>> -> memref<1x128xf32, #tpu.memory_space<vmem>>
      %dma_start3A_503 = tpu.memref_squeeze %dma_start3A_502 : memref<1x128xf32, #tpu.memory_space<vmem>> -> memref<128xf32, #tpu.memory_space<vmem>>
      %dma_start3A_504 = arith.constant 0 : i32
      %dma_start3A_505 = tpu.memref_slice %arg5[%squeeze3A_490, %dma_start3A_504] : memref<505856x128xf32, #tpu.memory_space<hbm>> -> memref<1x128xf32, #tpu.memory_space<hbm>>
      %dma_start3A_506 = tpu.memref_squeeze %dma_start3A_505 : memref<1x128xf32, #tpu.memory_space<hbm>> -> memref<128xf32, #tpu.memory_space<hbm>>
      tpu.enqueue_dma source(%dma_start3A_506 : memref<128xf32, #tpu.memory_space<hbm>>) target(%dma_start3A_503 : memref<128xf32, #tpu.memory_space<vmem>>) target_semaphore(%arg10 : memref<!tpu.dma_semaphore, #tpu.memory_space<semaphore_mem>>)
      %slice3A_507 = vector.extract_strided_slice %get3A_38 {offsets = [13], sizes = [1], strides = [1]} : vector<16xi32> to vector<1xi32>
      %squeeze3A_508 = vector.extract %slice3A_507[0] : i32 from vector<1xi32>
      %mul3A_509 = arith.constant 16 : i32
      %mul3A_510 = arith.muli %scan3A_31, %mul3A_509 : i32
      %add3A_511 = arith.constant 13 : i32
      %add3A_512 = arith.addi %mul3A_510, %add3A_511 : i32
      %dma_start3A_513 = arith.constant 0 : i32
      %dma_start3A_514 = tpu.memref_slice %arg9[%add3A_512, %dma_start3A_513] : memref<256x256xf32, #tpu.memory_space<vmem>> -> memref<1x128xf32, #tpu.memory_space<vmem>>
      %dma_start3A_515 = tpu.memref_squeeze %dma_start3A_514 : memref<1x128xf32, #tpu.memory_space<vmem>> -> memref<128xf32, #tpu.memory_space<vmem>>
      %dma_start3A_516 = arith.constant 0 : i32
      %dma_start3A_517 = tpu.memref_slice %arg4[%squeeze3A_508, %dma_start3A_516] : memref<505856x128xf32, #tpu.memory_space<hbm>> -> memref<1x128xf32, #tpu.memory_space<hbm>>
      %dma_start3A_518 = tpu.memref_squeeze %dma_start3A_517 : memref<1x128xf32, #tpu.memory_space<hbm>> -> memref<128xf32, #tpu.memory_space<hbm>>
      %dma_start3A_519 = arith.constant 0 : i32
      %dma_start3A_520 = tpu.memref_slice %arg9[%add3A_512, %dma_start3A_519] : memref<256x256xf32, #tpu.memory_space<vmem>> -> memref<1x128xf32, #tpu.memory_space<vmem>>
      %dma_start3A_521 = tpu.memref_squeeze %dma_start3A_520 : memref<1x128xf32, #tpu.memory_space<vmem>> -> memref<128xf32, #tpu.memory_space<vmem>>
      %dma_start3A_522 = arith.constant 0 : i32
      %dma_start3A_523 = tpu.memref_slice %arg4[%squeeze3A_508, %dma_start3A_522] : memref<505856x128xf32, #tpu.memory_space<hbm>> -> memref<1x128xf32, #tpu.memory_space<hbm>>
      %dma_start3A_524 = tpu.memref_squeeze %dma_start3A_523 : memref<1x128xf32, #tpu.memory_space<hbm>> -> memref<128xf32, #tpu.memory_space<hbm>>
      tpu.enqueue_dma source(%dma_start3A_524 : memref<128xf32, #tpu.memory_space<hbm>>) target(%dma_start3A_521 : memref<128xf32, #tpu.memory_space<vmem>>) target_semaphore(%arg10 : memref<!tpu.dma_semaphore, #tpu.memory_space<semaphore_mem>>)
      %slice3A_525 = vector.extract_strided_slice %get3A_41 {offsets = [13], sizes = [1], strides = [1]} : vector<16xi32> to vector<1xi32>
      %squeeze3A_526 = vector.extract %slice3A_525[0] : i32 from vector<1xi32>
      %mul3A_527 = arith.constant 16 : i32
      %mul3A_528 = arith.muli %scan3A_31, %mul3A_527 : i32
      %add3A_529 = arith.constant 13 : i32
      %add3A_530 = arith.addi %mul3A_528, %add3A_529 : i32
      %dma_start3A_531 = arith.constant 128 : i32
      %dma_start3A_532 = tpu.memref_slice %arg9[%add3A_530, %dma_start3A_531] : memref<256x256xf32, #tpu.memory_space<vmem>> -> memref<1x128xf32, #tpu.memory_space<vmem>>
      %dma_start3A_533 = tpu.memref_squeeze %dma_start3A_532 : memref<1x128xf32, #tpu.memory_space<vmem>> -> memref<128xf32, #tpu.memory_space<vmem>>
      %dma_start3A_534 = arith.constant 0 : i32
      %dma_start3A_535 = tpu.memref_slice %arg5[%squeeze3A_526, %dma_start3A_534] : memref<505856x128xf32, #tpu.memory_space<hbm>> -> memref<1x128xf32, #tpu.memory_space<hbm>>
      %dma_start3A_536 = tpu.memref_squeeze %dma_start3A_535 : memref<1x128xf32, #tpu.memory_space<hbm>> -> memref<128xf32, #tpu.memory_space<hbm>>
      %dma_start3A_537 = arith.constant 128 : i32
      %dma_start3A_538 = tpu.memref_slice %arg9[%add3A_530, %dma_start3A_537] : memref<256x256xf32, #tpu.memory_space<vmem>> -> memref<1x128xf32, #tpu.memory_space<vmem>>
      %dma_start3A_539 = tpu.memref_squeeze %dma_start3A_538 : memref<1x128xf32, #tpu.memory_space<vmem>> -> memref<128xf32, #tpu.memory_space<vmem>>
      %dma_start3A_540 = arith.constant 0 : i32
      %dma_start3A_541 = tpu.memref_slice %arg5[%squeeze3A_526, %dma_start3A_540] : memref<505856x128xf32, #tpu.memory_space<hbm>> -> memref<1x128xf32, #tpu.memory_space<hbm>>
      %dma_start3A_542 = tpu.memref_squeeze %dma_start3A_541 : memref<1x128xf32, #tpu.memory_space<hbm>> -> memref<128xf32, #tpu.memory_space<hbm>>
      tpu.enqueue_dma source(%dma_start3A_542 : memref<128xf32, #tpu.memory_space<hbm>>) target(%dma_start3A_539 : memref<128xf32, #tpu.memory_space<vmem>>) target_semaphore(%arg10 : memref<!tpu.dma_semaphore, #tpu.memory_space<semaphore_mem>>)
      %slice3A_543 = vector.extract_strided_slice %get3A_38 {offsets = [14], sizes = [1], strides = [1]} : vector<16xi32> to vector<1xi32>
      %squeeze3A_544 = vector.extract %slice3A_543[0] : i32 from vector<1xi32>
      %mul3A_545 = arith.constant 16 : i32
      %mul3A_546 = arith.muli %scan3A_31, %mul3A_545 : i32
      %add3A_547 = arith.constant 14 : i32
      %add3A_548 = arith.addi %mul3A_546, %add3A_547 : i32
      %dma_start3A_549 = arith.constant 0 : i32
      %dma_start3A_550 = tpu.memref_slice %arg9[%add3A_548, %dma_start3A_549] : memref<256x256xf32, #tpu.memory_space<vmem>> -> memref<1x128xf32, #tpu.memory_space<vmem>>
      %dma_start3A_551 = tpu.memref_squeeze %dma_start3A_550 : memref<1x128xf32, #tpu.memory_space<vmem>> -> memref<128xf32, #tpu.memory_space<vmem>>
      %dma_start3A_552 = arith.constant 0 : i32
      %dma_start3A_553 = tpu.memref_slice %arg4[%squeeze3A_544, %dma_start3A_552] : memref<505856x128xf32, #tpu.memory_space<hbm>> -> memref<1x128xf32, #tpu.memory_space<hbm>>
      %dma_start3A_554 = tpu.memref_squeeze %dma_start3A_553 : memref<1x128xf32, #tpu.memory_space<hbm>> -> memref<128xf32, #tpu.memory_space<hbm>>
      %dma_start3A_555 = arith.constant 0 : i32
      %dma_start3A_556 = tpu.memref_slice %arg9[%add3A_548, %dma_start3A_555] : memref<256x256xf32, #tpu.memory_space<vmem>> -> memref<1x128xf32, #tpu.memory_space<vmem>>
      %dma_start3A_557 = tpu.memref_squeeze %dma_start3A_556 : memref<1x128xf32, #tpu.memory_space<vmem>> -> memref<128xf32, #tpu.memory_space<vmem>>
      %dma_start3A_558 = arith.constant 0 : i32
      %dma_start3A_559 = tpu.memref_slice %arg4[%squeeze3A_544, %dma_start3A_558] : memref<505856x128xf32, #tpu.memory_space<hbm>> -> memref<1x128xf32, #tpu.memory_space<hbm>>
      %dma_start3A_560 = tpu.memref_squeeze %dma_start3A_559 : memref<1x128xf32, #tpu.memory_space<hbm>> -> memref<128xf32, #tpu.memory_space<hbm>>
      tpu.enqueue_dma source(%dma_start3A_560 : memref<128xf32, #tpu.memory_space<hbm>>) target(%dma_start3A_557 : memref<128xf32, #tpu.memory_space<vmem>>) target_semaphore(%arg10 : memref<!tpu.dma_semaphore, #tpu.memory_space<semaphore_mem>>)
      %slice3A_561 = vector.extract_strided_slice %get3A_41 {offsets = [14], sizes = [1], strides = [1]} : vector<16xi32> to vector<1xi32>
      %squeeze3A_562 = vector.extract %slice3A_561[0] : i32 from vector<1xi32>
      %mul3A_563 = arith.constant 16 : i32
      %mul3A_564 = arith.muli %scan3A_31, %mul3A_563 : i32
      %add3A_565 = arith.constant 14 : i32
      %add3A_566 = arith.addi %mul3A_564, %add3A_565 : i32
      %dma_start3A_567 = arith.constant 128 : i32
      %dma_start3A_568 = tpu.memref_slice %arg9[%add3A_566, %dma_start3A_567] : memref<256x256xf32, #tpu.memory_space<vmem>> -> memref<1x128xf32, #tpu.memory_space<vmem>>
      %dma_start3A_569 = tpu.memref_squeeze %dma_start3A_568 : memref<1x128xf32, #tpu.memory_space<vmem>> -> memref<128xf32, #tpu.memory_space<vmem>>
      %dma_start3A_570 = arith.constant 0 : i32
      %dma_start3A_571 = tpu.memref_slice %arg5[%squeeze3A_562, %dma_start3A_570] : memref<505856x128xf32, #tpu.memory_space<hbm>> -> memref<1x128xf32, #tpu.memory_space<hbm>>
      %dma_start3A_572 = tpu.memref_squeeze %dma_start3A_571 : memref<1x128xf32, #tpu.memory_space<hbm>> -> memref<128xf32, #tpu.memory_space<hbm>>
      %dma_start3A_573 = arith.constant 128 : i32
      %dma_start3A_574 = tpu.memref_slice %arg9[%add3A_566, %dma_start3A_573] : memref<256x256xf32, #tpu.memory_space<vmem>> -> memref<1x128xf32, #tpu.memory_space<vmem>>
      %dma_start3A_575 = tpu.memref_squeeze %dma_start3A_574 : memref<1x128xf32, #tpu.memory_space<vmem>> -> memref<128xf32, #tpu.memory_space<vmem>>
      %dma_start3A_576 = arith.constant 0 : i32
      %dma_start3A_577 = tpu.memref_slice %arg5[%squeeze3A_562, %dma_start3A_576] : memref<505856x128xf32, #tpu.memory_space<hbm>> -> memref<1x128xf32, #tpu.memory_space<hbm>>
      %dma_start3A_578 = tpu.memref_squeeze %dma_start3A_577 : memref<1x128xf32, #tpu.memory_space<hbm>> -> memref<128xf32, #tpu.memory_space<hbm>>
      tpu.enqueue_dma source(%dma_start3A_578 : memref<128xf32, #tpu.memory_space<hbm>>) target(%dma_start3A_575 : memref<128xf32, #tpu.memory_space<vmem>>) target_semaphore(%arg10 : memref<!tpu.dma_semaphore, #tpu.memory_space<semaphore_mem>>)
      %slice3A_579 = vector.extract_strided_slice %get3A_38 {offsets = [15], sizes = [1], strides = [1]} : vector<16xi32> to vector<1xi32>
      %squeeze3A_580 = vector.extract %slice3A_579[0] : i32 from vector<1xi32>
      %mul3A_581 = arith.constant 16 : i32
      %mul3A_582 = arith.muli %scan3A_31, %mul3A_581 : i32
      %add3A_583 = arith.constant 15 : i32
      %add3A_584 = arith.addi %mul3A_582, %add3A_583 : i32
      %dma_start3A_585 = arith.constant 0 : i32
      %dma_start3A_586 = tpu.memref_slice %arg9[%add3A_584, %dma_start3A_585] : memref<256x256xf32, #tpu.memory_space<vmem>> -> memref<1x128xf32, #tpu.memory_space<vmem>>
      %dma_start3A_587 = tpu.memref_squeeze %dma_start3A_586 : memref<1x128xf32, #tpu.memory_space<vmem>> -> memref<128xf32, #tpu.memory_space<vmem>>
      %dma_start3A_588 = arith.constant 0 : i32
      %dma_start3A_589 = tpu.memref_slice %arg4[%squeeze3A_580, %dma_start3A_588] : memref<505856x128xf32, #tpu.memory_space<hbm>> -> memref<1x128xf32, #tpu.memory_space<hbm>>
      %dma_start3A_590 = tpu.memref_squeeze %dma_start3A_589 : memref<1x128xf32, #tpu.memory_space<hbm>> -> memref<128xf32, #tpu.memory_space<hbm>>
      %dma_start3A_591 = arith.constant 0 : i32
      %dma_start3A_592 = tpu.memref_slice %arg9[%add3A_584, %dma_start3A_591] : memref<256x256xf32, #tpu.memory_space<vmem>> -> memref<1x128xf32, #tpu.memory_space<vmem>>
      %dma_start3A_593 = tpu.memref_squeeze %dma_start3A_592 : memref<1x128xf32, #tpu.memory_space<vmem>> -> memref<128xf32, #tpu.memory_space<vmem>>
      %dma_start3A_594 = arith.constant 0 : i32
      %dma_start3A_595 = tpu.memref_slice %arg4[%squeeze3A_580, %dma_start3A_594] : memref<505856x128xf32, #tpu.memory_space<hbm>> -> memref<1x128xf32, #tpu.memory_space<hbm>>
      %dma_start3A_596 = tpu.memref_squeeze %dma_start3A_595 : memref<1x128xf32, #tpu.memory_space<hbm>> -> memref<128xf32, #tpu.memory_space<hbm>>
      tpu.enqueue_dma source(%dma_start3A_596 : memref<128xf32, #tpu.memory_space<hbm>>) target(%dma_start3A_593 : memref<128xf32, #tpu.memory_space<vmem>>) target_semaphore(%arg10 : memref<!tpu.dma_semaphore, #tpu.memory_space<semaphore_mem>>)
      %slice3A_597 = vector.extract_strided_slice %get3A_41 {offsets = [15], sizes = [1], strides = [1]} : vector<16xi32> to vector<1xi32>
      %squeeze3A_598 = vector.extract %slice3A_597[0] : i32 from vector<1xi32>
      %mul3A_599 = arith.constant 16 : i32
      %mul3A_600 = arith.muli %scan3A_31, %mul3A_599 : i32
      %add3A_601 = arith.constant 15 : i32
      %add3A_602 = arith.addi %mul3A_600, %add3A_601 : i32
      %dma_start3A_603 = arith.constant 128 : i32
      %dma_start3A_604 = tpu.memref_slice %arg9[%add3A_602, %dma_start3A_603] : memref<256x256xf32, #tpu.memory_space<vmem>> -> memref<1x128xf32, #tpu.memory_space<vmem>>
      %dma_start3A_605 = tpu.memref_squeeze %dma_start3A_604 : memref<1x128xf32, #tpu.memory_space<vmem>> -> memref<128xf32, #tpu.memory_space<vmem>>
      %dma_start3A_606 = arith.constant 0 : i32
      %dma_start3A_607 = tpu.memref_slice %arg5[%squeeze3A_598, %dma_start3A_606] : memref<505856x128xf32, #tpu.memory_space<hbm>> -> memref<1x128xf32, #tpu.memory_space<hbm>>
      %dma_start3A_608 = tpu.memref_squeeze %dma_start3A_607 : memref<1x128xf32, #tpu.memory_space<hbm>> -> memref<128xf32, #tpu.memory_space<hbm>>
      %dma_start3A_609 = arith.constant 128 : i32
      %dma_start3A_610 = tpu.memref_slice %arg9[%add3A_602, %dma_start3A_609] : memref<256x256xf32, #tpu.memory_space<vmem>> -> memref<1x128xf32, #tpu.memory_space<vmem>>
      %dma_start3A_611 = tpu.memref_squeeze %dma_start3A_610 : memref<1x128xf32, #tpu.memory_space<vmem>> -> memref<128xf32, #tpu.memory_space<vmem>>
      %dma_start3A_612 = arith.constant 0 : i32
      %dma_start3A_613 = tpu.memref_slice %arg5[%squeeze3A_598, %dma_start3A_612] : memref<505856x128xf32, #tpu.memory_space<hbm>> -> memref<1x128xf32, #tpu.memory_space<hbm>>
      %dma_start3A_614 = tpu.memref_squeeze %dma_start3A_613 : memref<1x128xf32, #tpu.memory_space<hbm>> -> memref<128xf32, #tpu.memory_space<hbm>>
      tpu.enqueue_dma source(%dma_start3A_614 : memref<128xf32, #tpu.memory_space<hbm>>) target(%dma_start3A_611 : memref<128xf32, #tpu.memory_space<vmem>>) target_semaphore(%arg10 : memref<!tpu.dma_semaphore, #tpu.memory_space<semaphore_mem>>)
      %scan3A_615 = arith.constant 0 : i32
      scf.yield %scan3A_615 : i32
    }
    %scan3A_22 = arith.constant 16 : i32
    %dma_wait3A_23 = arith.constant 0 : i32
    %dma_wait3A_24 = arith.constant 0 : i32
    %dma_wait3A_25 = tpu.memref_slice %arg6[%dma_wait3A_23, %dma_wait3A_24] : memref<16384x256xf32, #tpu.memory_space<hbm>> -> memref<256x256xf32, #tpu.memory_space<hbm>>
    %dma_wait3A_26 = arith.constant 0 : i32
    %dma_wait3A_27 = arith.constant 0 : i32
    %dma_wait3A_28 = tpu.memref_slice %arg6[%dma_wait3A_26, %dma_wait3A_27] : memref<16384x256xf32, #tpu.memory_space<hbm>> -> memref<256x256xf32, #tpu.memory_space<hbm>>
    tpu.wait_dma2 semaphore(%arg10 : memref<!tpu.dma_semaphore, #tpu.memory_space<semaphore_mem>>) src(%dma_wait3A_28 : memref<256x256xf32, #tpu.memory_space<hbm>>) dst(%arg9 : memref<256x256xf32, #tpu.memory_space<vmem>>)
    %add3A_29 = arith.constant 256 : i32
    %add3A_30 = arith.addi %mul3A_2, %add3A_29 : i32
    "tpu.region"() ({
      %run_scoped3A = tpu.sem_alloc : memref<!tpu.dma_semaphore, #tpu.memory_space<semaphore_mem>>
      %dma_start3A = arith.constant 0 : i32
      %dma_start3A_31 = tpu.memref_slice %arg6[%add3A_30, %dma_start3A] : memref<16384x256xf32, #tpu.memory_space<hbm>> -> memref<256x256xf32, #tpu.memory_space<hbm>>
      %dma_start3A_32 = arith.constant 0 : i32
      %dma_start3A_33 = tpu.memref_slice %arg6[%add3A_30, %dma_start3A_32] : memref<16384x256xf32, #tpu.memory_space<hbm>> -> memref<256x256xf32, #tpu.memory_space<hbm>>
      tpu.enqueue_dma source(%arg9 : memref<256x256xf32, #tpu.memory_space<vmem>>) target(%dma_start3A_33 : memref<256x256xf32, #tpu.memory_space<hbm>>) target_semaphore(%run_scoped3A : memref<!tpu.dma_semaphore, #tpu.memory_space<semaphore_mem>>)
      %dma_wait3A_34 = arith.constant 0 : i32
      %dma_wait3A_35 = tpu.memref_slice %arg6[%add3A_30, %dma_wait3A_34] : memref<16384x256xf32, #tpu.memory_space<hbm>> -> memref<256x256xf32, #tpu.memory_space<hbm>>
      %dma_wait3A_36 = arith.constant 0 : i32
      %dma_wait3A_37 = tpu.memref_slice %arg6[%add3A_30, %dma_wait3A_36] : memref<16384x256xf32, #tpu.memory_space<hbm>> -> memref<256x256xf32, #tpu.memory_space<hbm>>
      tpu.wait_dma2 semaphore(%run_scoped3A : memref<!tpu.dma_semaphore, #tpu.memory_space<semaphore_mem>>) src(%arg9 : memref<256x256xf32, #tpu.memory_space<vmem>>) dst(%dma_wait3A_37 : memref<256x256xf32, #tpu.memory_space<hbm>>)
      tpu.yield
    }) : () -> ()
    return
  }
}

module attributes {stable_mosaic.version = 14 : i64} {
  func.func @_pack_body(%arg0: i32, %arg1: memref<64x13312xf32, #tpu.memory_space<vmem>>, %arg2: memref<64x13312xf32, #tpu.memory_space<vmem>>, %arg3: memref<13312x128xf32, #tpu.memory_space<vmem>>) attributes {dimension_semantics = [#tpu.dimension_semantics<arbitrary>], iteration_bounds = array<i64: 38>, scalar_prefetch = 0 : i64, scratch_operands = 0 : i64, tpu.core_type = #tpu.core_type<tc>, window_params = [{transform_indices = @transform_0, window_bounds = array<i64: 64, 13312>}, {transform_indices = @transform_1, window_bounds = array<i64: 64, 13312>}, {transform_indices = @transform_2, window_bounds = array<i64: 13312, 128>}]} {
    %get3A = arith.constant 0 : index
    %get3A_0 = arith.constant 0 : index
    %get3A_1 = vector.load %arg1[%get3A, %get3A_0] : memref<64x13312xf32, #tpu.memory_space<vmem>>, vector<64x13312xf32>
    %get3A_2 = arith.constant 0 : index
    %get3A_3 = arith.constant 0 : index
    %get3A_4 = vector.load %arg2[%get3A_2, %get3A_3] : memref<64x13312xf32, #tpu.memory_space<vmem>>, vector<64x13312xf32>
    %concatenate3A = tpu.concatenate %get3A_1, %get3A_4 in 0 : vector<64x13312xf32>, vector<64x13312xf32> -> vector<128x13312xf32>
    %transpose3A = tpu.transpose %concatenate3A, [1, 0] : vector<128x13312xf32> -> vector<13312x128xf32>
    %swap3A = arith.constant 0 : index
    %swap3A_5 = arith.constant 0 : index
    %swap3A_6 = vector.load %arg3[%swap3A, %swap3A_5] : memref<13312x128xf32, #tpu.memory_space<vmem>>, vector<13312x128xf32>
    tpu.vector_store %arg3[%swap3A, %swap3A_5], %transpose3A {strides = array<i32>} : memref<13312x128xf32, #tpu.memory_space<vmem>>, vector<13312x128xf32>,
    return
  }
  func.func @transform_0(%arg0: i32) -> (i32, i32) {
    %mul3A = arith.constant 2 : i32
    %mul3A_0 = arith.muli %mul3A, %arg0 : i32
    %min3A = arith.constant 74 : i32
    %min3A_1 = arith.minsi %mul3A_0, %min3A : i32
    %c0_i32 = arith.constant 0 : i32
    %c0_i32_2 = arith.constant 0 : i32
    return %c0_i32, %min3A_1 : i32, i32
  }
  func.func @transform_1(%arg0: i32) -> (i32, i32) {
    %mul3A = arith.constant 2 : i32
    %mul3A_0 = arith.muli %mul3A, %arg0 : i32
    %add3A = arith.constant 1 : i32
    %add3A_1 = arith.addi %mul3A_0, %add3A : i32
    %min3A = arith.constant 75 : i32
    %min3A_2 = arith.minsi %add3A_1, %min3A : i32
    %c0_i32 = arith.constant 0 : i32
    %c0_i32_3 = arith.constant 0 : i32
    return %c0_i32, %min3A_2 : i32, i32
  }
  func.func @transform_2(%arg0: i32) -> (i32, i32) {
    %c0_i32 = arith.constant 0 : i32
    %c0_i32_0 = arith.constant 0 : i32
    return %arg0, %c0_i32 : i32, i32
  }
}

module attributes {stable_mosaic.version = 14 : i64} {
  func.func @_mlp_body(%arg0: i32, %arg1: memref<2048x256xf32, #tpu.memory_space<vmem>>, %arg2: memref<2048x1xi32, #tpu.memory_space<vmem>>, %arg3: memref<2048x1xi32, #tpu.memory_space<vmem>>, %arg4: memref<64x128xf32, #tpu.memory_space<vmem>>, %arg5: memref<64x128xf32, #tpu.memory_space<vmem>>, %arg6: memref<1x128xf32, #tpu.memory_space<vmem>>, %arg7: memref<128x64xf32, #tpu.memory_space<vmem>>, %arg8: memref<1x64xf32, #tpu.memory_space<vmem>>, %arg9: memref<1x64xf32, #tpu.memory_space<vmem>>, %arg10: memref<1x1xf32, #tpu.memory_space<vmem>>, %arg11: memref<2048x1xf32, #tpu.memory_space<vmem>>) attributes {dimension_semantics = [#tpu.dimension_semantics<arbitrary>], iteration_bounds = array<i64: 8>, scalar_prefetch = 0 : i64, scratch_operands = 0 : i64, tpu.core_type = #tpu.core_type<tc>, window_params = [{transform_indices = @transform_0, window_bounds = array<i64: 2048, 256>}, {transform_indices = @transform_1, window_bounds = array<i64: 2048, 1>}, {transform_indices = @transform_2, window_bounds = array<i64: 2048, 1>}, {pipeline_mode = #tpu.pipeline_mode<synchronous>, transform_indices = @transform_3, window_bounds = array<i64: 64, 128>}, {pipeline_mode = #tpu.pipeline_mode<synchronous>, transform_indices = @transform_4, window_bounds = array<i64: 64, 128>}, {pipeline_mode = #tpu.pipeline_mode<synchronous>, transform_indices = @transform_5, window_bounds = array<i64: 1, 128>}, {pipeline_mode = #tpu.pipeline_mode<synchronous>, transform_indices = @transform_6, window_bounds = array<i64: 128, 64>}, {pipeline_mode = #tpu.pipeline_mode<synchronous>, transform_indices = @transform_7, window_bounds = array<i64: 1, 64>}, {pipeline_mode = #tpu.pipeline_mode<synchronous>, transform_indices = @transform_8, window_bounds = array<i64: 1, 64>}, {pipeline_mode = #tpu.pipeline_mode<synchronous>, transform_indices = @transform_9, window_bounds = array<i64: 1, 1>}, {transform_indices = @transform_10, window_bounds = array<i64: 2048, 1>}]} {
    %get3A = arith.constant 0 : index
    %get3A_0 = arith.constant 0 : index
    %get3A_1 = vector.load %arg1[%get3A, %get3A_0] : memref<2048x256xf32, #tpu.memory_space<vmem>>, vector<2048x256xf32>
    %get3A_2 = arith.constant 0 : index
    %get3A_3 = arith.constant 0 : index
    %get3A_4 = vector.load %arg2[%get3A_2, %get3A_3] : memref<2048x1xi32, #tpu.memory_space<vmem>>, vector<2048x1xi32>
    %gt3A = arith.constant 0 : i32
    %gt3A_5 = vector.broadcast %gt3A : i32 to vector<2048x1xi32>
    %gt3A_6 = arith.cmpi sgt, %get3A_4, %gt3A_5 : vector<2048x1xi32>
    %slice3A = vector.extract_strided_slice %get3A_1 {offsets = [0, 64], sizes = [2048, 64], strides = [1, 1]} : vector<2048x256xf32> to vector<2048x64xf32>
    %slice3A_7 = vector.extract_strided_slice %get3A_1 {offsets = [0, 0], sizes = [2048, 64], strides = [1, 1]} : vector<2048x256xf32> to vector<2048x64xf32>
    %broadcast_in_dim3A = vector.shape_cast %gt3A_6 : vector<2048x1xi1> to vector<2048x1xi1>
    %broadcast_in_dim3A_8 = vector.broadcast %broadcast_in_dim3A : vector<2048x1xi1> to vector<2048x64xi1>
    %select_n3A = arith.select %broadcast_in_dim3A_8, %slice3A, %slice3A_7 : vector<2048x64xi1>, vector<2048x64xf32>
    %get3A_9 = arith.constant 0 : index
    %get3A_10 = arith.constant 0 : index
    %get3A_11 = vector.load %arg3[%get3A_9, %get3A_10] : memref<2048x1xi32, #tpu.memory_space<vmem>>, vector<2048x1xi32>
    %gt3A_12 = arith.constant 0 : i32
    %gt3A_13 = vector.broadcast %gt3A_12 : i32 to vector<2048x1xi32>
    %gt3A_14 = arith.cmpi sgt, %get3A_11, %gt3A_13 : vector<2048x1xi32>
    %slice3A_15 = vector.extract_strided_slice %get3A_1 {offsets = [0, 192], sizes = [2048, 64], strides = [1, 1]} : vector<2048x256xf32> to vector<2048x64xf32>
    %slice3A_16 = vector.extract_strided_slice %get3A_1 {offsets = [0, 128], sizes = [2048, 64], strides = [1, 1]} : vector<2048x256xf32> to vector<2048x64xf32>
    %broadcast_in_dim3A_17 = vector.shape_cast %gt3A_14 : vector<2048x1xi1> to vector<2048x1xi1>
    %broadcast_in_dim3A_18 = vector.broadcast %broadcast_in_dim3A_17 : vector<2048x1xi1> to vector<2048x64xi1>
    %select_n3A_19 = arith.select %broadcast_in_dim3A_18, %slice3A_15, %slice3A_16 : vector<2048x64xi1>, vector<2048x64xf32>
    %get3A_20 = arith.constant 0 : index
    %get3A_21 = arith.constant 0 : index
    %get3A_22 = vector.load %arg4[%get3A_20, %get3A_21] : memref<64x128xf32, #tpu.memory_space<vmem>>, vector<64x128xf32>
    %dot_general3A = arith.constant dense<0.000000e+00> : vector<2048x128xf32>
    %dot_general3A_23 = tpu.matmul %select_n3A, %get3A_22, %dot_general3A {dimension_numbers = #tpu.dot_dimension_numbers<[1], [0], [0], [1], [0, 0, 1, 1], [], []>, transpose_lhs_hint = false} : vector<2048x64xf32>, vector<64x128xf32>, vector<2048x128xf32> -> vector<2048x128xf32>
    %get3A_24 = arith.constant 0 : index
    %get3A_25 = arith.constant 0 : index
    %get3A_26 = vector.load %arg5[%get3A_24, %get3A_25] : memref<64x128xf32, #tpu.memory_space<vmem>>, vector<64x128xf32>
    %dot_general3A_27 = arith.constant dense<0.000000e+00> : vector<2048x128xf32>
    %dot_general3A_28 = tpu.matmul %select_n3A_19, %get3A_26, %dot_general3A_27 {dimension_numbers = #tpu.dot_dimension_numbers<[1], [0], [0], [1], [0, 0, 1, 1], [], []>, transpose_lhs_hint = false} : vector<2048x64xf32>, vector<64x128xf32>, vector<2048x128xf32> -> vector<2048x128xf32>
    %add3A = arith.addf %dot_general3A_23, %dot_general3A_28 : vector<2048x128xf32>
    %get3A_29 = arith.constant 0 : index
    %get3A_30 = arith.constant 0 : index
    %get3A_31 = vector.load %arg6[%get3A_29, %get3A_30] : memref<1x128xf32, #tpu.memory_space<vmem>>, vector<1x128xf32>
    %add3A_32 = vector.broadcast %get3A_31 : vector<1x128xf32> to vector<2048x128xf32>
    %add3A_33 = arith.addf %add3A, %add3A_32 : vector<2048x128xf32>
    %max3A = arith.constant 0.000000e+00 : f32
    %max3A_34 = vector.broadcast %max3A : f32 to vector<2048x128xf32>
    %max3A_35 = arith.maximumf %add3A_33, %max3A_34 : vector<2048x128xf32>
    %get3A_36 = arith.constant 0 : index
    %get3A_37 = arith.constant 0 : index
    %get3A_38 = vector.load %arg7[%get3A_36, %get3A_37] : memref<128x64xf32, #tpu.memory_space<vmem>>, vector<128x64xf32>
    %dot_general3A_39 = arith.constant dense<0.000000e+00> : vector<2048x64xf32>
    %dot_general3A_40 = tpu.matmul %max3A_35, %get3A_38, %dot_general3A_39 {dimension_numbers = #tpu.dot_dimension_numbers<[1], [0], [0], [1], [0, 0, 1, 1], [], []>, transpose_lhs_hint = false} : vector<2048x128xf32>, vector<128x64xf32>, vector<2048x64xf32> -> vector<2048x64xf32>
    %get3A_41 = arith.constant 0 : index
    %get3A_42 = arith.constant 0 : index
    %get3A_43 = vector.load %arg8[%get3A_41, %get3A_42] : memref<1x64xf32, #tpu.memory_space<vmem>>, vector<1x64xf32>
    %add3A_44 = vector.broadcast %get3A_43 : vector<1x64xf32> to vector<2048x64xf32>
    %add3A_45 = arith.addf %dot_general3A_40, %add3A_44 : vector<2048x64xf32>
    %max3A_46 = arith.constant 0.000000e+00 : f32
    %max3A_47 = vector.broadcast %max3A_46 : f32 to vector<2048x64xf32>
    %max3A_48 = arith.maximumf %add3A_45, %max3A_47 : vector<2048x64xf32>
    %get3A_49 = arith.constant 0 : index
    %get3A_50 = arith.constant 0 : index
    %get3A_51 = vector.load %arg9[%get3A_49, %get3A_50] : memref<1x64xf32, #tpu.memory_space<vmem>>, vector<1x64xf32>
    %mul3A = vector.broadcast %get3A_51 : vector<1x64xf32> to vector<2048x64xf32>
    %mul3A_52 = arith.mulf %max3A_48, %mul3A : vector<2048x64xf32>
    %reduce_sum3A = arith.constant dense<0.000000e+00> : vector<2048xf32>
    %reduce_sum3A_53 = vector.multi_reduction <add>, %mul3A_52, %reduce_sum3A [1] : vector<2048x64xf32> to vector<2048xf32>
    %broadcast_in_dim3A_54 = vector.shape_cast %reduce_sum3A_53 : vector<2048xf32> to vector<2048x1xf32>
    %get3A_55 = arith.constant 0 : index
    %get3A_56 = arith.constant 0 : index
    %get3A_57 = vector.load %arg10[%get3A_55, %get3A_56] : memref<1x1xf32, #tpu.memory_space<vmem>>, vector<1x1xf32>
    %add3A_58 = vector.broadcast %get3A_57 : vector<1x1xf32> to vector<2048x1xf32>
    %add3A_59 = arith.addf %broadcast_in_dim3A_54, %add3A_58 : vector<2048x1xf32>
    %neg3A = arith.constant 0.000000e+00 : f32
    %neg3A_60 = vector.broadcast %neg3A : f32 to vector<2048x1xf32>
    %neg3A_61 = arith.subf %neg3A_60, %add3A_59 : vector<2048x1xf32>
    %exp3A = math.exp %neg3A_61 : vector<2048x1xf32>
    %add3A_62 = arith.constant 1.000000e+00 : f32
    %add3A_63 = vector.broadcast %add3A_62 : f32 to vector<2048x1xf32>
    %add3A_64 = arith.addf %add3A_63, %exp3A : vector<2048x1xf32>
    %div3A = arith.constant 5.000000e+00 : f32
    %div3A_65 = vector.broadcast %div3A : f32 to vector<2048x1xf32>
    %div3A_66 = arith.divf %div3A_65, %add3A_64 : vector<2048x1xf32>
    %swap3A = arith.constant 0 : index
    %swap3A_67 = arith.constant 0 : index
    %swap3A_68 = vector.load %arg11[%swap3A, %swap3A_67] : memref<2048x1xf32, #tpu.memory_space<vmem>>, vector<2048x1xf32>
    tpu.vector_store %arg11[%swap3A, %swap3A_67], %div3A_66 {strides = array<i32>} : memref<2048x1xf32, #tpu.memory_space<vmem>>, vector<2048x1xf32>,
    return
  }
  func.func @transform_0(%arg0: i32) -> (i32, i32) {
    %c0_i32 = arith.constant 0 : i32
    %c0_i32_0 = arith.constant 0 : i32
    return %arg0, %c0_i32 : i32, i32
  }
  func.func @transform_1(%arg0: i32) -> (i32, i32) {
    %c0_i32 = arith.constant 0 : i32
    %c0_i32_0 = arith.constant 0 : i32
    return %arg0, %c0_i32 : i32, i32
  }
  func.func @transform_2(%arg0: i32) -> (i32, i32) {
    %c0_i32 = arith.constant 0 : i32
    %c0_i32_0 = arith.constant 0 : i32
    return %arg0, %c0_i32 : i32, i32
  }
  func.func @transform_3(%arg0: i32) -> (i32, i32) {
    %c0_i32 = arith.constant 0 : i32
    %c0_i32_0 = arith.constant 0 : i32
    %c0_i32_1 = arith.constant 0 : i32
    return %c0_i32, %c0_i32_0 : i32, i32
  }
  func.func @transform_4(%arg0: i32) -> (i32, i32) {
    %c0_i32 = arith.constant 0 : i32
    %c0_i32_0 = arith.constant 0 : i32
    %c0_i32_1 = arith.constant 0 : i32
    return %c0_i32, %c0_i32_0 : i32, i32
  }
  func.func @transform_5(%arg0: i32) -> (i32, i32) {
    %c0_i32 = arith.constant 0 : i32
    %c0_i32_0 = arith.constant 0 : i32
    %c0_i32_1 = arith.constant 0 : i32
    return %c0_i32, %c0_i32_0 : i32, i32
  }
  func.func @transform_6(%arg0: i32) -> (i32, i32) {
    %c0_i32 = arith.constant 0 : i32
    %c0_i32_0 = arith.constant 0 : i32
    %c0_i32_1 = arith.constant 0 : i32
    return %c0_i32, %c0_i32_0 : i32, i32
  }
  func.func @transform_7(%arg0: i32) -> (i32, i32) {
    %c0_i32 = arith.constant 0 : i32
    %c0_i32_0 = arith.constant 0 : i32
    %c0_i32_1 = arith.constant 0 : i32
    return %c0_i32, %c0_i32_0 : i32, i32
  }
  func.func @transform_8(%arg0: i32) -> (i32, i32) {
    %c0_i32 = arith.constant 0 : i32
    %c0_i32_0 = arith.constant 0 : i32
    %c0_i32_1 = arith.constant 0 : i32
    return %c0_i32, %c0_i32_0 : i32, i32
  }
  func.func @transform_9(%arg0: i32) -> (i32, i32) {
    %c0_i32 = arith.constant 0 : i32
    %c0_i32_0 = arith.constant 0 : i32
    %c0_i32_1 = arith.constant 0 : i32
    return %c0_i32, %c0_i32_0 : i32, i32
  }
  func.func @transform_10(%arg0: i32) -> (i32, i32) {
    %c0_i32 = arith.constant 0 : i32
    %c0_i32_0 = arith.constant 0 : i32
    return %arg0, %c0_i32 : i32, i32
  }
}

</mosaic_0001>

<sc_bundles>
// kernel: kernel.6.cloned.1.call-start
scs
__scs_entry_jumppad:
0x0: {  	(pc) =	sbr.rel $0x88, $3  }
0x1: {  	(tag) =	ssettag $0x0;
	lr =	simm.s32 $0x1  }
0x2: {  	[smem:$0x3F97] =	sst lr;
	_ =	strace $0xD0000000  }
0x3: {  	_ = 	snop  }
0x4: {  	_ = 	snop  }
0x5: {  	_ = 	snop  }
0x6: {  	_ = 	snop  }
0x7: {  	_ = 	snop  }
__scs_overlays_trampoline_lowered:
0x8: {  	[smem:$0x3FA6] =	sst s0  }
0x9: {  	[smem:$0x3FA7] =	sst s1  }
0xa: {  	[smem:$0x3FA8] =	sst s2  }
0xb: {  	[smem:$0x3FA9] =	sst s3  }
0xc: {  	[smem:$0x3FAA] =	sst s4  }
0xd: {  	[smem:$0x3FAB] =	sst s5  }
0xe: {  	[smem:$0x3FAC] =	sst s6  }
0xf: {  	[smem:$0x3FAD] =	sst s7  }
0x10: {  	[smem:$0x3FAE] =	sst s8  }
0x11: {  	[smem:$0x3FAF] =	sst s9;
	s0 =	simm.s32 @!p0 $0x0  }
0x12: {  	s1 =	sld [smem:$0x3F95];
	s0 =	simm.s32 @p0 $0x1  }
0x13: {  	[smem:$0x3FB0] =	sst s0;
	s0 =	simm.s32 @!p1 $0x0  }
0x14: {  	s2 =	sld [smem:$0x3F94];
	s0 =	simm.s32 @p1 $0x1  }
0x15: {  	[smem:$0x3FB1] =	sst s0;
	s0 =	simm.s32 @!p2 $0x0  }
0x16: {  	s3 =	sld [smem:$0x3FDB];
	s0 =	simm.s32 @p2 $0x1  }
0x17: {  	s4 =	simm.s32 $0x1BF5;
	[smem:$0x3FB3] =	sst s0  }
0x18: {  	s0 =	sld [smem:$0x3F96];
	_ =	swait.ge [sflag:s4], $0x0  }
0x19: {  	s7 =	sld [smem:$0x3F97]  }
0x1a: {  	s8 =	sadd.s32 $0xFFFFE003, lr  }
0x1b: {  	s9 =	sadd.s32 $0xFFFFFEF7, lr;
	s5 =	simm.s32 $0xFFFFFFFF;
	p2 =	slt.u32 s8, $0xFFFFF086  }
0x1c: {  	p1 =	slt.u32 s9, $0xF7A;
	s5 =	simm.s32 @!p2 $0x0  }
0x1d: {  	s5 =	simm.s32 @p1 $0x1;
	p0 =	seq.s32 s7, s2  }
0x1e: {  	s7 =	smul.u32 @!p0 $0xF7A, s2;
	p2 =	seq.s32 @!p0 s5, $0x0  }
0x1f: {  	s9 =	smul.u32 $0xF7A, s1;
	s8 =	simm.s32 @!p0 $0x1BF5;
	p2 =	por !p2, p0  }
0x20: {  	[sflag:s8] =	ssyncset.s32 @!p0 $0xFFFFF086;
	s6 =	sadd.s32 @!p0 s3, s7;
	s7 =	simm.s32 @!p0 $0x108  }
0x21: {  	s3 =	sadd.s32 s3, s9;
	s6 =	sadd.s32 @!p0 $0x88, s6;
	s7 =	simm.s32 @p2 $0x1082  }
0x22: {  	[simem:s7], [sflag:s8] =	dma.local @!p0 [hbm:s6], $0xF7A  }
0x23: {  	s9 =	sor.u32 $0xD0000000, s2;
	s6 =	simm.s32 $0x108;
	_ =	swait.ge @!p0 [sflag:s8], $0x0  }
0x24: {  	s3 =	sadd.s32 $0x88, s3;
	s6 =	simm.s32 @!p1 $0x1082;
	[sflag:s4] =	ssyncset.s32 $0xFFFFF086  }
0x25: {  	[simem:s6], [sflag:s4] =	dma.local [hbm:s3], $0xF7A  }
0x26: {  	[smem:$0x3F97] =	sst s1;
	(tag) =	ssettag s2;
	_ =	strace s9  }
0x27: {  	s1 =	sld [smem:$0x3FA7]  }
0x28: {  	s2 =	sld [smem:$0x3FA8]  }
0x29: {  	s4 =	sld [smem:$0x3FAA]  }
0x2a: {  	p0 =	seq.s32 s5, $0x0;
	s5 =	sld [smem:$0x3FAB]  }
0x2b: {  	s6 =	sld [smem:$0x3FAC]  }
0x2c: {  	s7 =	sld [smem:$0x3FAD]  }
0x2d: {  	s3 =	simm.s32 $0x108;
	s8 =	sld [smem:$0x3FAE]  }
0x2e: {  	s3 =	simm.s32 @!p0 $0x1082;
	s9 =	sld [smem:$0x3FAF]  }
0x2f: {  	lr =	sadd.s32 s0, s3;
	s0 =	sld [smem:$0x3FA6]  }
0x30: {  	s3 =	sld [smem:$0x3FA9]  }
0x31: {  	[smem:$0x3FB2] =	sst s10  }
0x32: {  	s10 =	sld [smem:$0x3FB0];
	_ =	sdelay $0x3  }
0x33: {  	p0 =	seq.s32 s10, $0x1;
	s10 =	sld [smem:$0x3FB2];
	_ =	sdelay $0x3  }
0x34: {  	[smem:$0x3FB2] =	sst s10  }
0x35: {  	s10 =	sld [smem:$0x3FB1];
	_ =	sdelay $0x3  }
0x36: {  	p1 =	seq.s32 s10, $0x1;
	s10 =	sld [smem:$0x3FB2];
	_ =	sdelay $0x3  }
0x37: {  	[smem:$0x3FB2] =	sst s10  }
0x38: {  	s10 =	sld [smem:$0x3FB3]  }
0x39: {  	_ = 	snop;
	(pc) =	sbr.ind lr, $3  }
0x3a: {  	_ = 	snop  }
0x3b: {  	_ = 	snop  }
0x3c: {  	p2 =	seq.s32 s10, $0x1;
	s10 =	sld [smem:$0x3FB2]  }
0x3d: {  	_ =	shalt  }
0x3e: {  	_ =	shalt  }
0x3f: {  	_ =	shalt  }
0x40: {  	_ =	shalt  }
0x41: {  	_ =	shalt  }
0x42: {  	_ =	shalt  }
0x43: {  	_ =	shalt  }
0x44: {  	_ =	shalt  }
0x45: {  	_ =	shalt  }
0x46: {  	_ =	shalt  }
0x47: {  	_ =	shalt  }
0x48: {  	_ =	shalt  }
0x49: {  	_ =	shalt  }
0x4a: {  	_ =	shalt  }
0x4b: {  	_ =	shalt  }
0x4c: {  	_ =	shalt  }
0x4d: {  	_ =	shalt  }
0x4e: {  	_ =	shalt  }
0x4f: {  	_ =	shalt  }
0x50: {  	_ =	shalt  }
0x51: {  	_ =	shalt  }
0x52: {  	_ =	shalt  }
0x53: {  	_ =	shalt  }
0x54: {  	_ =	shalt  }
0x55: {  	_ =	shalt  }
0x56: {  	_ =	shalt  }
0x57: {  	_ =	shalt  }
0x58: {  	_ =	shalt  }
0x59: {  	_ =	shalt  }
0x5a: {  	_ =	shalt  }
0x5b: {  	_ =	shalt  }
0x5c: {  	_ =	shalt  }
0x5d: {  	_ =	shalt  }
0x5e: {  	_ =	shalt  }
0x5f: {  	_ =	shalt  }
0x60: {  	_ =	shalt  }
0x61: {  	_ =	shalt  }
0x62: {  	_ =	shalt  }
0x63: {  	_ =	shalt  }
0x64: {  	_ =	shalt  }
0x65: {  	_ =	shalt  }
0x66: {  	_ =	shalt  }
0x67: {  	_ =	shalt  }
0x68: {  	_ =	shalt  }
0x69: {  	_ =	shalt  }
0x6a: {  	_ =	shalt  }
0x6b: {  	_ =	shalt  }
0x6c: {  	_ =	shalt  }
0x6d: {  	_ =	shalt  }
0x6e: {  	_ =	shalt  }
0x6f: {  	_ =	shalt  }
0x70: {  	_ =	shalt  }
0x71: {  	_ =	shalt  }
0x72: {  	_ =	shalt  }
0x73: {  	_ =	shalt  }
0x74: {  	_ =	shalt  }
0x75: {  	_ =	shalt  }
0x76: {  	_ =	shalt  }
0x77: {  	_ =	shalt  }
0x78: {  	_ =	shalt  }
0x79: {  	_ =	shalt  }
0x7a: {  	_ =	shalt  }
0x7b: {  	_ =	shalt  }
0x7c: {  	_ =	shalt  }
0x7d: {  	_ =	shalt  }
0x7e: {  	_ =	shalt  }
0x7f: {  	_ =	shalt  }
0x80: {  	_ =	shalt  }
0x81: {  	_ =	shalt  }
0x82: {  	_ =	shalt  }
0x83: {  	_ =	shalt  }
0x84: {  	_ =	shalt  }
0x85: {  	_ =	shalt  }
0x86: {  	_ =	shalt  }
0x87: {  	_ =	shalt  }
.Lfunc_end0:
.L_simem_size_0:
called_computation_lowered:
.L_overlay_start_0:
0x88: {  	s2 =	sld [smem:$0x3FD9]  }
0x89: {  	s3 =	sld [smem:$0x3FFE];
	_ =	sdelay $0x1  }
0x8a: {  	s1 =	srdreg.scid  }
0x8b: {  	s0 =	sand.u32 $0x1, s1  }
0x8c: {  	s16 =	sshll.u32 s0, $0xA;
	s2 =	sadd.s32 s3, s2  }
0x8d: {  	s2 =	sadd.s32 s2, s16  }
0x8e: {  	[smem:$0x3FBE] =	sst s2  }
0x8f: {  	_ = 	snop  }
0x90: {  	(tm) =	ssettm $0x1  }
0x91: {  	s17 =	sld [smem:$0x3FFB];
	_ =	sdelay $0x3  }
0x92: {  	_ =	strace s17  }
0x93: {  	s2 =	sld [smem:$0x3FFC];
	_ =	sdelay $0x3  }
0x94: {  	_ =	strace s2  }
0x95: {  	s2 =	sld [smem:$0x3FFD];
	_ =	sdelay $0x3  }
0x96: {  	_ =	strace s2  }
0x97: {  	_ =	strace $0x8FFFFFFF  }
0x98: {  	s18 =	sld [smem:$0x3FDB];
	_ =	sdelay $0x1  }
0x99: {  	s19 =	simm.s32 $_scs_section_size  }
0x9a: {  	s4 =	simm.s32 $_size__tile_overlayer_lowered;
	s5 =	simm.s32 $_tile_overlayer_lowered  }
0x9b: {  	s22 =	simm.s32 $0x1BFF;
	s21 =	sshll.u32 s5, $0x1;
	s2 =	sadd.s32 s19, s18  }
0x9c: {  	s6 =	simm.s32 $0x0;
	s20 =	sshll.u32 s4, $0x1;
	s4 =	sadd.s32 s21, s2  }
0x9d: {  	[timem:s6], [sflag:s22] =	dma.local [hbm:s4], s20  }
0x9e: {  	_ =	swait.ge [sflag:s22], s20  }
0x9f: {  	s3 =	ssub.s32 $0x0, s20;
	[sflag:s22] =	ssyncset.done $0x0  }
0xa0: {  	[sflag:s22] =	ssyncadd.s32 s3;
	_ =	sdelay $0x1  }
0xa1: {  	s23 =	simm.s32 $0x1B8B  }
0xa2: {  	_ =	swait.ge [sflag:s23], $0x1  }
0xa3: {  	[sflag:s23] =	ssyncset.done $0x0  }
0xa4: {  	s25 =	simm.s32 $0x1B8E;
	s24 =	sld [smem:$0x3FFE];
	[sflag:s23] =	ssyncadd.s32 $0xFFFFFFFF  }
0xa5: {  	s26 =	simm.s32 $execute0_lowered;
	[smem:$0x3FD2] =	sst s25  }
0xa6: {  	s4 =	sshll.u32 s26, $0x1;
	_ =	strace $0x80000046;
	[dreg:$0x1] =	wrdreg $0xFFFFFFFF  }
0xa7: {  	s28 =	simm.s32 $_size_execute0_lowered;
	s2 =	sadd.s32 s2, s4;
	[dreg:$0x0] =	wrdreg $0x0  }
0xa8: {  	s4 =	sshll.u32 s28, $0x1;
	[dreg:$0x2] =	wrdreg s2  }
0xa9: {  	[dreg:$0x3] =	wrdreg s4  }
0xaa: {  	[dreg:$0x4] =	wrdreg $0xC0  }
0xab: {  	_ =	task [dreg:s6], $0x5FFFF  }
0xac: {  	[dreg:$0x1] =	wrdreg $0xFFFFFFFF  }
0xad: {  	[dreg:$0x0] =	wrdreg $0x60  }
0xae: {  	[dreg:$0x2] =	wrdreg s24  }
0xaf: {  	[dreg:$0x3] =	wrdreg $0x9  }
0xb0: {  	_ =	task.clear_ibuf [dreg:s6], $0x4FFFF;
	_ =	strace $0x90000046  }
0xb1: {  	s29 =	simm.s32 $0x9;
	_ =	strace $0x80000048  }
0xb2: {  	_ =	swait.ge [sflag:s29], $0x1  }
0xb3: {  	[sflag:s29] =	ssyncadd.s32 $0xFFFFFFFF  }
0xb4: {  	_ =	strace $0x90000048  }
0xb5: {  	_ =	sfence  }
0xb6: {  	s30 =	sld [smem:$0x0];
	_ =	sdelay $0x2  }
0xb7: {  	s31 =	sshll.u32 s1, $0xD;
	s1 =	sshrl.u32 s1, $0x2  }
0xb8: {  	s3 =	sand.u32 $0x4000, s31;
	s1 =	sadd.s32 s1, s30  }
0xb9: {  	s0 =	sor.u32 s3, s0;
	s1 =	sshll.u32 s1, $0x11  }
0xba: {  	s0 =	sor.u32 s1, s0  }
0xbb: {  	s0 =	sadd.s32 $0x8F2B, s0  }
0xbc: {  	[sflag:s0] =	ssyncadd.remote.s32 $0x1  }
0xbd: {  	_ =	sfence.sel $0xFFFF  }
0xbe: {  	[dreg:$0x0] =	wrdreg $0xFFFFFFFF;
	(pc) =	sbr.abs _section_cstart, $3  }
0xbf: {  	[dreg:$0x1] =	wrdreg $0xFFFFFFFF  }
0xc0: {  	_ =	task.clear_ibuf [dreg:s6], $0x2FFFF;
	_ =	strace $0x9FFFFFFF  }
0xc1: {  	(tm) =	ssettm $0x7FFFFFFF  }
tec
execute0_lowered:
.L_overlay_start_1:
0x0: {  	(tag) =	ssettag $0x1  }
0x1: {  	s0 =	srdreg.scid  }
0x2: {  	s2 =	stileid.u32;
	s1 =	rddreg [dreg:$0x0]  }
0x3: {  	s0 =	sand.u32 $0x1, s0;
	s3 =	sshll.u32 s2, $0xA;
	s2 =	simm.s32 $0x0  }
0x4: {  	s4 =	sshll.u32 s0, $0x9;
	[smem:$0x7FF] =	sst s2;
	s0 =	ssub.s32 $0x2, s0  }
0x5: {  	s5 =	sor.u32 s4, s3;
	_ =	strace $0x80000047;
	s29 =	sshrl.u32 s0, $0x1  }
0x6: {  	s4 =	sadd.s32 $0x7B9A00, s1;
	s3 =	sshrl.u32 s5, $0x3;
	s0 =	ssub.s32 s0, s29  }
0x7: {  	s5 =	sshll.u32 s5, $0x5;
	s6 =	sadd.s32 s3, s1;
	s0 =	smax.u32 s0, $0x1  }
0x8: {  	s3 =	sadd.s32 $0x1A00, s1;
	s7 =	sadd.s32 $0xF72A00, s6;
	[dreg:$0x18] =	wrdreg s0  }
0x9: {  	s1 =	sadd.s32 s5, s1;
	s30 =	sadd.s32 $0xF72200, s6;
	[dreg:$0x14] =	wrdreg s7  }
0xa: {  	s31 =	sadd.s32 $0xF73200, s1;
	[dreg:$0x15] =	wrdreg s30  }
0xb: {  	s1 =	sadd.s32 $0xF75200, s1;
	[dreg:$0x16] =	wrdreg s31  }
0xc: {  	s5 =	simm.s32 $0x2;
	[dreg:$0x17] =	wrdreg s1;
	s1 =	simm.s32 $0x0  }
.LBB2_1:
0xd: {  	[dreg:$0x19] =	wrdreg s1  }
0xe: {  	s0 =	rddreg [dreg:$0x14]  }
0xf: {  	[tilespmem:s2], [sflag:$0x2] =	stream.linear.gather [hbm4b:s0+s2], $0x200, $0x38;
	[tilespmem:$0x10400] =	vst v63  }
0x10: {  	_ =	swait.ge [sflag:s5], $0x200  }
0x11: {  	[sflag:s5] =	ssyncset.done $0x0  }
0x12: {  	s21 =	simm.s32 $0x200;
	s22 =	rddreg [dreg:$0x15];
	[sflag:s5] =	ssyncadd.s32 $0xFFFFFE00  }
0x13: {  	[tilespmem:s21], [sflag:$0x2] =	stream.linear.gather [hbm4b:s22+s2], $0x200, $0x38;
	[tilespmem:$0x10400] =	vst v63  }
0x14: {  	_ =	swait.ge [sflag:s5], $0x200  }
0x15: {  	[sflag:s5] =	ssyncset.done $0x0  }
0x16: {  	[sflag:s5] =	ssyncadd.s32 $0xFFFFFE00  }
0x17: {  	v0 =	vld [tilespmem:s2+$0x0]  }
0x18: {  	v2 =	vld [tilespmem:s21+$0x0];
	_ =	sdelay $0x3  }
0x19: {  	v1 =	vshll.u32 v0, $0x4  }
0x1a: {  	v63 =	vshll.u32 v2, $0x4;
	(v2sf) =	vpush v1, $0x0  }
0x1b: {  	(v2sf) =	vpush v63, $0x0  }
0x1c: {  	(v2sf) =	vpush v1, $0x1;
	_ =	sdelay $0x2  }
0x1d: {  	(v2sf) =	vpush v63, $0x1;
	_ =	sdelay $0x1  }
0x1e: {  	(v2sf) =	vpush v1, $0x2;
	_ =	sdelay $0x1  }
0x1f: {  	(v2sf) =	vpush v63, $0x2;
	_ =	sdelay $0x1  }
0x20: {  	s15 =	simm.s32 $0x4000;
	(v2sf) =	vpush v1, $0x3  }
0x21: {  	s14 =	simm.s32 $0x0;
	s6 =	simm.s32 $0x800;
	s1 =	simm.s32 $0xC80  }
0x22: {  	s7 =	simm.s32 $0x400;
	s9 =	simm.s32 $0x600;
	s10 =	simm.s32 $0x580  }
0x23: {  	s25 =	simm.s32 $0x480;
	s29 =	simm.s32 $0x880;
	s17 =	simm.s32 $0x900  }
0x24: {  	s31 =	simm.s32 $0xE80;
	s0 =	simm.s32 $0x1100;
	s8 =	spop (v2sf);
	(v2sf) =	vpush v63, $0x3  }
0x25: {  	s22 =	simm.s32 $0xA00;
	s8 =	sand.u32 $0x1FFFFFF0, s8;
	s11 =	spop (v2sf)  }
0x26: {  	s5 =	simm.s32 $0x680;
	(v2sf) =	vpush v1, $0x4;
	s8 =	sadd.s32 s3, s8;
	s24 =	spop (v2sf)  }
0x27: {  	(v2sf) =	vpush v63, $0x4;
	[tilespmem:s7], [sflag:$0x1] =	stream.linear.gather [hbm4b:s8+s2], $0x80, $0x38;
	[tilespmem:$0x10400] =	vst v63  }
0x28: {  	s23 =	sand.u32 $0x1FFFFFF0, s11;
	s7 =	simm.s32 $0x980;
	s11 =	sand.u32 $0x1FFFFFF0, s24  }
0x29: {  	s8 =	sadd.s32 s4, s23;
	s12 =	spop (v2sf);
	(v2sf) =	vpush v1, $0x5;
	s26 =	sadd.s32 s3, s11  }
0x2a: {  	(v2sf) =	vpush v63, $0x5;
	[tilespmem:s6], [sflag:$0x1] =	stream.linear.gather [hbm4b:s8+s2], $0x80, $0x38;
	[tilespmem:$0x10400] =	vst v63  }
0x2b: {  	s28 =	sand.u32 $0x1FFFFFF0, s12;
	s30 =	spop (v2sf);
	s12 =	simm.s32 $0x500  }
0x2c: {  	(v2sf) =	vpush v1, $0x6;
	[tilespmem:s25], [sflag:$0x1] =	stream.linear.gather [hbm4b:s26+s2], $0x80, $0x38;
	[tilespmem:$0x10400] =	vst v63  }
0x2d: {  	s11 =	sadd.s32 s4, s28;
	s8 =	sand.u32 $0x1FFFFFF0, s30;
	s13 =	spop (v2sf)  }
0x2e: {  	[tilespmem:s29], [sflag:$0x1] =	stream.linear.gather [hbm4b:s11+s2], $0x80, $0x38;
	[tilespmem:$0x10400] =	vst v63  }
0x2f: {  	s8 =	sadd.s32 s3, s8;
	s16 =	spop (v2sf);
	s11 =	sand.u32 $0x1FFFFFF0, s13  }
0x30: {  	(v2sf) =	vpush v63, $0x6;
	[tilespmem:s12], [sflag:$0x1] =	stream.linear.gather [hbm4b:s8+s2], $0x80, $0x38;
	[tilespmem:$0x10400] =	vst v63  }
0x31: {  	s28 =	simm.s32 $0xA80;
	s19 =	sand.u32 $0x1FFFFFF0, s16;
	s18 =	sadd.s32 s4, s11  }
0x32: {  	[tilespmem:s17], [sflag:$0x1] =	stream.linear.gather [hbm4b:s18+s2], $0x80, $0x38;
	[tilespmem:$0x10400] =	vst v63  }
0x33: {  	s30 =	simm.s32 $0x700;
	s21 =	sadd.s32 s3, s19;
	s20 =	spop (v2sf)  }
0x34: {  	(v2sf) =	vpush v1, $0x7;
	[tilespmem:s10], [sflag:$0x1] =	stream.linear.gather [hbm4b:s21+s2], $0x80, $0x38;
	[tilespmem:$0x10400] =	vst v63  }
0x35: {  	s19 =	simm.s32 $0xB00;
	s6 =	sand.u32 $0x1FFFFFF0, s20;
	s23 =	spop (v2sf)  }
0x36: {  	s12 =	simm.s32 $0x1200;
	(v2sf) =	vpush v63, $0x7;
	s6 =	sadd.s32 s4, s6;
	s24 =	spop (v2sf)  }
0x37: {  	(v2sf) =	vpush v1, $0x8;
	[tilespmem:s7], [sflag:$0x1] =	stream.linear.gather [hbm4b:s6+s2], $0x80, $0x38;
	[tilespmem:$0x10400] =	vst v63  }
0x38: {  	s10 =	sand.u32 $0x1FFFFFF0, s23;
	s26 =	sand.u32 $0x1FFFFFF0, s24;
	s29 =	spop (v2sf)  }
0x39: {  	s25 =	sadd.s32 s3, s10;
	(v2sf) =	vpush v63, $0x8;
	s7 =	sadd.s32 s4, s26;
	s10 =	spop (v2sf)  }
0x3a: {  	(v2sf) =	vpush v1, $0x9;
	[tilespmem:s9], [sflag:$0x1] =	stream.linear.gather [hbm4b:s25+s2], $0x80, $0x38;
	[tilespmem:$0x10400] =	vst v63  }
0x3b: {  	s9 =	sand.u32 $0x1FFFFFF0, s29;
	s11 =	spop (v2sf);
	s25 =	simm.s32 $0xB80  }
0x3c: {  	(v2sf) =	vpush v63, $0x9;
	[tilespmem:s22], [sflag:$0x1] =	stream.linear.gather [hbm4b:s7+s2], $0x80, $0x38;
	[tilespmem:$0x10400] =	vst v63  }
0x3d: {  	s8 =	sadd.s32 s3, s9;
	s9 =	sand.u32 $0x1FFFFFF0, s10;
	s16 =	sand.u32 $0x1FFFFFF0, s11;
	(v2sf) =	vpush v1, $0xA  }
0x3e: {  	[tilespmem:s5], [sflag:$0x1] =	stream.linear.gather [hbm4b:s8+s2], $0x80, $0x38;
	[tilespmem:$0x10400] =	vst v63  }
0x3f: {  	s10 =	simm.s32 $0x1280;
	s17 =	spop (v2sf);
	s13 =	sadd.s32 s4, s9;
	(v2sf) =	vpush v63, $0xA  }
0x40: {  	[tilespmem:s28], [sflag:$0x1] =	stream.linear.gather [hbm4b:s13+s2], $0x80, $0x38;
	[tilespmem:$0x10400] =	vst v63  }
0x41: {  	s11 =	simm.s32 $0x1080;
	s18 =	sadd.s32 s3, s16;
	s6 =	sand.u32 $0x1FFFFFF0, s17  }
0x42: {  	[tilespmem:s30], [sflag:$0x1] =	stream.linear.gather [hbm4b:s18+s2], $0x80, $0x38;
	[tilespmem:$0x10400] =	vst v63  }
0x43: {  	s22 =	simm.s32 $0x780;
	s6 =	sadd.s32 s4, s6;
	s20 =	spop (v2sf)  }
0x44: {  	[tilespmem:s19], [sflag:$0x1] =	stream.linear.gather [hbm4b:s6+s2], $0x80, $0x38;
	[tilespmem:$0x10400] =	vst v63  }
0x45: {  	s16 =	simm.s32 $0xD00;
	(v2sf) =	vpush v1, $0xB;
	s8 =	sand.u32 $0x1FFFFFF0, s20;
	s21 =	spop (v2sf)  }
0x46: {  	s5 =	simm.s32 $0x1180;
	s23 =	sadd.s32 s3, s8;
	s26 =	spop (v2sf)  }
0x47: {  	(v2sf) =	vpush v63, $0xB;
	[tilespmem:s22], [sflag:$0x1] =	stream.linear.gather [hbm4b:s23+s2], $0x80, $0x38;
	[tilespmem:$0x10400] =	vst v63  }
0x48: {  	s28 =	simm.s32 $0xC00;
	s24 =	sand.u32 $0x1FFFFFF0, s21;
	s29 =	spop (v2sf)  }
0x49: {  	s8 =	sadd.s32 s4, s24;
	s7 =	sand.u32 $0x1FFFFFF0, s26;
	s30 =	spop (v2sf)  }
0x4a: {  	(v2sf) =	vpush v1, $0xC;
	[tilespmem:s25], [sflag:$0x1] =	stream.linear.gather [hbm4b:s8+s2], $0x80, $0x38;
	[tilespmem:$0x10400] =	vst v63  }
0x4b: {  	s7 =	sadd.s32 s3, s7;
	s8 =	sand.u32 $0x1FFFFFF0, s29;
	s13 =	spop (v2sf)  }
0x4c: {  	(v2sf) =	vpush v63, $0xC;
	s9 =	sand.u32 $0x1FFFFFF0, s30;
	s25 =	simm.s32 $0xD80;
	s17 =	spop (v2sf)  }
0x4d: {  	[tilespmem:s28], [sflag:$0x1] =	stream.linear.gather [hbm4b:s7+s2], $0x80, $0x38;
	[tilespmem:$0x10400] =	vst v63  }
0x4e: {  	s8 =	sadd.s32 s4, s8;
	s7 =	simm.s32 $0x1000;
	s18 =	spop (v2sf)  }
0x4f: {  	[tilespmem:s7], [sflag:$0x1] =	stream.linear.gather [hbm4b:s8+s2], $0x80, $0x38;
	[tilespmem:$0x10400] =	vst v63  }
0x50: {  	s20 =	sand.u32 $0x1FFFFFF0, s18;
	s8 =	sadd.s32 s3, s9;
	s7 =	sand.u32 $0x1FFFFFF0, s13  }
0x51: {  	[tilespmem:s1], [sflag:$0x1] =	stream.linear.gather [hbm4b:s8+s2], $0x80, $0x38;
	[tilespmem:$0x10400] =	vst v63  }
0x52: {  	s22 =	sadd.s32 s4, s20;
	s7 =	sadd.s32 s4, s7;
	s8 =	sand.u32 $0x1FFFFFF0, s17  }
0x53: {  	[tilespmem:s11], [sflag:$0x1] =	stream.linear.gather [hbm4b:s7+s2], $0x80, $0x38;
	[tilespmem:$0x10400] =	vst v63  }
0x54: {  	s20 =	simm.s32 $0x210;
	s19 =	sadd.s32 s3, s8;
	s21 =	spop (v2sf)  }
0x55: {  	[tilespmem:s16], [sflag:$0x1] =	stream.linear.gather [hbm4b:s19+s2], $0x80, $0x38;
	[tilespmem:$0x10400] =	vst v63  }
0x56: {  	s19 =	simm.s32 $0x10;
	s23 =	sand.u32 $0x1FFFFFF0, s21;
	s24 =	spop (v2sf)  }
0x57: {  	(v2sf) =	vpush v1, $0xD;
	[tilespmem:s0], [sflag:$0x1] =	stream.linear.gather [hbm4b:s22+s2], $0x80, $0x38;
	[tilespmem:$0x10400] =	vst v63  }
0x58: {  	(v2sf) =	vpush v63, $0xD;
	s21 =	simm.s32 $0x1300;
	s26 =	sadd.s32 s3, s23;
	s28 =	sand.u32 $0x1FFFFFF0, s24  }
0x59: {  	s23 =	simm.s32 $0xE00;
	(v2sf) =	vpush v1, $0xE;
	s22 =	simm.s32 $0xF00;
	s30 =	spop (v2sf)  }
0x5a: {  	(v2sf) =	vpush v63, $0xE;
	[tilespmem:s25], [sflag:$0x1] =	stream.linear.gather [hbm4b:s26+s2], $0x80, $0x38;
	[tilespmem:$0x10400] =	vst v63  }
0x5b: {  	s29 =	sadd.s32 s4, s28;
	(v2sf) =	vpush v1, $0xF;
	s0 =	sand.u32 $0x1FFFFFF0, s30;
	s1 =	spop (v2sf)  }
0x5c: {  	(v2sf) =	vpush v63, $0xF;
	[tilespmem:s5], [sflag:$0x1] =	stream.linear.gather [hbm4b:s29+s2], $0x80, $0x38;
	[tilespmem:$0x10400] =	vst v63  }
.LBB2_2:
0x5d: {  	_ =	sdelay $0x4  }
0x5e: {  	s0 =	sadd.s32 s3, s0;
	s1 =	sand.u32 $0x1FFFFFF0, s1  }
0x5f: {  	[tilespmem:s23], [sflag:$0x1] =	stream.linear.gather [hbm4b:s0+s2], $0x80, $0x38;
	[tilespmem:$0x10400] =	vst v63  }
0x60: {  	s24 =	sadd.s32 s4, s1  }
0x61: {  	[tilespmem:s12], [sflag:$0x1] =	stream.linear.gather [hbm4b:s24+s2], $0x80, $0x38;
	[tilespmem:$0x10400] =	vst v63  }
0x62: {  	s5 =	spop (v2sf)  }
0x63: {  	s25 =	sand.u32 $0x1FFFFFF0, s5;
	s26 =	spop (v2sf)  }
0x64: {  	s28 =	sadd.s32 s3, s25;
	s29 =	sand.u32 $0x1FFFFFF0, s26;
	s30 =	spop (v2sf)  }
0x65: {  	[tilespmem:s31], [sflag:$0x1] =	stream.linear.gather [hbm4b:s28+s2], $0x80, $0x38;
	[tilespmem:$0x10400] =	vst v63  }
0x66: {  	s6 =	sadd.s32 s4, s29;
	s7 =	sand.u32 $0x1FFFFFF0, s30;
	s8 =	spop (v2sf)  }
0x67: {  	[tilespmem:s10], [sflag:$0x1] =	stream.linear.gather [hbm4b:s6+s2], $0x80, $0x38;
	[tilespmem:$0x10400] =	vst v63  }
0x68: {  	s9 =	sadd.s32 s3, s7;
	s11 =	spop (v2sf);
	s10 =	sand.u32 $0x1FFFFFF0, s8  }
0x69: {  	[tilespmem:s22], [sflag:$0x1] =	stream.linear.gather [hbm4b:s9+s2], $0x80, $0x38;
	[tilespmem:$0x10400] =	vst v63  }
0x6a: {  	s13 =	sand.u32 $0x1FFFFFF0, s11;
	s16 =	spop (v2sf);
	s12 =	sadd.s32 s4, s10  }
0x6b: {  	[tilespmem:s21], [sflag:$0x1] =	stream.linear.gather [hbm4b:s12+s2], $0x80, $0x38;
	[tilespmem:$0x10400] =	vst v63  }
0x6c: {  	s17 =	sadd.s32 $0xF80, s14;
	s1 =	sadd.s32 s3, s13;
	s5 =	sand.u32 $0x1FFFFFF0, s16  }
0x6d: {  	[tilespmem:s17], [sflag:$0x1] =	stream.linear.gather [hbm4b:s1+s2], $0x80, $0x38;
	[tilespmem:$0x10400] =	vst v63  }
0x6e: {  	s18 =	sadd.s32 $0x1380, s14;
	s21 =	sadd.s32 s4, s5  }
0x6f: {  	[tilespmem:s18], [sflag:$0x1] =	stream.linear.gather [hbm4b:s21+s2], $0x80, $0x38;
	[tilespmem:$0x10400] =	vst v63  }
0x70: {  	v0 =	vld [tilespmem:s19+$0x0]  }
0x71: {  	v2 =	vld [tilespmem:s20+$0x0];
	_ =	sdelay $0x3  }
0x72: {  	v1 =	vshll.u32 v0, $0x4  }
0x73: {  	s22 =	smov.u32 s15;
	v63 =	vshll.u32 v2, $0x4;
	(v2sf) =	vpush v1, $0x0  }
0x74: {  	s14 =	sshra.s32 s22, $0x2;
	(v2sf) =	vpush v63, $0x0  }
0x75: {  	p0 =	sne.s32 s15, $0x3C000;
	s15 =	sadd.s32 $0x4000, s15;
	s25 =	sadd.s32 $0x800, s14;
	(v2sf) =	vpush v1, $0x1  }
0x76: {  	s0 =	sadd.s32 $0x680, s14;
	s23 =	sadd.s32 $0xC80, s14;
	s28 =	sadd.s32 $0x400, s14  }
0x77: {  	s9 =	sadd.s32 $0x600, s14;
	s24 =	sadd.s32 $0x1100, s14;
	s13 =	sadd.s32 $0x580, s14;
	(v2sf) =	vpush v63, $0x1  }
0x78: {  	s10 =	sadd.s32 $0x980, s14;
	s26 =	sadd.s32 $0x1200, s14;
	s11 =	sadd.s32 $0xA00, s14  }
0x79: {  	s31 =	sadd.s32 $0xE80, s14;
	s16 =	sadd.s32 $0x900, s14;
	[dreg:$0x6] =	wrdreg s23;
	(v2sf) =	vpush v1, $0x2  }
0x7a: {  	s8 =	sadd.s32 $0xA80, s14;
	s7 =	sadd.s32 $0x700, s14;
	[dreg:$0x2] =	wrdreg s24  }
0x7b: {  	s29 =	sadd.s32 $0x1180, s14;
	s6 =	sadd.s32 $0xB00, s14;
	[dreg:$0xe] =	wrdreg s26;
	(v2sf) =	vpush v63, $0x2  }
0x7c: {  	s30 =	sadd.s32 $0x1080, s14;
	s12 =	sadd.s32 $0xD00, s14;
	[dreg:$0x4] =	wrdreg s29  }
0x7d: {  	s5 =	sadd.s32 $0x780, s14;
	s22 =	sadd.s32 $0xF00, s14;
	[dreg:$0xa] =	wrdreg s30;
	(v2sf) =	vpush v1, $0x3  }
0x7e: {  	s24 =	sadd.s32 $0x500, s14;
	s26 =	sadd.s32 $0x880, s14;
	[dreg:$0x8] =	wrdreg s12  }
0x7f: {  	s23 =	sadd.s32 $0xE00, s14;
	s29 =	sadd.s32 $0x480, s14;
	s17 =	sadd.s32 $0x1000, s14;
	(v2sf) =	vpush v63, $0x3  }
0x80: {  	s12 =	sadd.s32 $0xB80, s14;
	[dreg:$0x10] =	wrdreg s17;
	s17 =	sadd.s32 $0xC00, s14  }
0x81: {  	s1 =	sadd.s32 $0x1280, s14;
	[dreg:$0x12] =	wrdreg s17;
	s21 =	sadd.s32 $0x1300, s14;
	(v2sf) =	vpush v1, $0x4  }
0x82: {  	s18 =	sadd.s32 $0xD80, s14;
	s19 =	sadd.s32 $0x10, s19;
	s30 =	spop (v2sf)  }
0x83: {  	[dreg:$0xc] =	wrdreg s18;
	s30 =	sand.u32 $0x1FFFFFF0, s30;
	s18 =	spop (v2sf);
	(v2sf) =	vpush v63, $0x4  }
0x84: {  	s30 =	sadd.s32 s3, s30;
	s17 =	sand.u32 $0x1FFFFFF0, s18;
	s18 =	spop (v2sf)  }
0x85: {  	(v2sf) =	vpush v1, $0x5;
	[tilespmem:s28], [sflag:$0x1] =	stream.linear.gather [hbm4b:s30+s2], $0x80, $0x38;
	[tilespmem:$0x10400] =	vst v63  }
0x86: {  	s17 =	sadd.s32 s4, s17;
	s18 =	sand.u32 $0x1FFFFFF0, s18;
	s30 =	spop (v2sf);
	(v2sf) =	vpush v63, $0x5  }
0x87: {  	[tilespmem:s25], [sflag:$0x1] =	stream.linear.gather [hbm4b:s17+s2], $0x80, $0x38;
	[tilespmem:$0x10400] =	vst v63  }
0x88: {  	s28 =	sand.u32 $0x1FFFFFF0, s30;
	s30 =	spop (v2sf);
	(v2sf) =	vpush v1, $0x6;
	s25 =	sadd.s32 s3, s18  }
0x89: {  	[tilespmem:s29], [sflag:$0x1] =	stream.linear.gather [hbm4b:s25+s2], $0x80, $0x38;
	[tilespmem:$0x10400] =	vst v63  }
0x8a: {  	s28 =	sadd.s32 s4, s28;
	s29 =	sand.u32 $0x1FFFFFF0, s30;
	s30 =	spop (v2sf);
	(v2sf) =	vpush v63, $0x6  }
0x8b: {  	[tilespmem:s26], [sflag:$0x1] =	stream.linear.gather [hbm4b:s28+s2], $0x80, $0x38;
	[tilespmem:$0x10400] =	vst v63  }
0x8c: {  	s28 =	sadd.s32 s3, s29;
	s29 =	sand.u32 $0x1FFFFFF0, s30;
	s30 =	spop (v2sf)  }
0x8d: {  	(v2sf) =	vpush v1, $0x7;
	[tilespmem:s24], [sflag:$0x1] =	stream.linear.gather [hbm4b:s28+s2], $0x80, $0x38;
	[tilespmem:$0x10400] =	vst v63  }
0x8e: {  	s25 =	sand.u32 $0x1FFFFFF0, s30;
	s26 =	spop (v2sf);
	s24 =	sadd.s32 s4, s29  }
0x8f: {  	(v2sf) =	vpush v63, $0x7;
	[tilespmem:s16], [sflag:$0x1] =	stream.linear.gather [hbm4b:s24+s2], $0x80, $0x38;
	[tilespmem:$0x10400] =	vst v63  }
0x90: {  	s28 =	sadd.s32 s3, s25;
	s29 =	sand.u32 $0x1FFFFFF0, s26;
	s30 =	spop (v2sf)  }
0x91: {  	(v2sf) =	vpush v1, $0x8;
	[tilespmem:s13], [sflag:$0x1] =	stream.linear.gather [hbm4b:s28+s2], $0x80, $0x38;
	[tilespmem:$0x10400] =	vst v63  }
0x92: {  	s25 =	sand.u32 $0x1FFFFFF0, s30;
	s24 =	sadd.s32 s4, s29;
	s26 =	spop (v2sf)  }
0x93: {  	[tilespmem:s10], [sflag:$0x1] =	stream.linear.gather [hbm4b:s24+s2], $0x80, $0x38;
	[tilespmem:$0x10400] =	vst v63  }
0x94: {  	s20 =	sadd.s32 $0x10, s20;
	s28 =	sadd.s32 s3, s25;
	s30 =	spop (v2sf)  }
0x95: {  	(v2sf) =	vpush v63, $0x8;
	s29 =	sand.u32 $0x1FFFFFF0, s26;
	s10 =	smov.u32 s1;
	s18 =	spop (v2sf)  }
0x96: {  	(v2sf) =	vpush v1, $0x9;
	[tilespmem:s9], [sflag:$0x1] =	stream.linear.gather [hbm4b:s28+s2], $0x80, $0x38;
	[tilespmem:$0x10400] =	vst v63  }
0x97: {  	s13 =	sadd.s32 s4, s29;
	s17 =	sand.u32 $0x1FFFFFF0, s30;
	s26 =	spop (v2sf)  }
0x98: {  	(v2sf) =	vpush v63, $0x9;
	[tilespmem:s11], [sflag:$0x1] =	stream.linear.gather [hbm4b:s13+s2], $0x80, $0x38;
	[tilespmem:$0x10400] =	vst v63  }
0x99: {  	s24 =	sadd.s32 s3, s17;
	s25 =	sand.u32 $0x1FFFFFF0, s18;
	s30 =	spop (v2sf)  }
0x9a: {  	[tilespmem:s0], [sflag:$0x1] =	stream.linear.gather [hbm4b:s24+s2], $0x80, $0x38;
	[tilespmem:$0x10400] =	vst v63  }
0x9b: {  	s28 =	sadd.s32 s4, s25;
	s29 =	sand.u32 $0x1FFFFFF0, s26;
	s13 =	sand.u32 $0x1FFFFFF0, s30  }
0x9c: {  	(v2sf) =	vpush v1, $0xA;
	s11 =	sadd.s32 s3, s29;
	s16 =	spop (v2sf);
	s17 =	sadd.s32 s4, s13  }
0x9d: {  	[tilespmem:s8], [sflag:$0x1] =	stream.linear.gather [hbm4b:s28+s2], $0x80, $0x38;
	[tilespmem:$0x10400] =	vst v63  }
0x9e: {  	(v2sf) =	vpush v63, $0xA;
	s18 =	sand.u32 $0x1FFFFFF0, s16;
	s24 =	spop (v2sf);
	s8 =	rddreg [dreg:$0x12]  }
0x9f: {  	[tilespmem:s7], [sflag:$0x1] =	stream.linear.gather [hbm4b:s11+s2], $0x80, $0x38;
	[tilespmem:$0x10400] =	vst v63  }
0xa0: {  	(v2sf) =	vpush v1, $0xB;
	s16 =	rddreg [dreg:$0x10];
	s26 =	sand.u32 $0x1FFFFFF0, s24;
	s28 =	spop (v2sf)  }
0xa1: {  	[tilespmem:s6], [sflag:$0x1] =	stream.linear.gather [hbm4b:s17+s2], $0x80, $0x38;
	[tilespmem:$0x10400] =	vst v63  }
0xa2: {  	s25 =	sadd.s32 s3, s18;
	s29 =	sadd.s32 s4, s26;
	s30 =	sand.u32 $0x1FFFFFF0, s28  }
0xa3: {  	[tilespmem:s5], [sflag:$0x1] =	stream.linear.gather [hbm4b:s25+s2], $0x80, $0x38;
	[tilespmem:$0x10400] =	vst v63  }
0xa4: {  	(v2sf) =	vpush v63, $0xB;
	s1 =	spop (v2sf);
	s5 =	sadd.s32 s3, s30;
	s25 =	rddreg [dreg:$0x6]  }
0xa5: {  	(v2sf) =	vpush v1, $0xC;
	s30 =	rddreg [dreg:$0xa];
	s6 =	sand.u32 $0x1FFFFFF0, s1;
	s7 =	spop (v2sf)  }
0xa6: {  	[tilespmem:s12], [sflag:$0x1] =	stream.linear.gather [hbm4b:s29+s2], $0x80, $0x38;
	[tilespmem:$0x10400] =	vst v63  }
0xa7: {  	(v2sf) =	vpush v63, $0xC;
	s12 =	rddreg [dreg:$0xe];
	s11 =	sand.u32 $0x1FFFFFF0, s7;
	s13 =	spop (v2sf)  }
0xa8: {  	[tilespmem:s8], [sflag:$0x1] =	stream.linear.gather [hbm4b:s5+s2], $0x80, $0x38;
	[tilespmem:$0x10400] =	vst v63  }
0xa9: {  	s9 =	sadd.s32 s4, s6;
	s17 =	sadd.s32 s3, s11;
	s18 =	sand.u32 $0x1FFFFFF0, s13  }
0xaa: {  	[tilespmem:s16], [sflag:$0x1] =	stream.linear.gather [hbm4b:s9+s2], $0x80, $0x38;
	[tilespmem:$0x10400] =	vst v63  }
0xab: {  	s24 =	spop (v2sf);
	s11 =	rddreg [dreg:$0x8];
	s26 =	sadd.s32 s4, s18  }
0xac: {  	[tilespmem:s25], [sflag:$0x1] =	stream.linear.gather [hbm4b:s17+s2], $0x80, $0x38;
	[tilespmem:$0x10400] =	vst v63  }
0xad: {  	s28 =	sand.u32 $0x1FFFFFF0, s24;
	s18 =	rddreg [dreg:$0x2];
	s29 =	spop (v2sf)  }
0xae: {  	[tilespmem:s30], [sflag:$0x1] =	stream.linear.gather [hbm4b:s26+s2], $0x80, $0x38;
	[tilespmem:$0x10400] =	vst v63  }
0xaf: {  	s7 =	sadd.s32 s3, s28;
	s8 =	sand.u32 $0x1FFFFFF0, s29;
	s9 =	spop (v2sf)  }
0xb0: {  	[tilespmem:s11], [sflag:$0x1] =	stream.linear.gather [hbm4b:s7+s2], $0x80, $0x38;
	[tilespmem:$0x10400] =	vst v63  }
0xb1: {  	s28 =	rddreg [dreg:$0xc];
	s13 =	sadd.s32 s4, s8;
	s16 =	sand.u32 $0x1FFFFFF0, s9  }
0xb2: {  	(v2sf) =	vpush v1, $0xD;
	[tilespmem:s18], [sflag:$0x1] =	stream.linear.gather [hbm4b:s13+s2], $0x80, $0x38;
	[tilespmem:$0x10400] =	vst v63  }
.Ltmp0:
0xb3: {  	(v2sf) =	vpush v63, $0xD;
	s17 =	spop (v2sf);
	s24 =	sadd.s32 s3, s16;
	(pc) =	sbr.rel @p0 .LBB2_2-.Ltmp0, $4  }
0xb4: {  	(v2sf) =	vpush v1, $0xE;
	s25 =	sand.u32 $0x1FFFFFF0, s17;
	s26 =	spop (v2sf);
	s30 =	rddreg [dreg:$0x4]  }
0xb5: {  	(v2sf) =	vpush v63, $0xE;
	[tilespmem:s28], [sflag:$0x1] =	stream.linear.gather [hbm4b:s24+s2], $0x80, $0x38;
	[tilespmem:$0x10400] =	vst v63  }
0xb6: {  	(v2sf) =	vpush v1, $0xF;
	s29 =	sadd.s32 s4, s25;
	s0 =	sand.u32 $0x1FFFFFF0, s26;
	s1 =	spop (v2sf)  }
0xb7: {  	(v2sf) =	vpush v63, $0xF;
	[tilespmem:s30], [sflag:$0x1] =	stream.linear.gather [hbm4b:s29+s2], $0x80, $0x38;
	[tilespmem:$0x10400] =	vst v63  }
0xb8: {  	_ =	sdelay $0x4  }
0xb9: {  	s0 =	sadd.s32 s3, s0;
	s1 =	sand.u32 $0x1FFFFFF0, s1  }
0xba: {  	[tilespmem:s23], [sflag:$0x1] =	stream.linear.gather [hbm4b:s0+s2], $0x80, $0x38;
	[tilespmem:$0x10400] =	vst v63  }
0xbb: {  	s19 =	sadd.s32 s4, s1  }
0xbc: {  	[tilespmem:s12], [sflag:$0x1] =	stream.linear.gather [hbm4b:s19+s2], $0x80, $0x38;
	[tilespmem:$0x10400] =	vst v63  }
0xbd: {  	s5 =	spop (v2sf)  }
0xbe: {  	s20 =	sand.u32 $0x1FFFFFF0, s5;
	s23 =	spop (v2sf)  }
0xbf: {  	s24 =	sadd.s32 s3, s20;
	s25 =	sand.u32 $0x1FFFFFF0, s23;
	s26 =	spop (v2sf)  }
0xc0: {  	[tilespmem:s31], [sflag:$0x1] =	stream.linear.gather [hbm4b:s24+s2], $0x80, $0x38;
	[tilespmem:$0x10400] =	vst v63  }
0xc1: {  	s28 =	sadd.s32 s4, s25;
	s29 =	sand.u32 $0x1FFFFFF0, s26;
	s30 =	spop (v2sf)  }
0xc2: {  	[tilespmem:s10], [sflag:$0x1] =	stream.linear.gather [hbm4b:s28+s2], $0x80, $0x38;
	[tilespmem:$0x10400] =	vst v63  }
0xc3: {  	s6 =	sadd.s32 s3, s29;
	s7 =	sand.u32 $0x1FFFFFF0, s30;
	s8 =	spop (v2sf)  }
0xc4: {  	[tilespmem:s22], [sflag:$0x1] =	stream.linear.gather [hbm4b:s6+s2], $0x80, $0x38;
	[tilespmem:$0x10400] =	vst v63  }
0xc5: {  	s9 =	sadd.s32 s4, s7;
	s10 =	sand.u32 $0x1FFFFFF0, s8;
	s11 =	spop (v2sf)  }
0xc6: {  	[tilespmem:s21], [sflag:$0x1] =	stream.linear.gather [hbm4b:s9+s2], $0x80, $0x38;
	[tilespmem:$0x10400] =	vst v63  }
0xc7: {  	s12 =	sadd.s32 $0xF80, s14;
	s1 =	sadd.s32 s3, s10;
	s5 =	sand.u32 $0x1FFFFFF0, s11  }
0xc8: {  	[tilespmem:s12], [sflag:$0x1] =	stream.linear.gather [hbm4b:s1+s2], $0x80, $0x38;
	[tilespmem:$0x10400] =	vst v63  }
0xc9: {  	s13 =	sadd.s32 $0x1380, s14;
	s15 =	simm.s32 $0x1;
	s14 =	sadd.s32 s4, s5  }
0xca: {  	[tilespmem:s13], [sflag:$0x1] =	stream.linear.gather [hbm4b:s14+s2], $0x80, $0x38;
	[tilespmem:$0x10400] =	vst v63  }
0xcb: {  	_ =	swait.ge [sflag:s15], $0x10000  }
0xcc: {  	s16 =	simm.s32 $0x0;
	s18 =	simm.s32 $0x400;
	[sflag:s15] =	ssyncset.done $0x0  }
0xcd: {  	s19 =	simm.s32 $0x2;
	s17 =	rddreg [dreg:$0x16];
	[sflag:s15] =	ssyncadd.s32 $0xFFFF0000  }
0xce: {  	[hbm4b:s17+s16] =	stream.linear.scatter [tilespmem:s18], [sflag:$0x2], $0x10000, $0x38;
	[tilespmem:$0x10400] =	vst v63  }
0xcf: {  	_ =	swait.ge [sflag:s19], $0x10000  }
0xd0: {  	[sflag:s19] =	ssyncset.done $0x0  }
0xd1: {  	s20 =	simm.s32 $0x100;
	[sflag:s19] =	ssyncadd.s32 $0xFFFF0000  }
0xd2: {  	s21 =	simm.s32 $0x300;
	v0 =	vld [tilespmem:s20+$0x0]  }
0xd3: {  	v2 =	vld [tilespmem:s21+$0x0];
	_ =	sdelay $0x3  }
0xd4: {  	v1 =	vshll.u32 v0, $0x4  }
0xd5: {  	v63 =	vshll.u32 v2, $0x4;
	(v2sf) =	vpush v1, $0x0  }
0xd6: {  	(v2sf) =	vpush v63, $0x0;
	_ =	sdelay $0x2  }
0xd7: {  	(v2sf) =	vpush v1, $0x1  }
0xd8: {  	(v2sf) =	vpush v63, $0x1;
	_ =	sdelay $0x1  }
0xd9: {  	(v2sf) =	vpush v1, $0x2;
	_ =	sdelay $0x1  }
0xda: {  	(v2sf) =	vpush v63, $0x2;
	_ =	sdelay $0x1  }
0xdb: {  	s0 =	simm.s32 $0x1100;
	(v2sf) =	vpush v1, $0x3  }
0xdc: {  	s25 =	simm.s32 $0x480;
	s31 =	simm.s32 $0xE80;
	s29 =	simm.s32 $0x880  }
0xdd: {  	s7 =	simm.s32 $0x400;
	s10 =	simm.s32 $0x580;
	s6 =	simm.s32 $0x800  }
0xde: {  	s5 =	simm.s32 $0x680;
	s9 =	simm.s32 $0x600;
	s1 =	simm.s32 $0xC80  }
0xdf: {  	s12 =	simm.s32 $0x500;
	s14 =	simm.s32 $0x0;
	(v2sf) =	vpush v63, $0x3;
	s8 =	spop (v2sf)  }
0xe0: {  	s15 =	simm.s32 $0x4000;
	s8 =	sand.u32 $0x1FFFFFF0, s8;
	s11 =	spop (v2sf)  }
0xe1: {  	s17 =	simm.s32 $0x900;
	(v2sf) =	vpush v1, $0x4;
	s8 =	sadd.s32 s3, s8;
	s22 =	sand.u32 $0x1FFFFFF0, s11  }
0xe2: {  	(v2sf) =	vpush v63, $0x4;
	[tilespmem:s7], [sflag:$0x1] =	stream.linear.gather [hbm4b:s8+s2], $0x80, $0x38;
	[tilespmem:$0x10400] =	vst v63  }
0xe3: {  	s23 =	spop (v2sf);
	s7 =	simm.s32 $0x980;
	s8 =	sadd.s32 s4, s22  }
0xe4: {  	s11 =	sand.u32 $0x1FFFFFF0, s23;
	s24 =	spop (v2sf);
	(v2sf) =	vpush v1, $0x5;
	s22 =	simm.s32 $0xA00  }
0xe5: {  	[tilespmem:s6], [sflag:$0x1] =	stream.linear.gather [hbm4b:s8+s2], $0x80, $0x38;
	[tilespmem:$0x10400] =	vst v63  }
0xe6: {  	s26 =	sadd.s32 s3, s11;
	s28 =	sand.u32 $0x1FFFFFF0, s24;
	s30 =	spop (v2sf)  }
0xe7: {  	(v2sf) =	vpush v63, $0x5;
	[tilespmem:s25], [sflag:$0x1] =	stream.linear.gather [hbm4b:s26+s2], $0x80, $0x38;
	[tilespmem:$0x10400] =	vst v63  }
0xe8: {  	s11 =	sadd.s32 s4, s28;
	(v2sf) =	vpush v1, $0x6;
	s8 =	sand.u32 $0x1FFFFFF0, s30;
	s13 =	spop (v2sf)  }
0xe9: {  	[tilespmem:s29], [sflag:$0x1] =	stream.linear.gather [hbm4b:s11+s2], $0x80, $0x38;
	[tilespmem:$0x10400] =	vst v63  }
0xea: {  	s8 =	sadd.s32 s3, s8;
	s16 =	spop (v2sf);
	(v2sf) =	vpush v63, $0x6;
	s11 =	sand.u32 $0x1FFFFFF0, s13  }
0xeb: {  	[tilespmem:s12], [sflag:$0x1] =	stream.linear.gather [hbm4b:s8+s2], $0x80, $0x38;
	[tilespmem:$0x10400] =	vst v63  }
0xec: {  	s28 =	simm.s32 $0xA80;
	s19 =	sand.u32 $0x1FFFFFF0, s16;
	s18 =	sadd.s32 s4, s11  }
0xed: {  	[tilespmem:s17], [sflag:$0x1] =	stream.linear.gather [hbm4b:s18+s2], $0x80, $0x38;
	[tilespmem:$0x10400] =	vst v63  }
0xee: {  	s30 =	simm.s32 $0x700;
	s20 =	spop (v2sf);
	(v2sf) =	vpush v1, $0x7;
	s21 =	sadd.s32 s3, s19  }
0xef: {  	[tilespmem:s10], [sflag:$0x1] =	stream.linear.gather [hbm4b:s21+s2], $0x80, $0x38;
	[tilespmem:$0x10400] =	vst v63  }
0xf0: {  	(v2sf) =	vpush v63, $0x7;
	s6 =	sand.u32 $0x1FFFFFF0, s20;
	s19 =	simm.s32 $0xB00;
	s23 =	spop (v2sf)  }
0xf1: {  	s6 =	sadd.s32 s4, s6;
	s10 =	sand.u32 $0x1FFFFFF0, s23;
	s24 =	spop (v2sf)  }
0xf2: {  	(v2sf) =	vpush v1, $0x8;
	[tilespmem:s7], [sflag:$0x1] =	stream.linear.gather [hbm4b:s6+s2], $0x80, $0x38;
	[tilespmem:$0x10400] =	vst v63  }
0xf3: {  	s25 =	sadd.s32 s3, s10;
	s26 =	sand.u32 $0x1FFFFFF0, s24;
	s29 =	spop (v2sf)  }
0xf4: {  	(v2sf) =	vpush v63, $0x8;
	[tilespmem:s9], [sflag:$0x1] =	stream.linear.gather [hbm4b:s25+s2], $0x80, $0x38;
	[tilespmem:$0x10400] =	vst v63  }
0xf5: {  	s12 =	simm.s32 $0x1200;
	s7 =	sadd.s32 s4, s26;
	s9 =	sand.u32 $0x1FFFFFF0, s29  }
0xf6: {  	(v2sf) =	vpush v1, $0x9;
	s10 =	spop (v2sf);
	s25 =	simm.s32 $0xB80;
	s8 =	sadd.s32 s3, s9  }
0xf7: {  	(v2sf) =	vpush v63, $0x9;
	s9 =	sand.u32 $0x1FFFFFF0, s10;
	s11 =	spop (v2sf);
	s10 =	simm.s32 $0x1280  }
0xf8: {  	[tilespmem:s22], [sflag:$0x1] =	stream.linear.gather [hbm4b:s7+s2], $0x80, $0x38;
	[tilespmem:$0x10400] =	vst v63  }
0xf9: {  	(v2sf) =	vpush v1, $0xA;
	s13 =	sadd.s32 s4, s9;
	s16 =	sand.u32 $0x1FFFFFF0, s11;
	s17 =	spop (v2sf)  }
0xfa: {  	(v2sf) =	vpush v63, $0xA;
	[tilespmem:s5], [sflag:$0x1] =	stream.linear.gather [hbm4b:s8+s2], $0x80, $0x38;
	[tilespmem:$0x10400] =	vst v63  }
0xfb: {  	s22 =	simm.s32 $0x780;
	s11 =	simm.s32 $0x1080;
	s18 =	sadd.s32 s3, s16  }
0xfc: {  	[tilespmem:s28], [sflag:$0x1] =	stream.linear.gather [hbm4b:s13+s2], $0x80, $0x38;
	[tilespmem:$0x10400] =	vst v63  }
0xfd: {  	s6 =	sand.u32 $0x1FFFFFF0, s17;
	s20 =	spop (v2sf);
	(v2sf) =	vpush v1, $0xB;
	s16 =	simm.s32 $0xD00  }
0xfe: {  	[tilespmem:s30], [sflag:$0x1] =	stream.linear.gather [hbm4b:s18+s2], $0x80, $0x38;
	[tilespmem:$0x10400] =	vst v63  }
0xff: {  	s6 =	sadd.s32 s4, s6;
	s8 =	sand.u32 $0x1FFFFFF0, s20;
	s21 =	spop (v2sf);
	(v2sf) =	vpush v63, $0xB  }
0x100: {  	[tilespmem:s19], [sflag:$0x1] =	stream.linear.gather [hbm4b:s6+s2], $0x80, $0x38;
	[tilespmem:$0x10400] =	vst v63  }
0x101: {  	s23 =	sadd.s32 s3, s8;
	s24 =	sand.u32 $0x1FFFFFF0, s21;
	s26 =	spop (v2sf)  }
0x102: {  	[tilespmem:s22], [sflag:$0x1] =	stream.linear.gather [hbm4b:s23+s2], $0x80, $0x38;
	[tilespmem:$0x10400] =	vst v63  }
0x103: {  	s5 =	simm.s32 $0x1180;
	s8 =	sadd.s32 s4, s24;
	s29 =	spop (v2sf)  }
0x104: {  	[tilespmem:s25], [sflag:$0x1] =	stream.linear.gather [hbm4b:s8+s2], $0x80, $0x38;
	[tilespmem:$0x10400] =	vst v63  }
0x105: {  	s28 =	simm.s32 $0xC00;
	s7 =	sand.u32 $0x1FFFFFF0, s26;
	(v2sf) =	vpush v1, $0xC;
	s30 =	spop (v2sf)  }
0x106: {  	s7 =	sadd.s32 s3, s7;
	s8 =	sand.u32 $0x1FFFFFF0, s29;
	s13 =	spop (v2sf)  }
0x107: {  	(v2sf) =	vpush v63, $0xC;
	[tilespmem:s28], [sflag:$0x1] =	stream.linear.gather [hbm4b:s7+s2], $0x80, $0x38;
	[tilespmem:$0x10400] =	vst v63  }
0x108: {  	s25 =	simm.s32 $0xD80;
	s8 =	sadd.s32 s4, s8;
	s17 =	spop (v2sf)  }
0x109: {  	s9 =	sand.u32 $0x1FFFFFF0, s30;
	s7 =	simm.s32 $0x1000;
	s18 =	spop (v2sf)  }
0x10a: {  	[tilespmem:s7], [sflag:$0x1] =	stream.linear.gather [hbm4b:s8+s2], $0x80, $0x38;
	[tilespmem:$0x10400] =	vst v63  }
0x10b: {  	s8 =	sadd.s32 s3, s9;
	s7 =	sand.u32 $0x1FFFFFF0, s13;
	s20 =	sand.u32 $0x1FFFFFF0, s18  }
0x10c: {  	s21 =	spop (v2sf);
	s7 =	sadd.s32 s4, s7;
	s22 =	sadd.s32 s4, s20  }
0x10d: {  	[tilespmem:s1], [sflag:$0x1] =	stream.linear.gather [hbm4b:s8+s2], $0x80, $0x38;
	[tilespmem:$0x10400] =	vst v63  }
0x10e: {  	s23 =	sand.u32 $0x1FFFFFF0, s21;
	s24 =	spop (v2sf);
	s8 =	sand.u32 $0x1FFFFFF0, s17  }
0x10f: {  	[tilespmem:s11], [sflag:$0x1] =	stream.linear.gather [hbm4b:s7+s2], $0x80, $0x38;
	[tilespmem:$0x10400] =	vst v63  }
0x110: {  	s20 =	simm.s32 $0x310;
	s21 =	simm.s32 $0x1300;
	s19 =	sadd.s32 s3, s8  }
0x111: {  	[tilespmem:s16], [sflag:$0x1] =	stream.linear.gather [hbm4b:s19+s2], $0x80, $0x38;
	[tilespmem:$0x10400] =	vst v63  }
0x112: {  	(v2sf) =	vpush v1, $0xD;
	s26 =	sadd.s32 s3, s23;
	s28 =	sand.u32 $0x1FFFFFF0, s24;
	s23 =	simm.s32 $0xE00  }
0x113: {  	(v2sf) =	vpush v63, $0xD;
	[tilespmem:s0], [sflag:$0x1] =	stream.linear.gather [hbm4b:s22+s2], $0x80, $0x38;
	[tilespmem:$0x10400] =	vst v63  }
0x114: {  	(v2sf) =	vpush v1, $0xE;
	s29 =	sadd.s32 s4, s28;
	s19 =	simm.s32 $0x110;
	s30 =	spop (v2sf)  }
0x115: {  	(v2sf) =	vpush v63, $0xE;
	[tilespmem:s25], [sflag:$0x1] =	stream.linear.gather [hbm4b:s26+s2], $0x80, $0x38;
	[tilespmem:$0x10400] =	vst v63  }
0x116: {  	(v2sf) =	vpush v1, $0xF;
	s22 =	simm.s32 $0xF00;
	s0 =	sand.u32 $0x1FFFFFF0, s30;
	s1 =	spop (v2sf)  }
0x117: {  	(v2sf) =	vpush v63, $0xF;
	[tilespmem:s5], [sflag:$0x1] =	stream.linear.gather [hbm4b:s29+s2], $0x80, $0x38;
	[tilespmem:$0x10400] =	vst v63  }
.LBB2_4:
0x118: {  	_ =	sdelay $0x4  }
0x119: {  	s0 =	sadd.s32 s3, s0;
	s1 =	sand.u32 $0x1FFFFFF0, s1  }
0x11a: {  	[tilespmem:s23], [sflag:$0x1] =	stream.linear.gather [hbm4b:s0+s2], $0x80, $0x38;
	[tilespmem:$0x10400] =	vst v63  }
0x11b: {  	s24 =	sadd.s32 s4, s1  }
0x11c: {  	[tilespmem:s12], [sflag:$0x1] =	stream.linear.gather [hbm4b:s24+s2], $0x80, $0x38;
	[tilespmem:$0x10400] =	vst v63  }
0x11d: {  	s5 =	spop (v2sf)  }
0x11e: {  	s25 =	sand.u32 $0x1FFFFFF0, s5;
	s26 =	spop (v2sf)  }
0x11f: {  	s28 =	sadd.s32 s3, s25;
	s29 =	sand.u32 $0x1FFFFFF0, s26;
	s30 =	spop (v2sf)  }
0x120: {  	[tilespmem:s31], [sflag:$0x1] =	stream.linear.gather [hbm4b:s28+s2], $0x80, $0x38;
	[tilespmem:$0x10400] =	vst v63  }
0x121: {  	s6 =	sadd.s32 s4, s29;
	s7 =	sand.u32 $0x1FFFFFF0, s30;
	s8 =	spop (v2sf)  }
0x122: {  	[tilespmem:s10], [sflag:$0x1] =	stream.linear.gather [hbm4b:s6+s2], $0x80, $0x38;
	[tilespmem:$0x10400] =	vst v63  }
0x123: {  	s9 =	sadd.s32 s3, s7;
	s11 =	spop (v2sf);
	s10 =	sand.u32 $0x1FFFFFF0, s8  }
0x124: {  	[tilespmem:s22], [sflag:$0x1] =	stream.linear.gather [hbm4b:s9+s2], $0x80, $0x38;
	[tilespmem:$0x10400] =	vst v63  }
0x125: {  	s13 =	sand.u32 $0x1FFFFFF0, s11;
	s16 =	spop (v2sf);
	s12 =	sadd.s32 s4, s10  }
0x126: {  	[tilespmem:s21], [sflag:$0x1] =	stream.linear.gather [hbm4b:s12+s2], $0x80, $0x38;
	[tilespmem:$0x10400] =	vst v63  }
0x127: {  	s17 =	sadd.s32 $0xF80, s14;
	s1 =	sadd.s32 s3, s13;
	s5 =	sand.u32 $0x1FFFFFF0, s16  }
0x128: {  	[tilespmem:s17], [sflag:$0x1] =	stream.linear.gather [hbm4b:s1+s2], $0x80, $0x38;
	[tilespmem:$0x10400] =	vst v63  }
0x129: {  	s18 =	sadd.s32 $0x1380, s14;
	s21 =	sadd.s32 s4, s5  }
0x12a: {  	[tilespmem:s18], [sflag:$0x1] =	stream.linear.gather [hbm4b:s21+s2], $0x80, $0x38;
	[tilespmem:$0x10400] =	vst v63  }
0x12b: {  	v0 =	vld [tilespmem:s19+$0x0]  }
0x12c: {  	v2 =	vld [tilespmem:s20+$0x0];
	_ =	sdelay $0x3  }
0x12d: {  	v1 =	vshll.u32 v0, $0x4  }
0x12e: {  	s22 =	smov.u32 s15;
	v63 =	vshll.u32 v2, $0x4;
	(v2sf) =	vpush v1, $0x0  }
0x12f: {  	s14 =	sshra.s32 s22, $0x2;
	(v2sf) =	vpush v63, $0x0  }
0x130: {  	p0 =	sne.s32 s15, $0x3C000;
	s15 =	sadd.s32 $0x4000, s15;
	s25 =	sadd.s32 $0x800, s14;
	(v2sf) =	vpush v1, $0x1  }
0x131: {  	s0 =	sadd.s32 $0x680, s14;
	s23 =	sadd.s32 $0xC80, s14;
	s28 =	sadd.s32 $0x400, s14  }
0x132: {  	s9 =	sadd.s32 $0x600, s14;
	s24 =	sadd.s32 $0x1100, s14;
	s13 =	sadd.s32 $0x580, s14;
	(v2sf) =	vpush v63, $0x1  }
0x133: {  	s10 =	sadd.s32 $0x980, s14;
	s26 =	sadd.s32 $0x1200, s14;
	s11 =	sadd.s32 $0xA00, s14  }
0x134: {  	s31 =	sadd.s32 $0xE80, s14;
	s16 =	sadd.s32 $0x900, s14;
	[dreg:$0x7] =	wrdreg s23;
	(v2sf) =	vpush v1, $0x2  }
0x135: {  	s8 =	sadd.s32 $0xA80, s14;
	s7 =	sadd.s32 $0x700, s14;
	[dreg:$0x3] =	wrdreg s24  }
0x136: {  	s29 =	sadd.s32 $0x1180, s14;
	s6 =	sadd.s32 $0xB00, s14;
	[dreg:$0xf] =	wrdreg s26;
	(v2sf) =	vpush v63, $0x2  }
0x137: {  	s30 =	sadd.s32 $0x1080, s14;
	s12 =	sadd.s32 $0xD00, s14;
	[dreg:$0x5] =	wrdreg s29  }
0x138: {  	s5 =	sadd.s32 $0x780, s14;
	s22 =	sadd.s32 $0xF00, s14;
	[dreg:$0xb] =	wrdreg s30;
	(v2sf) =	vpush v1, $0x3  }
0x139: {  	s24 =	sadd.s32 $0x500, s14;
	s26 =	sadd.s32 $0x880, s14;
	[dreg:$0x9] =	wrdreg s12  }
0x13a: {  	s23 =	sadd.s32 $0xE00, s14;
	s29 =	sadd.s32 $0x480, s14;
	s17 =	sadd.s32 $0x1000, s14;
	(v2sf) =	vpush v63, $0x3  }
0x13b: {  	s12 =	sadd.s32 $0xB80, s14;
	[dreg:$0x11] =	wrdreg s17;
	s17 =	sadd.s32 $0xC00, s14  }
0x13c: {  	s1 =	sadd.s32 $0x1280, s14;
	[dreg:$0x13] =	wrdreg s17;
	s21 =	sadd.s32 $0x1300, s14;
	(v2sf) =	vpush v1, $0x4  }
0x13d: {  	s18 =	sadd.s32 $0xD80, s14;
	s19 =	sadd.s32 $0x10, s19;
	s30 =	spop (v2sf)  }
0x13e: {  	[dreg:$0xd] =	wrdreg s18;
	s30 =	sand.u32 $0x1FFFFFF0, s30;
	s18 =	spop (v2sf);
	(v2sf) =	vpush v63, $0x4  }
0x13f: {  	s30 =	sadd.s32 s3, s30;
	s17 =	sand.u32 $0x1FFFFFF0, s18;
	s18 =	spop (v2sf)  }
0x140: {  	(v2sf) =	vpush v1, $0x5;
	[tilespmem:s28], [sflag:$0x1] =	stream.linear.gather [hbm4b:s30+s2], $0x80, $0x38;
	[tilespmem:$0x10400] =	vst v63  }
0x141: {  	s17 =	sadd.s32 s4, s17;
	s18 =	sand.u32 $0x1FFFFFF0, s18;
	s30 =	spop (v2sf);
	(v2sf) =	vpush v63, $0x5  }
0x142: {  	[tilespmem:s25], [sflag:$0x1] =	stream.linear.gather [hbm4b:s17+s2], $0x80, $0x38;
	[tilespmem:$0x10400] =	vst v63  }
0x143: {  	s28 =	sand.u32 $0x1FFFFFF0, s30;
	s30 =	spop (v2sf);
	(v2sf) =	vpush v1, $0x6;
	s25 =	sadd.s32 s3, s18  }
0x144: {  	[tilespmem:s29], [sflag:$0x1] =	stream.linear.gather [hbm4b:s25+s2], $0x80, $0x38;
	[tilespmem:$0x10400] =	vst v63  }
0x145: {  	s28 =	sadd.s32 s4, s28;
	s29 =	sand.u32 $0x1FFFFFF0, s30;
	s30 =	spop (v2sf);
	(v2sf) =	vpush v63, $0x6  }
0x146: {  	[tilespmem:s26], [sflag:$0x1] =	stream.linear.gather [hbm4b:s28+s2], $0x80, $0x38;
	[tilespmem:$0x10400] =	vst v63  }
0x147: {  	s28 =	sadd.s32 s3, s29;
	s29 =	sand.u32 $0x1FFFFFF0, s30;
	s30 =	spop (v2sf)  }
0x148: {  	(v2sf) =	vpush v1, $0x7;
	[tilespmem:s24], [sflag:$0x1] =	stream.linear.gather [hbm4b:s28+s2], $0x80, $0x38;
	[tilespmem:$0x10400] =	vst v63  }
0x149: {  	s25 =	sand.u32 $0x1FFFFFF0, s30;
	s26 =	spop (v2sf);
	s24 =	sadd.s32 s4, s29  }
0x14a: {  	(v2sf) =	vpush v63, $0x7;
	[tilespmem:s16], [sflag:$0x1] =	stream.linear.gather [hbm4b:s24+s2], $0x80, $0x38;
	[tilespmem:$0x10400] =	vst v63  }
0x14b: {  	s28 =	sadd.s32 s3, s25;
	s29 =	sand.u32 $0x1FFFFFF0, s26;
	s30 =	spop (v2sf)  }
0x14c: {  	(v2sf) =	vpush v1, $0x8;
	[tilespmem:s13], [sflag:$0x1] =	stream.linear.gather [hbm4b:s28+s2], $0x80, $0x38;
	[tilespmem:$0x10400] =	vst v63  }
0x14d: {  	s25 =	sand.u32 $0x1FFFFFF0, s30;
	s24 =	sadd.s32 s4, s29;
	s26 =	spop (v2sf)  }
0x14e: {  	[tilespmem:s10], [sflag:$0x1] =	stream.linear.gather [hbm4b:s24+s2], $0x80, $0x38;
	[tilespmem:$0x10400] =	vst v63  }
0x14f: {  	s20 =	sadd.s32 $0x10, s20;
	s28 =	sadd.s32 s3, s25;
	s30 =	spop (v2sf)  }
0x150: {  	(v2sf) =	vpush v63, $0x8;
	s29 =	sand.u32 $0x1FFFFFF0, s26;
	s10 =	smov.u32 s1;
	s18 =	spop (v2sf)  }
0x151: {  	(v2sf) =	vpush v1, $0x9;
	[tilespmem:s9], [sflag:$0x1] =	stream.linear.gather [hbm4b:s28+s2], $0x80, $0x38;
	[tilespmem:$0x10400] =	vst v63  }
0x152: {  	s13 =	sadd.s32 s4, s29;
	s17 =	sand.u32 $0x1FFFFFF0, s30;
	s26 =	spop (v2sf)  }
0x153: {  	(v2sf) =	vpush v63, $0x9;
	[tilespmem:s11], [sflag:$0x1] =	stream.linear.gather [hbm4b:s13+s2], $0x80, $0x38;
	[tilespmem:$0x10400] =	vst v63  }
0x154: {  	s24 =	sadd.s32 s3, s17;
	s25 =	sand.u32 $0x1FFFFFF0, s18;
	s30 =	spop (v2sf)  }
0x155: {  	[tilespmem:s0], [sflag:$0x1] =	stream.linear.gather [hbm4b:s24+s2], $0x80, $0x38;
	[tilespmem:$0x10400] =	vst v63  }
0x156: {  	s28 =	sadd.s32 s4, s25;
	s29 =	sand.u32 $0x1FFFFFF0, s26;
	s13 =	sand.u32 $0x1FFFFFF0, s30  }
0x157: {  	(v2sf) =	vpush v1, $0xA;
	s11 =	sadd.s32 s3, s29;
	s16 =	spop (v2sf);
	s17 =	sadd.s32 s4, s13  }
0x158: {  	[tilespmem:s8], [sflag:$0x1] =	stream.linear.gather [hbm4b:s28+s2], $0x80, $0x38;
	[tilespmem:$0x10400] =	vst v63  }
0x159: {  	(v2sf) =	vpush v63, $0xA;
	s18 =	sand.u32 $0x1FFFFFF0, s16;
	s24 =	spop (v2sf);
	s8 =	rddreg [dreg:$0x13]  }
0x15a: {  	[tilespmem:s7], [sflag:$0x1] =	stream.linear.gather [hbm4b:s11+s2], $0x80, $0x38;
	[tilespmem:$0x10400] =	vst v63  }
0x15b: {  	(v2sf) =	vpush v1, $0xB;
	s16 =	rddreg [dreg:$0x11];
	s26 =	sand.u32 $0x1FFFFFF0, s24;
	s28 =	spop (v2sf)  }
0x15c: {  	[tilespmem:s6], [sflag:$0x1] =	stream.linear.gather [hbm4b:s17+s2], $0x80, $0x38;
	[tilespmem:$0x10400] =	vst v63  }
0x15d: {  	s25 =	sadd.s32 s3, s18;
	s29 =	sadd.s32 s4, s26;
	s30 =	sand.u32 $0x1FFFFFF0, s28  }
0x15e: {  	[tilespmem:s5], [sflag:$0x1] =	stream.linear.gather [hbm4b:s25+s2], $0x80, $0x38;
	[tilespmem:$0x10400] =	vst v63  }
0x15f: {  	(v2sf) =	vpush v63, $0xB;
	s1 =	spop (v2sf);
	s5 =	sadd.s32 s3, s30;
	s25 =	rddreg [dreg:$0x7]  }
0x160: {  	(v2sf) =	vpush v1, $0xC;
	s30 =	rddreg [dreg:$0xb];
	s6 =	sand.u32 $0x1FFFFFF0, s1;
	s7 =	spop (v2sf)  }
0x161: {  	[tilespmem:s12], [sflag:$0x1] =	stream.linear.gather [hbm4b:s29+s2], $0x80, $0x38;
	[tilespmem:$0x10400] =	vst v63  }
0x162: {  	(v2sf) =	vpush v63, $0xC;
	s12 =	rddreg [dreg:$0xf];
	s11 =	sand.u32 $0x1FFFFFF0, s7;
	s13 =	spop (v2sf)  }
0x163: {  	[tilespmem:s8], [sflag:$0x1] =	stream.linear.gather [hbm4b:s5+s2], $0x80, $0x38;
	[tilespmem:$0x10400] =	vst v63  }
0x164: {  	s9 =	sadd.s32 s4, s6;
	s17 =	sadd.s32 s3, s11;
	s18 =	sand.u32 $0x1FFFFFF0, s13  }
0x165: {  	[tilespmem:s16], [sflag:$0x1] =	stream.linear.gather [hbm4b:s9+s2], $0x80, $0x38;
	[tilespmem:$0x10400] =	vst v63  }
0x166: {  	s24 =	spop (v2sf);
	s11 =	rddreg [dreg:$0x9];
	s26 =	sadd.s32 s4, s18  }
0x167: {  	[tilespmem:s25], [sflag:$0x1] =	stream.linear.gather [hbm4b:s17+s2], $0x80, $0x38;
	[tilespmem:$0x10400] =	vst v63  }
0x168: {  	s28 =	sand.u32 $0x1FFFFFF0, s24;
	s18 =	rddreg [dreg:$0x3];
	s29 =	spop (v2sf)  }
0x169: {  	[tilespmem:s30], [sflag:$0x1] =	stream.linear.gather [hbm4b:s26+s2], $0x80, $0x38;
	[tilespmem:$0x10400] =	vst v63  }
0x16a: {  	s7 =	sadd.s32 s3, s28;
	s8 =	sand.u32 $0x1FFFFFF0, s29;
	s9 =	spop (v2sf)  }
0x16b: {  	[tilespmem:s11], [sflag:$0x1] =	stream.linear.gather [hbm4b:s7+s2], $0x80, $0x38;
	[tilespmem:$0x10400] =	vst v63  }
0x16c: {  	s28 =	rddreg [dreg:$0xd];
	s13 =	sadd.s32 s4, s8;
	s16 =	sand.u32 $0x1FFFFFF0, s9  }
0x16d: {  	(v2sf) =	vpush v1, $0xD;
	[tilespmem:s18], [sflag:$0x1] =	stream.linear.gather [hbm4b:s13+s2], $0x80, $0x38;
	[tilespmem:$0x10400] =	vst v63  }
.Ltmp1:
0x16e: {  	(v2sf) =	vpush v63, $0xD;
	s17 =	spop (v2sf);
	s24 =	sadd.s32 s3, s16;
	(pc) =	sbr.rel @p0 .LBB2_4-.Ltmp1, $4  }
0x16f: {  	(v2sf) =	vpush v1, $0xE;
	s25 =	sand.u32 $0x1FFFFFF0, s17;
	s26 =	spop (v2sf);
	s30 =	rddreg [dreg:$0x5]  }
0x170: {  	(v2sf) =	vpush v63, $0xE;
	[tilespmem:s28], [sflag:$0x1] =	stream.linear.gather [hbm4b:s24+s2], $0x80, $0x38;
	[tilespmem:$0x10400] =	vst v63  }
0x171: {  	(v2sf) =	vpush v1, $0xF;
	s29 =	sadd.s32 s4, s25;
	s0 =	sand.u32 $0x1FFFFFF0, s26;
	s1 =	spop (v2sf)  }
0x172: {  	(v2sf) =	vpush v63, $0xF;
	[tilespmem:s30], [sflag:$0x1] =	stream.linear.gather [hbm4b:s29+s2], $0x80, $0x38;
	[tilespmem:$0x10400] =	vst v63  }
0x173: {  	_ =	sdelay $0x4  }
0x174: {  	s0 =	sadd.s32 s3, s0;
	s1 =	sand.u32 $0x1FFFFFF0, s1  }
0x175: {  	[tilespmem:s23], [sflag:$0x1] =	stream.linear.gather [hbm4b:s0+s2], $0x80, $0x38;
	[tilespmem:$0x10400] =	vst v63  }
0x176: {  	s1 =	sadd.s32 s4, s1  }
0x177: {  	[tilespmem:s12], [sflag:$0x1] =	stream.linear.gather [hbm4b:s1+s2], $0x80, $0x38;
	[tilespmem:$0x10400] =	vst v63  }
0x178: {  	s5 =	spop (v2sf)  }
0x179: {  	s6 =	sand.u32 $0x1FFFFFF0, s5;
	s7 =	spop (v2sf)  }
0x17a: {  	s8 =	sadd.s32 s3, s6;
	s9 =	sand.u32 $0x1FFFFFF0, s7;
	s11 =	spop (v2sf)  }
0x17b: {  	[tilespmem:s31], [sflag:$0x1] =	stream.linear.gather [hbm4b:s8+s2], $0x80, $0x38;
	[tilespmem:$0x10400] =	vst v63  }
0x17c: {  	s12 =	sadd.s32 s4, s9;
	s13 =	sand.u32 $0x1FFFFFF0, s11;
	s15 =	spop (v2sf)  }
0x17d: {  	[tilespmem:s10], [sflag:$0x1] =	stream.linear.gather [hbm4b:s12+s2], $0x80, $0x38;
	[tilespmem:$0x10400] =	vst v63  }
0x17e: {  	s16 =	sadd.s32 s3, s13;
	s17 =	sand.u32 $0x1FFFFFF0, s15;
	s18 =	spop (v2sf)  }
0x17f: {  	[tilespmem:s22], [sflag:$0x1] =	stream.linear.gather [hbm4b:s16+s2], $0x80, $0x38;
	[tilespmem:$0x10400] =	vst v63  }
0x180: {  	s19 =	sadd.s32 s4, s17;
	s20 =	sand.u32 $0x1FFFFFF0, s18;
	s22 =	spop (v2sf)  }
0x181: {  	[tilespmem:s21], [sflag:$0x1] =	stream.linear.gather [hbm4b:s19+s2], $0x80, $0x38;
	[tilespmem:$0x10400] =	vst v63  }
0x182: {  	s23 =	sadd.s32 $0xF80, s14;
	s1 =	sadd.s32 s3, s20;
	s5 =	sand.u32 $0x1FFFFFF0, s22  }
0x183: {  	[tilespmem:s23], [sflag:$0x1] =	stream.linear.gather [hbm4b:s1+s2], $0x80, $0x38;
	[tilespmem:$0x10400] =	vst v63  }
0x184: {  	s24 =	sadd.s32 $0x1380, s14;
	s26 =	simm.s32 $0x1;
	s25 =	sadd.s32 s4, s5  }
0x185: {  	[tilespmem:s24], [sflag:$0x1] =	stream.linear.gather [hbm4b:s25+s2], $0x80, $0x38;
	[tilespmem:$0x10400] =	vst v63  }
0x186: {  	_ =	swait.ge [sflag:s26], $0x10000  }
0x187: {  	s29 =	simm.s32 $0x400;
	[sflag:s26] =	ssyncset.done $0x0  }
0x188: {  	s5 =	simm.s32 $0x2;
	s28 =	rddreg [dreg:$0x17];
	[sflag:s26] =	ssyncadd.s32 $0xFFFF0000  }
0x189: {  	[hbm4b:s28+s2] =	stream.linear.scatter [tilespmem:s29], [sflag:$0x2], $0x10000, $0x38;
	[tilespmem:$0x10400] =	vst v63  }
0x18a: {  	_ =	swait.ge [sflag:s5], $0x10000  }
0x18b: {  	s30 =	rddreg [dreg:$0x19]  }
0x18c: {  	s31 =	rddreg [dreg:$0x18];
	s1 =	sadd.s32 $0x1, s30  }
0x18d: {  	p0 =	sne.s32 s1, s31  }
.Ltmp2:
0x18e: {  	_ = 	snop;
	(pc) =	sbr.rel @p0 .LBB2_1-.Ltmp2, $3  }
0x18f: {  	_ =	sdelay $0x1  }
0x190: {  	[sflag:s5] =	ssyncset.done $0x0  }
0x191: {  	[sflag:s5] =	ssyncadd.s32 $0xFFFF0000  }
0x192: {  	_ =	sfence.sel $0x180000  }
0x193: {  	[bflag:$0x0] =	sbarrier.arrive $0xFFFF  }
0x194: {  	_ =	strace $0x90000047  }
0x195: {  	s0 =	stileid.u32;
	[bflag:$0x2] =	sbarrier.arrive $0xFFFF  }
0x196: {  	p0 =	sne.s32 s0, $0x0;
	s0 =	rddreg [dreg:$0x1]  }
0x197: {  	s0 =	sadd.s32 @!p0 $0x100000, s0  }
0x198: {  	[sflag:s0] =	ssyncadd.tile.s32 @!p0 $0x1;
	_ =	shalt  }
.Lfunc_end2:
_tile_overlayer_lowered:
.L_overlay_start_2:
0x199: {  	(tag) =	ssettag $0x2  }
0x19a: {  	s0 =	rddreg [dreg:$0x0];
	s2 =	stileid.u32  }
0x19b: {  	s1 =	rddreg [dreg:$0x1];
	p0 =	sne.s32 s2, $0x0  }
0x19c: {  	s3 =	rddreg [dreg:$0x2];
	[bflag:$0x3] =	sbarrier.arrive $0xFFFF;
	s2 =	simm.s32 @!p0 $0x1C02  }
0x19d: {  	[timem:s3], [sflag:s2] =	dma.local @!p0 [hbm:s0], s1  }
0x19e: {  	s0 =	simm.s32 @!p0 $0x2  }
0x19f: {  	_ =	swait.ge @!p0 [sflag:s0], s1  }
0x1a0: {  	s1 =	ssub.s32 @!p0 $0x0, s1;
	[sflag:s0] =	ssyncset.done @!p0 $0x0  }
0x1a1: {  	[sflag:s0] =	ssyncadd.s32 @!p0 s1  }
0x1a2: {  	[bflag:$0x3] =	sbarrier.arrive $0xFFFF  }
0x1a3: {  	_ =	shalt  }

</sc_bundles>
